<compile_context>
chip_gen: v7x
topology: tpu7x:2x2x1
jax: 0.10.2.dev20260603
libtpu: 0.0.44.dev20260713+nightly
codegen_flags: <defaults>
</compile_context>

<pallas_src>
import functools

import jax
import jax.numpy as jnp
from jax import lax
from jax.experimental import pallas as pl
from jax.experimental.pallas import tpu as pltpu
from jax.experimental.pallas import tpu_sc as plsc

N = 10000
E = 160000
F = 256
H = 128
NC = 2
NS = 16
NW = NC * NS
C = 128
NCHUNK = E // C
NPAD = 10240
RPS = N // NS
B = 1000

EPS = E // NS
CPSP = 80
CPSX = CPSP + 1
PADE = CPSP * C - EPS
NTR = 8


def _mesh():
    return plsc.VectorSubcoreMesh(
        core_axis_name="c", subcore_axis_name="s",
        num_cores=NC, num_subcores=NS)



def _sc_hist(eidx):
    HCH = CPSP // NC

    @functools.partial(
        pl.kernel,
        out_type=jax.ShapeDtypeStruct((NC, NPAD), jnp.float32),
        mesh=_mesh(),
        scratch_types=[
            pltpu.VMEM_SHARED((NPAD,), jnp.float32),
            pltpu.VMEM((HCH, 1, C), jnp.int32),
            pltpu.VMEM((C,), jnp.float32),
            pltpu.VMEM((NPAD // NS,), jnp.float32),
            pltpu.SemaphoreType.DMA,
        ],
    )
    def hist(eidx_hbm, out_hbm, counts, didx, ones_v, zeros_v, sem):
        c = lax.axis_index("c")
        s = lax.axis_index("s")
        zero16 = jnp.zeros((16,), jnp.float32)
        one16 = jnp.ones((16,), jnp.float32)

        pltpu.sync_copy(eidx_hbm.at[2, s, pl.ds(c * HCH, HCH)], didx)

        def ob(i, _):
            ones_v[pl.ds(i * 16, 16)] = one16
            return 0
        lax.fori_loop(0, C // 16, ob, 0)

        def zb(i, _):
            zeros_v[pl.ds(i * 16, 16)] = zero16
            return 0
        lax.fori_loop(0, (NPAD // NS) // 16, zb, 0)

        seg = NPAD // NS
        pltpu.sync_copy(zeros_v, counts.at[pl.ds(s * seg, seg)])
        plsc.subcore_barrier()

        def body(t, _):
            pltpu.async_copy(ones_v, counts.at[didx.at[t, 0]], sem, add=True)
            return 0
        lax.fori_loop(0, HCH, body, 0)

        def drain(t, _):
            pltpu.make_async_copy(ones_v, counts.at[pl.ds(0, C)], sem).wait()
            return 0
        lax.fori_loop(0, HCH, drain, 0)

        plsc.subcore_barrier()
        pltpu.sync_copy(counts.at[pl.ds(s * seg, seg)],
                        out_hbm.at[c, pl.ds(s * seg, seg)])

    return hist(eidx)



def _sc_aggregate(table2n, eidx):

    @functools.partial(
        pl.kernel,
        out_type=jax.ShapeDtypeStruct((NC, N, H), jnp.float32),
        mesh=_mesh(),
        scratch_types=[
            pltpu.VMEM_SHARED((N + NTR, H), jnp.float32),
            pltpu.VMEM((CPSX, 1, C), jnp.int32),
            [pltpu.VMEM((C,), jnp.int32) for _ in range(2)],
            [pltpu.VMEM((C, H), jnp.float32) for _ in range(2)],
            [pltpu.SemaphoreType.DMA for _ in range(2)],
            [pltpu.SemaphoreType.DMA for _ in range(2)],
            [pltpu.SemaphoreType.DMA for _ in range(2)],
            pltpu.SemaphoreType.DMA,
        ],
    )
    def agg(tab_hbm, eidx_hbm, out_hbm, accum, didx, gidx, rows,
            sem_g, sem_s, sem_i, sem_d):
        c = lax.axis_index("c")
        s = lax.axis_index("s")
        zero16 = jnp.zeros((16,), jnp.float32)

        pltpu.async_copy(eidx_hbm.at[2, s], didx, sem_d)

        def fire_i(k, t):
            pltpu.async_copy(eidx_hbm.at[c, s, t, 0], gidx[k], sem_i[k])

        def wait_i(k):
            pltpu.make_async_copy(eidx_hbm.at[c, s, 0, 0], gidx[k],
                                  sem_i[k]).wait()

        def fire_g(k):
            pltpu.async_copy(tab_hbm.at[gidx[k]], rows[k], sem_g[k])

        def wait_g(k):
            pltpu.make_async_copy(tab_hbm.at[pl.ds(0, C)], rows[k],
                                  sem_g[k]).wait()

        def fire_s(k, t):
            pltpu.async_copy(rows[k], accum.at[didx.at[t, 0]], sem_s[k],
                             add=True)

        def wait_s(k):
            pltpu.make_async_copy(rows[k], accum.at[pl.ds(0, C)],
                                  sem_s[k]).wait()

        fire_i(0, 0)
        fire_i(1, 1)
        wait_i(1)
        fire_g(1)

        def zb(t, _):
            rows[0][t // (H // 16), pl.ds((t % (H // 16)) * 16, 16)] = zero16
            return 0
        lax.fori_loop(0, C * (H // 16), zb, 0)
        r0 = s * RPS
        for q in range(RPS // C):
            pltpu.sync_copy(rows[0], accum.at[pl.ds(r0 + q * C, C)])
        pltpu.sync_copy(rows[0].at[pl.ds(0, RPS % C)],
                        accum.at[pl.ds(r0 + (RPS // C) * C, RPS % C)])
        @pl.when(s == 0)
        def _ztrash():
            pltpu.sync_copy(rows[0].at[pl.ds(0, NTR)],
                            accum.at[pl.ds(N, NTR)])

        wait_i(0)
        fire_g(0)
        pltpu.make_async_copy(eidx_hbm.at[2, s], didx, sem_d).wait()
        plsc.subcore_barrier()
        wait_g(0)
        fire_s(0, 0)
        fire_i(0, 2)

        def step(t, k):
            wait_i(k)
            wait_s(k)
            fire_g(k)
            wait_g(1 - k)
            fire_s(1 - k, t - 1)
            fire_i(1 - k, t + 1)

        def body(i, _):
            t = 2 * i + 2
            step(t, 0)
            step(t + 1, 1)
            return 0
        lax.fori_loop(0, (CPSP - 2) // 2, body, 0)

        wait_g(1)
        fire_s(1, CPSP - 1)
        wait_s(0)
        wait_s(1)
        wait_i(0)

        plsc.subcore_barrier()
        o0 = s * 640

        @pl.when(s < NS - 1)
        def _copy_main():
            pltpu.sync_copy(accum.at[pl.ds(o0, 640)],
                            out_hbm.at[c, pl.ds(o0, 640)])

        @pl.when(s == NS - 1)
        def _copy_tail():
            pltpu.sync_copy(accum.at[pl.ds(o0, N - 640 * (NS - 1))],
                            out_hbm.at[c, pl.ds(o0, N - 640 * (NS - 1))])

    return agg(table2n, eidx)



def _tc_scale(countT, x):

    def body(cnt_ref, x_ref, xs_ref, dis_ref, inv_ref):
        deg = cnt_ref[:, 0:1] + cnt_ref[:, 1:2] + 1.0
        dis = lax.rsqrt(deg)
        dis_ref[...] = dis
        inv_ref[...] = 1.0 / deg
        xs = x_ref[...] * dis
        xs_ref[0] = xs[:, :H]
        xs_ref[1] = xs[:, H:]

    return pl.pallas_call(
        body,
        grid=(N // B,),
        in_specs=[
            pl.BlockSpec((B, 2), lambda i: (i, 0)),
            pl.BlockSpec((B, F), lambda i: (i, 0)),
        ],
        out_specs=[
            pl.BlockSpec((2, B, H), lambda i: (0, i, 0)),
            pl.BlockSpec((B, 1), lambda i: (i, 0)),
            pl.BlockSpec((B, 1), lambda i: (i, 0)),
        ],
        out_shape=[
            jax.ShapeDtypeStruct((2, N, H), jnp.float32),
            jax.ShapeDtypeStruct((N, 1), jnp.float32),
            jax.ShapeDtypeStruct((N, 1), jnp.float32),
        ],
    )(countT, x)


def _tc_mlp(raw1, x, dis, inv, W1, b1, W2):

    def body(raw_ref, x_ref, dis_ref, inv_ref, W1_ref, b1_ref, W2_ref,
             z_ref, zs_ref):
        dis = dis_ref[...]
        agg = (jnp.concatenate([raw_ref[0], raw_ref[1]], axis=1) * dis
               + x_ref[...] * inv_ref[...])
        h = jnp.maximum(
            jnp.dot(agg, W1_ref[...], preferred_element_type=jnp.float32)
            + b1_ref[...], 0.0)
        z = jnp.dot(h, W2_ref[...], preferred_element_type=jnp.float32)
        z_ref[...] = z
        zs = z * dis
        zs_ref[0] = zs[:, :H]
        zs_ref[1] = zs[:, H:]

    return pl.pallas_call(
        body,
        grid=(N // B,),
        in_specs=[
            pl.BlockSpec((2, B, H), lambda i: (0, i, 0)),
            pl.BlockSpec((B, F), lambda i: (i, 0)),
            pl.BlockSpec((B, 1), lambda i: (i, 0)),
            pl.BlockSpec((B, 1), lambda i: (i, 0)),
            pl.BlockSpec((F, 512), lambda i: (0, 0)),
            pl.BlockSpec((1, 512), lambda i: (0, 0)),
            pl.BlockSpec((512, F), lambda i: (0, 0)),
        ],
        out_specs=[
            pl.BlockSpec((B, F), lambda i: (i, 0)),
            pl.BlockSpec((2, B, H), lambda i: (0, i, 0)),
        ],
        out_shape=[
            jax.ShapeDtypeStruct((N, F), jnp.float32),
            jax.ShapeDtypeStruct((2, N, H), jnp.float32),
        ],
    )(raw1, x, dis, inv, W1, b1, W2)


def _tc_decode(raw2, z, dis, inv, b2, Wd, bd):

    def body(raw_ref, z_ref, dis_ref, inv_ref, b2_ref, Wd_ref, bd_ref,
             lp_ref, emb_ref):
        out2 = (jnp.concatenate([raw_ref[0], raw_ref[1]], axis=1)
                * dis_ref[...] + z_ref[...] * inv_ref[...] + b2_ref[...])
        nrm = jnp.sqrt(jnp.sum(out2 * out2, axis=1, keepdims=True))
        emb = out2 / (nrm + 1e-12)
        emb_ref[...] = emb
        logits = (jnp.dot(emb, Wd_ref[...], preferred_element_type=jnp.float32)
                  + bd_ref[...])
        m = jnp.max(logits, axis=1, keepdims=True)
        lse = m + jnp.log(jnp.sum(jnp.exp(logits - m), axis=1, keepdims=True))
        lp_ref[...] = logits - lse

    return pl.pallas_call(
        body,
        grid=(N // B,),
        in_specs=[
            pl.BlockSpec((2, B, H), lambda i: (0, i, 0)),
            pl.BlockSpec((B, F), lambda i: (i, 0)),
            pl.BlockSpec((B, 1), lambda i: (i, 0)),
            pl.BlockSpec((B, 1), lambda i: (i, 0)),
            pl.BlockSpec((1, F), lambda i: (0, 0)),
            pl.BlockSpec((F, 128), lambda i: (0, 0)),
            pl.BlockSpec((1, 128), lambda i: (0, 0)),
        ],
        out_specs=[
            pl.BlockSpec((B, 128), lambda i: (i, 0)),
            pl.BlockSpec((B, F), lambda i: (i, 0)),
        ],
        out_shape=[
            jax.ShapeDtypeStruct((N, 128), jnp.float32),
            jax.ShapeDtypeStruct((N, F), jnp.float32),
        ],
    )(raw2, z, dis, inv, b2, Wd, bd)



def kernel(x, edge_index, W1, b1, W2, b2, Wd, bd):
    npad = CPSX * C - EPS
    srcr = edge_index[0].reshape(NS, EPS)
    dstr = edge_index[1].reshape(NS, EPS)
    gpad = jnp.broadcast_to((jnp.arange(npad, dtype=jnp.int32) * 131) % N,
                            (NS, npad))
    dpad = jnp.broadcast_to(N + (jnp.arange(npad, dtype=jnp.int32) % NTR),
                            (NS, npad))
    g0 = jnp.concatenate([srcr, gpad], axis=1)
    g1 = jnp.concatenate([srcr + N, gpad], axis=1)
    dd = jnp.concatenate([dstr, dpad], axis=1)
    eidx = jnp.stack([g0, g1, dd]).reshape(3, NS, CPSX, 1, C)
    counts = _sc_hist(eidx)
    countT = jnp.transpose(counts[:, :N])
    xs_cat, dis, inv = _tc_scale(countT, x)
    raw1 = _sc_aggregate(xs_cat.reshape(2 * N, H), eidx)
    z, zs_cat = _tc_mlp(raw1, x, dis, inv, W1, b1.reshape(1, -1), W2)
    raw2 = _sc_aggregate(zs_cat.reshape(2 * N, H), eidx)
    lp, emb = _tc_decode(raw2, z, dis, inv, b2.reshape(1, -1), Wd,
                         bd.reshape(1, -1))
    return (lp, emb)

# --- scband reference (transcript-rebuilt; emitter-appended) ---
"""Pipeline reference for scband-prot-di-gcnencoder-decoder-minibatch-15083925144219 (READ-ONLY COPY).

The authoritative reference and input builder live on the scoring server;
editing this copy changes nothing except your own understanding.
"""

import jax, jax.numpy as jnp
import numpy as np

N_NODES = 10000


def gcn_conv(x, edge_index, W, b, num_nodes):
    # PyG GCNConv: add self-loops, symmetric normalization, linear transform, scatter-add, bias
    src = edge_index[0]
    dst = edge_index[1]
    loop = jnp.arange(num_nodes, dtype=edge_index.dtype)
    src = jnp.concatenate([src, loop])
    dst = jnp.concatenate([dst, loop])
    ew = jnp.ones(src.shape[0], dtype=x.dtype)
    deg = jax.ops.segment_sum(ew, dst, num_segments=num_nodes)
    deg_inv_sqrt = jnp.where(deg > 0, jax.lax.rsqrt(deg), 0.0)
    norm = deg_inv_sqrt[src] * deg_inv_sqrt[dst]
    xw = x @ W
    msgs = xw[src] * norm[:, None]
    out = jax.ops.segment_sum(msgs, dst, num_segments=num_nodes)
    return out + b


def setup_inputs(seed: int = 0) -> dict:
    key = jax.random.key(seed)
    ks = jax.random.split(key, 9)
    x = jax.random.normal(ks[0], (N_NODES, 256), dtype=jnp.float32)
    edge_index = jax.random.randint(ks[1], (2, 160000), 0, N_NODES, dtype=jnp.int64 if jax.config.jax_enable_x64 else jnp.int32).astype(jnp.int32)
    W1 = jax.random.normal(ks[2], (256, 512), dtype=jnp.float32) * (1.0 / np.sqrt(256))
    b1 = jnp.zeros((512,), dtype=jnp.float32)
    W2 = jax.random.normal(ks[3], (512, 256), dtype=jnp.float32) * (1.0 / np.sqrt(512))
    b2 = jnp.zeros((256,), dtype=jnp.float32)
    Wd = jax.random.normal(ks[4], (256, 128), dtype=jnp.float32) * (1.0 / np.sqrt(256))
    bd = jnp.zeros((128,), dtype=jnp.float32)
    return {"x": x, "edge_index": edge_index, "W1": W1, "b1": b1, "W2": W2, "b2": b2, "Wd": Wd, "bd": bd}


def reference(x, edge_index, W1, b1, W2, b2, Wd, bd):
    # Eval-mode forward: dropout is identity
    h = jax.nn.relu(gcn_conv(x, edge_index, W1, b1, N_NODES))
    x_final_gcn = gcn_conv(h, edge_index, W2, b2, N_NODES)
    norm = jnp.linalg.norm(x_final_gcn, ord=2, axis=1, keepdims=True)
    final_embeddings = x_final_gcn / (norm + 1e-12)
    task_logits = final_embeddings @ Wd + bd
    log_probs = jax.nn.log_softmax(task_logits, axis=-1)
    return (log_probs, final_embeddings)

if __name__ == "__main__":
    import jax
    _d = setup_inputs()
    print(jax.jit(kernel)(*tuple(_d.values())))

</pallas_src>

<mosaic_0001>
#map = affine_map<(d0, d1) -> (0, 0, 0, 0, 0)>
#map1 = affine_map<(d0, d1) -> (0, 0)>
module attributes {stable_mosaic.version = 14 : i64} {
  func.func @hist(%arg0: i32, %arg1: i32, %arg2: memref<3x16x81x1x128xi32, #tpu.memory_space<hbm>>, %arg3: memref<2x10240xf32, #tpu.memory_space<hbm>>, %arg4: memref<10240xf32, #tpu.memory_space<vmem_shared>>, %arg5: memref<40x1x128xi32, #tpu.memory_space<vmem>>, %arg6: memref<128xf32, #tpu.memory_space<vmem>>, %arg7: memref<640xf32, #tpu.memory_space<vmem>>, %arg8: memref<!tpu.dma_semaphore, #tpu.memory_space<semaphore_mem>>) attributes {dimension_semantics = [#tpu.dimension_semantics<core_parallel>, #tpu.dimension_semantics<subcore_parallel>], iteration_bounds = array<i64: 2, 16>, scalar_prefetch = 0 : i64, scratch_operands = 5 : i64, tpu.core_type = #tpu.core_type<sc_vector_subcore>, window_params = [{transform_indices = #map}, {transform_indices = #map1}]} {
    %broadcast_in_dim3A = arith.constant 0.000000e+00 : f32
    %broadcast_in_dim3A_0 = vector.broadcast %broadcast_in_dim3A : f32 to vector<16xf32>
    %broadcast_in_dim3A_1 = arith.constant 1.000000e+00 : f32
    %broadcast_in_dim3A_2 = vector.broadcast %broadcast_in_dim3A_1 : f32 to vector<16xf32>
    %mul3A = arith.constant 40 : i32
    %mul3A_3 = arith.muli %arg0, %mul3A : i32
    %run_scoped3A = arith.constant 2 : i32
    "tpu.region"() ({
      %run_scoped3A_38 = tpu.sem_alloc : memref<!tpu.dma_semaphore, #tpu.memory_space<semaphore_mem>>
      %dma_start3A = arith.constant 0 : i32
      %dma_start3A_39 = arith.constant 0 : i32
      %dma_start3A_40 = tpu.memref_slice %arg2[%run_scoped3A, %arg1, %mul3A_3, %dma_start3A, %dma_start3A_39] : memref<3x16x81x1x128xi32, #tpu.memory_space<hbm>> -> memref<1x1x40x1x128xi32, #tpu.memory_space<hbm>>
      %dma_start3A_41 = tpu.memref_squeeze %dma_start3A_40 : memref<1x1x40x1x128xi32, #tpu.memory_space<hbm>> -> memref<40x1x128xi32, #tpu.memory_space<hbm>>
      %dma_start3A_42 = arith.constant 0 : i32
      %dma_start3A_43 = arith.constant 0 : i32
      %dma_start3A_44 = tpu.memref_slice %arg2[%run_scoped3A, %arg1, %mul3A_3, %dma_start3A_42, %dma_start3A_43] : memref<3x16x81x1x128xi32, #tpu.memory_space<hbm>> -> memref<1x1x40x1x128xi32, #tpu.memory_space<hbm>>
      %dma_start3A_45 = tpu.memref_squeeze %dma_start3A_44 : memref<1x1x40x1x128xi32, #tpu.memory_space<hbm>> -> memref<40x1x128xi32, #tpu.memory_space<hbm>>
      tpu.enqueue_dma source(%dma_start3A_45 : memref<40x1x128xi32, #tpu.memory_space<hbm>>) target(%arg5 : memref<40x1x128xi32, #tpu.memory_space<vmem>>) target_semaphore(%run_scoped3A_38 : memref<!tpu.dma_semaphore, #tpu.memory_space<semaphore_mem>>)
      %dma_wait3A = arith.constant 0 : i32
      %dma_wait3A_46 = arith.constant 0 : i32
      %dma_wait3A_47 = tpu.memref_slice %arg2[%run_scoped3A, %arg1, %mul3A_3, %dma_wait3A, %dma_wait3A_46] : memref<3x16x81x1x128xi32, #tpu.memory_space<hbm>> -> memref<1x1x40x1x128xi32, #tpu.memory_space<hbm>>
      %dma_wait3A_48 = tpu.memref_squeeze %dma_wait3A_47 : memref<1x1x40x1x128xi32, #tpu.memory_space<hbm>> -> memref<40x1x128xi32, #tpu.memory_space<hbm>>
      %dma_wait3A_49 = arith.constant 0 : i32
      %dma_wait3A_50 = arith.constant 0 : i32
      %dma_wait3A_51 = tpu.memref_slice %arg2[%run_scoped3A, %arg1, %mul3A_3, %dma_wait3A_49, %dma_wait3A_50] : memref<3x16x81x1x128xi32, #tpu.memory_space<hbm>> -> memref<1x1x40x1x128xi32, #tpu.memory_space<hbm>>
      %dma_wait3A_52 = tpu.memref_squeeze %dma_wait3A_51 : memref<1x1x40x1x128xi32, #tpu.memory_space<hbm>> -> memref<40x1x128xi32, #tpu.memory_space<hbm>>
      tpu.wait_dma2 semaphore(%run_scoped3A_38 : memref<!tpu.dma_semaphore, #tpu.memory_space<semaphore_mem>>) src(%dma_wait3A_52 : memref<40x1x128xi32, #tpu.memory_space<hbm>>) dst(%arg5 : memref<40x1x128xi32, #tpu.memory_space<vmem>>)
      tpu.yield
    }) : () -> ()
    %scan3A = arith.constant 0 : i32
    %scan3A_4 = arith.constant 0 : i32
    %scan3A_5 = arith.constant 8 : i32
    %scan3A_6 = arith.addi %scan3A_4, %scan3A_5 : i32
    %scan3A_7 = arith.constant 1 : i32
    %scan3A_8 = scf.for %scan3A_38 = %scan3A_4 to %scan3A_6 step %scan3A_7 iter_args(%scan3A_39 = %scan3A) -> (i32)  : i32 {
      %mul3A_40 = arith.constant 16 : i32
      %mul3A_41 = arith.muli %scan3A_38, %mul3A_40 : i32
      %swap3A = arith.index_cast %mul3A_41 : i32 to index
      %swap3A_42 = tpu.vector_load %arg6[%swap3A] {strides = array<i32>} : memref<128xf32, #tpu.memory_space<vmem>>, vector<16xf32>,
      %swap3A_43 = vector.shape_cast %swap3A_42 : vector<16xf32> to vector<16xf32>
      %swap3A_44 = vector.shape_cast %broadcast_in_dim3A_2 : vector<16xf32> to vector<16xf32>
      tpu.vector_store %arg6[%swap3A], %swap3A_44 {strides = array<i32>} : memref<128xf32, #tpu.memory_space<vmem>>, vector<16xf32>,
      %scan3A_45 = arith.constant 0 : i32
      scf.yield %scan3A_45 : i32
    }
    %scan3A_9 = arith.constant 8 : i32
    %scan3A_10 = arith.constant 0 : i32
    %scan3A_11 = arith.constant 0 : i32
    %scan3A_12 = arith.constant 40 : i32
    %scan3A_13 = arith.addi %scan3A_11, %scan3A_12 : i32
    %scan3A_14 = arith.constant 1 : i32
    %scan3A_15 = scf.for %scan3A_38 = %scan3A_11 to %scan3A_13 step %scan3A_14 iter_args(%scan3A_39 = %scan3A_10) -> (i32)  : i32 {
      %mul3A_40 = arith.constant 16 : i32
      %mul3A_41 = arith.muli %scan3A_38, %mul3A_40 : i32
      %swap3A = arith.index_cast %mul3A_41 : i32 to index
      %swap3A_42 = tpu.vector_load %arg7[%swap3A] {strides = array<i32>} : memref<640xf32, #tpu.memory_space<vmem>>, vector<16xf32>,
      %swap3A_43 = vector.shape_cast %swap3A_42 : vector<16xf32> to vector<16xf32>
      %swap3A_44 = vector.shape_cast %broadcast_in_dim3A_0 : vector<16xf32> to vector<16xf32>
      tpu.vector_store %arg7[%swap3A], %swap3A_44 {strides = array<i32>} : memref<640xf32, #tpu.memory_space<vmem>>, vector<16xf32>,
      %scan3A_45 = arith.constant 0 : i32
      scf.yield %scan3A_45 : i32
    }
    %scan3A_16 = arith.constant 40 : i32
    %mul3A_17 = arith.constant 640 : i32
    %mul3A_18 = arith.muli %arg1, %mul3A_17 : i32
    "tpu.region"() ({
      %run_scoped3A_38 = tpu.sem_alloc : memref<!tpu.dma_semaphore, #tpu.memory_space<semaphore_mem>>
      %dma_start3A = tpu.memref_slice %arg4[%mul3A_18] : memref<10240xf32, #tpu.memory_space<vmem_shared>> -> memref<640xf32, #tpu.memory_space<vmem_shared>>
      %dma_start3A_39 = tpu.memref_slice %arg4[%mul3A_18] : memref<10240xf32, #tpu.memory_space<vmem_shared>> -> memref<640xf32, #tpu.memory_space<vmem_shared>>
      tpu.enqueue_dma source(%arg7 : memref<640xf32, #tpu.memory_space<vmem>>) target(%dma_start3A_39 : memref<640xf32, #tpu.memory_space<vmem_shared>>) target_semaphore(%run_scoped3A_38 : memref<!tpu.dma_semaphore, #tpu.memory_space<semaphore_mem>>)
      %dma_wait3A = tpu.memref_slice %arg4[%mul3A_18] : memref<10240xf32, #tpu.memory_space<vmem_shared>> -> memref<640xf32, #tpu.memory_space<vmem_shared>>
      %dma_wait3A_40 = tpu.memref_slice %arg4[%mul3A_18] : memref<10240xf32, #tpu.memory_space<vmem_shared>> -> memref<640xf32, #tpu.memory_space<vmem_shared>>
      tpu.wait_dma2 semaphore(%run_scoped3A_38 : memref<!tpu.dma_semaphore, #tpu.memory_space<semaphore_mem>>) src(%arg7 : memref<640xf32, #tpu.memory_space<vmem>>) dst(%dma_wait3A_40 : memref<640xf32, #tpu.memory_space<vmem_shared>>)
      tpu.yield
    }) : () -> ()
    %barrier3A = arith.constant 0 : index
    tpu.barrier barrier_id(%barrier3A)
    %scan3A_19 = arith.constant 0 : i32
    %scan3A_20 = arith.constant 0 : i32
    %scan3A_21 = arith.constant 40 : i32
    %scan3A_22 = arith.addi %scan3A_20, %scan3A_21 : i32
    %scan3A_23 = arith.constant 1 : i32
    %scan3A_24 = scf.for %scan3A_38 = %scan3A_20 to %scan3A_22 step %scan3A_23 iter_args(%scan3A_39 = %scan3A_19) -> (i32)  : i32 {
      %dma_start3A = arith.constant 0 : i32
      %dma_start3A_40 = arith.constant 0 : i32
      %dma_start3A_41 = tpu.memref_slice %arg5[%scan3A_38, %dma_start3A, %dma_start3A_40] : memref<40x1x128xi32, #tpu.memory_space<vmem>> -> memref<1x1x128xi32, #tpu.memory_space<vmem>>
      %dma_start3A_42 = tpu.memref_squeeze %dma_start3A_41 : memref<1x1x128xi32, #tpu.memory_space<vmem>> -> memref<128xi32, #tpu.memory_space<vmem>>
      %dma_start3A_43 = arith.constant 0 : i32
      %dma_start3A_44 = tpu.memref_slice %arg4[%dma_start3A_43] : memref<10240xf32, #tpu.memory_space<vmem_shared>> -> memref<10240xf32, #tpu.memory_space<vmem_shared>>
      tpu.enqueue_indirect_dma source(%arg6 : memref<128xf32, #tpu.memory_space<vmem>>) target(%dma_start3A_44 : memref<10240xf32, #tpu.memory_space<vmem_shared>>) offsets(%dma_start3A_42 : memref<128xi32, #tpu.memory_space<vmem>>) semaphore(%arg8 : memref<!tpu.dma_semaphore, #tpu.memory_space<semaphore_mem>>) {add = true}
      %scan3A_45 = arith.constant 0 : i32
      scf.yield %scan3A_45 : i32
    }
    %scan3A_25 = arith.constant 40 : i32
    %scan3A_26 = arith.constant 0 : i32
    %scan3A_27 = arith.constant 0 : i32
    %scan3A_28 = arith.constant 40 : i32
    %scan3A_29 = arith.addi %scan3A_27, %scan3A_28 : i32
    %scan3A_30 = arith.constant 1 : i32
    %scan3A_31 = scf.for %scan3A_38 = %scan3A_27 to %scan3A_29 step %scan3A_30 iter_args(%scan3A_39 = %scan3A_26) -> (i32)  : i32 {
      %dma_wait3A = arith.constant 0 : i32
      %dma_wait3A_40 = tpu.memref_slice %arg4[%dma_wait3A] : memref<10240xf32, #tpu.memory_space<vmem_shared>> -> memref<128xf32, #tpu.memory_space<vmem_shared>>
      %dma_wait3A_41 = arith.constant 0 : i32
      %dma_wait3A_42 = tpu.memref_slice %arg4[%dma_wait3A_41] : memref<10240xf32, #tpu.memory_space<vmem_shared>> -> memref<128xf32, #tpu.memory_space<vmem_shared>>
      tpu.wait_dma2 semaphore(%arg8 : memref<!tpu.dma_semaphore, #tpu.memory_space<semaphore_mem>>) src(%arg6 : memref<128xf32, #tpu.memory_space<vmem>>) dst(%dma_wait3A_42 : memref<128xf32, #tpu.memory_space<vmem_shared>>)
      %scan3A_43 = arith.constant 0 : i32
      scf.yield %scan3A_43 : i32
    }
    %scan3A_32 = arith.constant 40 : i32
    %barrier3A_33 = arith.constant 0 : index
    tpu.barrier barrier_id(%barrier3A_33)
    %mul3A_34 = arith.constant 640 : i32
    %mul3A_35 = arith.muli %arg1, %mul3A_34 : i32
    %mul3A_36 = arith.constant 640 : i32
    %mul3A_37 = arith.muli %arg1, %mul3A_36 : i32
    "tpu.region"() ({
      %run_scoped3A_38 = tpu.sem_alloc : memref<!tpu.dma_semaphore, #tpu.memory_space<semaphore_mem>>
      %dma_start3A = tpu.memref_slice %arg3[%arg0, %mul3A_37] : memref<2x10240xf32, #tpu.memory_space<hbm>> -> memref<1x640xf32, #tpu.memory_space<hbm>>
      %dma_start3A_39 = tpu.memref_squeeze %dma_start3A : memref<1x640xf32, #tpu.memory_space<hbm>> -> memref<640xf32, #tpu.memory_space<hbm>>
      %dma_start3A_40 = tpu.memref_slice %arg4[%mul3A_35] : memref<10240xf32, #tpu.memory_space<vmem_shared>> -> memref<640xf32, #tpu.memory_space<vmem_shared>>
      tpu.enqueue_dma source(%dma_start3A_40 : memref<640xf32, #tpu.memory_space<vmem_shared>>) target(%dma_start3A_39 : memref<640xf32, #tpu.memory_space<hbm>>) target_semaphore(%run_scoped3A_38 : memref<!tpu.dma_semaphore, #tpu.memory_space<semaphore_mem>>)
      %dma_wait3A = tpu.memref_slice %arg3[%arg0, %mul3A_37] : memref<2x10240xf32, #tpu.memory_space<hbm>> -> memref<1x640xf32, #tpu.memory_space<hbm>>
      %dma_wait3A_41 = tpu.memref_squeeze %dma_wait3A : memref<1x640xf32, #tpu.memory_space<hbm>> -> memref<640xf32, #tpu.memory_space<hbm>>
      %dma_wait3A_42 = tpu.memref_slice %arg4[%mul3A_35] : memref<10240xf32, #tpu.memory_space<vmem_shared>> -> memref<640xf32, #tpu.memory_space<vmem_shared>>
      tpu.wait_dma2 semaphore(%run_scoped3A_38 : memref<!tpu.dma_semaphore, #tpu.memory_space<semaphore_mem>>) src(%dma_wait3A_42 : memref<640xf32, #tpu.memory_space<vmem_shared>>) dst(%dma_wait3A_41 : memref<640xf32, #tpu.memory_space<hbm>>)
      tpu.yield
    }) : () -> ()
    return
  }
}

#map = affine_map<(d0, d1) -> (0, 0)>
#map1 = affine_map<(d0, d1) -> (0, 0, 0, 0, 0)>
#map2 = affine_map<(d0, d1) -> (0, 0, 0)>
module attributes {stable_mosaic.version = 14 : i64} {
  func.func @agg(%arg0: i32, %arg1: i32, %arg2: memref<20000x128xf32, #tpu.memory_space<hbm>>, %arg3: memref<3x16x81x1x128xi32, #tpu.memory_space<hbm>>, %arg4: memref<2x10000x128xf32, #tpu.memory_space<hbm>>, %arg5: memref<10008x128xf32, #tpu.memory_space<vmem_shared>>, %arg6: memref<81x1x128xi32, #tpu.memory_space<vmem>>, %arg7: memref<128xi32, #tpu.memory_space<vmem>>, %arg8: memref<128xi32, #tpu.memory_space<vmem>>, %arg9: memref<128x128xf32, #tpu.memory_space<vmem>>, %arg10: memref<128x128xf32, #tpu.memory_space<vmem>>, %arg11: memref<!tpu.dma_semaphore, #tpu.memory_space<semaphore_mem>>, %arg12: memref<!tpu.dma_semaphore, #tpu.memory_space<semaphore_mem>>, %arg13: memref<!tpu.dma_semaphore, #tpu.memory_space<semaphore_mem>>, %arg14: memref<!tpu.dma_semaphore, #tpu.memory_space<semaphore_mem>>, %arg15: memref<!tpu.dma_semaphore, #tpu.memory_space<semaphore_mem>>, %arg16: memref<!tpu.dma_semaphore, #tpu.memory_space<semaphore_mem>>, %arg17: memref<!tpu.dma_semaphore, #tpu.memory_space<semaphore_mem>>) attributes {dimension_semantics = [#tpu.dimension_semantics<core_parallel>, #tpu.dimension_semantics<subcore_parallel>], iteration_bounds = array<i64: 2, 16>, scalar_prefetch = 0 : i64, scratch_operands = 13 : i64, tpu.core_type = #tpu.core_type<sc_vector_subcore>, window_params = [{transform_indices = #map}, {transform_indices = #map1}, {transform_indices = #map2}]} {
    %broadcast_in_dim3A = arith.constant 0.000000e+00 : f32
    %broadcast_in_dim3A_0 = vector.broadcast %broadcast_in_dim3A : f32 to vector<16xf32>
    %dma_start3A = arith.constant 2 : i32
    %dma_start3A_1 = arith.constant 0 : i32
    %dma_start3A_2 = arith.constant 0 : i32
    %dma_start3A_3 = arith.constant 0 : i32
    %dma_start3A_4 = tpu.memref_slice %arg3[%dma_start3A, %arg1, %dma_start3A_1, %dma_start3A_2, %dma_start3A_3] : memref<3x16x81x1x128xi32, #tpu.memory_space<hbm>> -> memref<1x1x81x1x128xi32, #tpu.memory_space<hbm>>
    %dma_start3A_5 = tpu.memref_squeeze %dma_start3A_4 : memref<1x1x81x1x128xi32, #tpu.memory_space<hbm>> -> memref<81x1x128xi32, #tpu.memory_space<hbm>>
    %dma_start3A_6 = arith.constant 0 : i32
    %dma_start3A_7 = arith.constant 0 : i32
    %dma_start3A_8 = arith.constant 0 : i32
    %dma_start3A_9 = tpu.memref_slice %arg3[%dma_start3A, %arg1, %dma_start3A_6, %dma_start3A_7, %dma_start3A_8] : memref<3x16x81x1x128xi32, #tpu.memory_space<hbm>> -> memref<1x1x81x1x128xi32, #tpu.memory_space<hbm>>
    %dma_start3A_10 = tpu.memref_squeeze %dma_start3A_9 : memref<1x1x81x1x128xi32, #tpu.memory_space<hbm>> -> memref<81x1x128xi32, #tpu.memory_space<hbm>>
    tpu.enqueue_dma source(%dma_start3A_10 : memref<81x1x128xi32, #tpu.memory_space<hbm>>) target(%arg6 : memref<81x1x128xi32, #tpu.memory_space<vmem>>) target_semaphore(%arg17 : memref<!tpu.dma_semaphore, #tpu.memory_space<semaphore_mem>>)
    %dma_start3A_11 = arith.constant 0 : i32
    %dma_start3A_12 = arith.constant 0 : i32
    %dma_start3A_13 = arith.constant 0 : i32
    %dma_start3A_14 = tpu.memref_slice %arg3[%arg0, %arg1, %dma_start3A_11, %dma_start3A_12, %dma_start3A_13] : memref<3x16x81x1x128xi32, #tpu.memory_space<hbm>> -> memref<1x1x1x1x128xi32, #tpu.memory_space<hbm>>
    %dma_start3A_15 = tpu.memref_squeeze %dma_start3A_14 : memref<1x1x1x1x128xi32, #tpu.memory_space<hbm>> -> memref<128xi32, #tpu.memory_space<hbm>>
    %dma_start3A_16 = arith.constant 0 : i32
    %dma_start3A_17 = tpu.memref_slice %arg3[%arg0, %arg1, %dma_start3A_11, %dma_start3A_12, %dma_start3A_16] : memref<3x16x81x1x128xi32, #tpu.memory_space<hbm>> -> memref<1x1x1x1x128xi32, #tpu.memory_space<hbm>>
    %dma_start3A_18 = tpu.memref_squeeze %dma_start3A_17 : memref<1x1x1x1x128xi32, #tpu.memory_space<hbm>> -> memref<128xi32, #tpu.memory_space<hbm>>
    tpu.enqueue_dma source(%dma_start3A_18 : memref<128xi32, #tpu.memory_space<hbm>>) target(%arg7 : memref<128xi32, #tpu.memory_space<vmem>>) target_semaphore(%arg15 : memref<!tpu.dma_semaphore, #tpu.memory_space<semaphore_mem>>)
    %dma_start3A_19 = arith.constant 1 : i32
    %dma_start3A_20 = arith.constant 0 : i32
    %dma_start3A_21 = arith.constant 0 : i32
    %dma_start3A_22 = tpu.memref_slice %arg3[%arg0, %arg1, %dma_start3A_19, %dma_start3A_20, %dma_start3A_21] : memref<3x16x81x1x128xi32, #tpu.memory_space<hbm>> -> memref<1x1x1x1x128xi32, #tpu.memory_space<hbm>>
    %dma_start3A_23 = tpu.memref_squeeze %dma_start3A_22 : memref<1x1x1x1x128xi32, #tpu.memory_space<hbm>> -> memref<128xi32, #tpu.memory_space<hbm>>
    %dma_start3A_24 = arith.constant 0 : i32
    %dma_start3A_25 = tpu.memref_slice %arg3[%arg0, %arg1, %dma_start3A_19, %dma_start3A_20, %dma_start3A_24] : memref<3x16x81x1x128xi32, #tpu.memory_space<hbm>> -> memref<1x1x1x1x128xi32, #tpu.memory_space<hbm>>
    %dma_start3A_26 = tpu.memref_squeeze %dma_start3A_25 : memref<1x1x1x1x128xi32, #tpu.memory_space<hbm>> -> memref<128xi32, #tpu.memory_space<hbm>>
    tpu.enqueue_dma source(%dma_start3A_26 : memref<128xi32, #tpu.memory_space<hbm>>) target(%arg8 : memref<128xi32, #tpu.memory_space<vmem>>) target_semaphore(%arg16 : memref<!tpu.dma_semaphore, #tpu.memory_space<semaphore_mem>>)
    %dma_wait3A = arith.constant 0 : i32
    %dma_wait3A_27 = arith.constant 0 : i32
    %dma_wait3A_28 = arith.constant 0 : i32
    %dma_wait3A_29 = tpu.memref_slice %arg3[%arg0, %arg1, %dma_wait3A, %dma_wait3A_27, %dma_wait3A_28] : memref<3x16x81x1x128xi32, #tpu.memory_space<hbm>> -> memref<1x1x1x1x128xi32, #tpu.memory_space<hbm>>
    %dma_wait3A_30 = tpu.memref_squeeze %dma_wait3A_29 : memref<1x1x1x1x128xi32, #tpu.memory_space<hbm>> -> memref<128xi32, #tpu.memory_space<hbm>>
    %dma_wait3A_31 = arith.constant 0 : i32
    %dma_wait3A_32 = tpu.memref_slice %arg3[%arg0, %arg1, %dma_wait3A, %dma_wait3A_27, %dma_wait3A_31] : memref<3x16x81x1x128xi32, #tpu.memory_space<hbm>> -> memref<1x1x1x1x128xi32, #tpu.memory_space<hbm>>
    %dma_wait3A_33 = tpu.memref_squeeze %dma_wait3A_32 : memref<1x1x1x1x128xi32, #tpu.memory_space<hbm>> -> memref<128xi32, #tpu.memory_space<hbm>>
    tpu.wait_dma2 semaphore(%arg16 : memref<!tpu.dma_semaphore, #tpu.memory_space<semaphore_mem>>) src(%dma_wait3A_33 : memref<128xi32, #tpu.memory_space<hbm>>) dst(%arg8 : memref<128xi32, #tpu.memory_space<vmem>>)
    %dma_start3A_34 = arith.constant 0 : i32
    %dma_start3A_35 = arith.constant 0 : i32
    %dma_start3A_36 = tpu.memref_slice %arg2[%dma_start3A_34, %dma_start3A_35] : memref<20000x128xf32, #tpu.memory_space<hbm>> -> memref<20000x128xf32, #tpu.memory_space<hbm>>
    tpu.enqueue_indirect_dma source(%dma_start3A_36 : memref<20000x128xf32, #tpu.memory_space<hbm>>) target(%arg10 : memref<128x128xf32, #tpu.memory_space<vmem>>) offsets(%arg8 : memref<128xi32, #tpu.memory_space<vmem>>) semaphore(%arg12 : memref<!tpu.dma_semaphore, #tpu.memory_space<semaphore_mem>>)
    %scan3A = arith.constant 0 : i32
    %scan3A_37 = arith.constant 0 : i32
    %scan3A_38 = arith.constant 1024 : i32
    %scan3A_39 = arith.addi %scan3A_37, %scan3A_38 : i32
    %scan3A_40 = arith.constant 1 : i32
    %scan3A_41 = scf.for %scan3A_152 = %scan3A_37 to %scan3A_39 step %scan3A_40 iter_args(%scan3A_153 = %scan3A) -> (i32)  : i32 {
      %jit3A = arith.constant 8 : i32
      %div3A = arith.divsi %scan3A_152, %jit3A : i32
      %sign3A = arith.constant 0 : i32
      %sign3A_154 = arith.cmpi sgt, %scan3A_152, %sign3A : i32
      %sign3A_155 = arith.extui %sign3A_154 : i1 to i32
      %sign3A_156 = arith.constant 0 : i32
      %sign3A_157 = arith.cmpi slt, %scan3A_152, %sign3A_156 : i32
      %sign3A_158 = arith.extui %sign3A_157 : i1 to i32
      %sign3A_159 = arith.subi %sign3A_155, %sign3A_158 : i32
      %sign3A_160 = arith.constant 0 : i32
      %sign3A_161 = arith.cmpi sgt, %jit3A, %sign3A_160 : i32
      %sign3A_162 = arith.extui %sign3A_161 : i1 to i32
      %sign3A_163 = arith.constant 0 : i32
      %sign3A_164 = arith.cmpi slt, %jit3A, %sign3A_163 : i32
      %sign3A_165 = arith.extui %sign3A_164 : i1 to i32
      %sign3A_166 = arith.subi %sign3A_162, %sign3A_165 : i32
      %ne3A = arith.cmpi ne, %sign3A_159, %sign3A_166 : i32
      %rem3A = arith.remsi %scan3A_152, %jit3A : i32
      %ne3A_167 = arith.constant 0 : i32
      %ne3A_168 = arith.cmpi ne, %rem3A, %ne3A_167 : i32
      %and3A = arith.andi %ne3A, %ne3A_168 : i1
      %sub3A = arith.constant 1 : i32
      %sub3A_169 = arith.subi %div3A, %sub3A : i32
      %select_n3A = arith.select %and3A, %sub3A_169, %div3A : i32
      %jit3A_170 = arith.constant 8 : i32
      %eq3A_171 = arith.constant 0 : i32
      %eq3A_172 = arith.cmpi eq, %jit3A_170, %eq3A_171 : i32
      %jit3A_173 = arith.constant 1 : i32
      %select_n3A_174 = arith.select %eq3A_172, %jit3A_173, %jit3A_170 : i32
      %rem3A_175 = arith.remsi %scan3A_152, %select_n3A_174 : i32
      %ne3A_176 = arith.constant 0 : i32
      %ne3A_177 = arith.cmpi ne, %rem3A_175, %ne3A_176 : i32
      %lt3A_178 = arith.constant 0 : i32
      %lt3A_179 = arith.cmpi slt, %rem3A_175, %lt3A_178 : i32
      %lt3A_180 = arith.constant 0 : i32
      %lt3A_181 = arith.cmpi slt, %select_n3A_174, %lt3A_180 : i32
      %ne3A_182 = arith.xori %lt3A_179, %lt3A_181 : i1
      %and3A_183 = arith.andi %ne3A_182, %ne3A_177 : i1
      %add3A_184 = arith.addi %rem3A_175, %select_n3A_174 : i32
      %select_n3A_185 = arith.select %and3A_183, %add3A_184, %rem3A_175 : i32
      %mul3A_186 = arith.constant 16 : i32
      %mul3A_187 = arith.muli %select_n3A_185, %mul3A_186 : i32
      %swap3A = arith.index_cast %select_n3A : i32 to index
      %swap3A_188 = arith.index_cast %mul3A_187 : i32 to index
      %swap3A_189 = tpu.vector_load %arg9[%swap3A, %swap3A_188] {strides = array<i32>} : memref<128x128xf32, #tpu.memory_space<vmem>>, vector<1x16xf32>,
      %swap3A_190 = vector.shape_cast %swap3A_189 : vector<1x16xf32> to vector<16xf32>
      %swap3A_191 = vector.shape_cast %broadcast_in_dim3A_0 : vector<16xf32> to vector<1x16xf32>
      tpu.vector_store %arg9[%swap3A, %swap3A_188], %swap3A_191 {strides = array<i32>} : memref<128x128xf32, #tpu.memory_space<vmem>>, vector<1x16xf32>,
      %scan3A_192 = arith.constant 0 : i32
      scf.yield %scan3A_192 : i32
    }
    %scan3A_42 = arith.constant 1024 : i32
    %mul3A = arith.constant 625 : i32
    %mul3A_43 = arith.muli %arg1, %mul3A : i32
    %add3A = arith.constant 0 : i32
    %add3A_44 = arith.addi %mul3A_43, %add3A : i32
    "tpu.region"() ({
      %run_scoped3A = tpu.sem_alloc : memref<!tpu.dma_semaphore, #tpu.memory_space<semaphore_mem>>
      %dma_start3A_152 = arith.constant 0 : i32
      %dma_start3A_153 = tpu.memref_slice %arg5[%add3A_44, %dma_start3A_152] : memref<10008x128xf32, #tpu.memory_space<vmem_shared>> -> memref<128x128xf32, #tpu.memory_space<vmem_shared>>
      %dma_start3A_154 = arith.constant 0 : i32
      %dma_start3A_155 = tpu.memref_slice %arg5[%add3A_44, %dma_start3A_154] : memref<10008x128xf32, #tpu.memory_space<vmem_shared>> -> memref<128x128xf32, #tpu.memory_space<vmem_shared>>
      tpu.enqueue_dma source(%arg9 : memref<128x128xf32, #tpu.memory_space<vmem>>) target(%dma_start3A_155 : memref<128x128xf32, #tpu.memory_space<vmem_shared>>) target_semaphore(%run_scoped3A : memref<!tpu.dma_semaphore, #tpu.memory_space<semaphore_mem>>)
      %dma_wait3A_156 = arith.constant 0 : i32
      %dma_wait3A_157 = tpu.memref_slice %arg5[%add3A_44, %dma_wait3A_156] : memref<10008x128xf32, #tpu.memory_space<vmem_shared>> -> memref<128x128xf32, #tpu.memory_space<vmem_shared>>
      %dma_wait3A_158 = arith.constant 0 : i32
      %dma_wait3A_159 = tpu.memref_slice %arg5[%add3A_44, %dma_wait3A_158] : memref<10008x128xf32, #tpu.memory_space<vmem_shared>> -> memref<128x128xf32, #tpu.memory_space<vmem_shared>>
      tpu.wait_dma2 semaphore(%run_scoped3A : memref<!tpu.dma_semaphore, #tpu.memory_space<semaphore_mem>>) src(%arg9 : memref<128x128xf32, #tpu.memory_space<vmem>>) dst(%dma_wait3A_159 : memref<128x128xf32, #tpu.memory_space<vmem_shared>>)
      tpu.yield
    }) : () -> ()
    %add3A_45 = arith.constant 128 : i32
    %add3A_46 = arith.addi %mul3A_43, %add3A_45 : i32
    "tpu.region"() ({
      %run_scoped3A = tpu.sem_alloc : memref<!tpu.dma_semaphore, #tpu.memory_space<semaphore_mem>>
      %dma_start3A_152 = arith.constant 0 : i32
      %dma_start3A_153 = tpu.memref_slice %arg5[%add3A_46, %dma_start3A_152] : memref<10008x128xf32, #tpu.memory_space<vmem_shared>> -> memref<128x128xf32, #tpu.memory_space<vmem_shared>>
      %dma_start3A_154 = arith.constant 0 : i32
      %dma_start3A_155 = tpu.memref_slice %arg5[%add3A_46, %dma_start3A_154] : memref<10008x128xf32, #tpu.memory_space<vmem_shared>> -> memref<128x128xf32, #tpu.memory_space<vmem_shared>>
      tpu.enqueue_dma source(%arg9 : memref<128x128xf32, #tpu.memory_space<vmem>>) target(%dma_start3A_155 : memref<128x128xf32, #tpu.memory_space<vmem_shared>>) target_semaphore(%run_scoped3A : memref<!tpu.dma_semaphore, #tpu.memory_space<semaphore_mem>>)
      %dma_wait3A_156 = arith.constant 0 : i32
      %dma_wait3A_157 = tpu.memref_slice %arg5[%add3A_46, %dma_wait3A_156] : memref<10008x128xf32, #tpu.memory_space<vmem_shared>> -> memref<128x128xf32, #tpu.memory_space<vmem_shared>>
      %dma_wait3A_158 = arith.constant 0 : i32
      %dma_wait3A_159 = tpu.memref_slice %arg5[%add3A_46, %dma_wait3A_158] : memref<10008x128xf32, #tpu.memory_space<vmem_shared>> -> memref<128x128xf32, #tpu.memory_space<vmem_shared>>
      tpu.wait_dma2 semaphore(%run_scoped3A : memref<!tpu.dma_semaphore, #tpu.memory_space<semaphore_mem>>) src(%arg9 : memref<128x128xf32, #tpu.memory_space<vmem>>) dst(%dma_wait3A_159 : memref<128x128xf32, #tpu.memory_space<vmem_shared>>)
      tpu.yield
    }) : () -> ()
    %add3A_47 = arith.constant 256 : i32
    %add3A_48 = arith.addi %mul3A_43, %add3A_47 : i32
    "tpu.region"() ({
      %run_scoped3A = tpu.sem_alloc : memref<!tpu.dma_semaphore, #tpu.memory_space<semaphore_mem>>
      %dma_start3A_152 = arith.constant 0 : i32
      %dma_start3A_153 = tpu.memref_slice %arg5[%add3A_48, %dma_start3A_152] : memref<10008x128xf32, #tpu.memory_space<vmem_shared>> -> memref<128x128xf32, #tpu.memory_space<vmem_shared>>
      %dma_start3A_154 = arith.constant 0 : i32
      %dma_start3A_155 = tpu.memref_slice %arg5[%add3A_48, %dma_start3A_154] : memref<10008x128xf32, #tpu.memory_space<vmem_shared>> -> memref<128x128xf32, #tpu.memory_space<vmem_shared>>
      tpu.enqueue_dma source(%arg9 : memref<128x128xf32, #tpu.memory_space<vmem>>) target(%dma_start3A_155 : memref<128x128xf32, #tpu.memory_space<vmem_shared>>) target_semaphore(%run_scoped3A : memref<!tpu.dma_semaphore, #tpu.memory_space<semaphore_mem>>)
      %dma_wait3A_156 = arith.constant 0 : i32
      %dma_wait3A_157 = tpu.memref_slice %arg5[%add3A_48, %dma_wait3A_156] : memref<10008x128xf32, #tpu.memory_space<vmem_shared>> -> memref<128x128xf32, #tpu.memory_space<vmem_shared>>
      %dma_wait3A_158 = arith.constant 0 : i32
      %dma_wait3A_159 = tpu.memref_slice %arg5[%add3A_48, %dma_wait3A_158] : memref<10008x128xf32, #tpu.memory_space<vmem_shared>> -> memref<128x128xf32, #tpu.memory_space<vmem_shared>>
      tpu.wait_dma2 semaphore(%run_scoped3A : memref<!tpu.dma_semaphore, #tpu.memory_space<semaphore_mem>>) src(%arg9 : memref<128x128xf32, #tpu.memory_space<vmem>>) dst(%dma_wait3A_159 : memref<128x128xf32, #tpu.memory_space<vmem_shared>>)
      tpu.yield
    }) : () -> ()
    %add3A_49 = arith.constant 384 : i32
    %add3A_50 = arith.addi %mul3A_43, %add3A_49 : i32
    "tpu.region"() ({
      %run_scoped3A = tpu.sem_alloc : memref<!tpu.dma_semaphore, #tpu.memory_space<semaphore_mem>>
      %dma_start3A_152 = arith.constant 0 : i32
      %dma_start3A_153 = tpu.memref_slice %arg5[%add3A_50, %dma_start3A_152] : memref<10008x128xf32, #tpu.memory_space<vmem_shared>> -> memref<128x128xf32, #tpu.memory_space<vmem_shared>>
      %dma_start3A_154 = arith.constant 0 : i32
      %dma_start3A_155 = tpu.memref_slice %arg5[%add3A_50, %dma_start3A_154] : memref<10008x128xf32, #tpu.memory_space<vmem_shared>> -> memref<128x128xf32, #tpu.memory_space<vmem_shared>>
      tpu.enqueue_dma source(%arg9 : memref<128x128xf32, #tpu.memory_space<vmem>>) target(%dma_start3A_155 : memref<128x128xf32, #tpu.memory_space<vmem_shared>>) target_semaphore(%run_scoped3A : memref<!tpu.dma_semaphore, #tpu.memory_space<semaphore_mem>>)
      %dma_wait3A_156 = arith.constant 0 : i32
      %dma_wait3A_157 = tpu.memref_slice %arg5[%add3A_50, %dma_wait3A_156] : memref<10008x128xf32, #tpu.memory_space<vmem_shared>> -> memref<128x128xf32, #tpu.memory_space<vmem_shared>>
      %dma_wait3A_158 = arith.constant 0 : i32
      %dma_wait3A_159 = tpu.memref_slice %arg5[%add3A_50, %dma_wait3A_158] : memref<10008x128xf32, #tpu.memory_space<vmem_shared>> -> memref<128x128xf32, #tpu.memory_space<vmem_shared>>
      tpu.wait_dma2 semaphore(%run_scoped3A : memref<!tpu.dma_semaphore, #tpu.memory_space<semaphore_mem>>) src(%arg9 : memref<128x128xf32, #tpu.memory_space<vmem>>) dst(%dma_wait3A_159 : memref<128x128xf32, #tpu.memory_space<vmem_shared>>)
      tpu.yield
    }) : () -> ()
    %add3A_51 = arith.constant 512 : i32
    %add3A_52 = arith.addi %mul3A_43, %add3A_51 : i32
    "tpu.region"() ({
      %run_scoped3A = tpu.sem_alloc : memref<!tpu.dma_semaphore, #tpu.memory_space<semaphore_mem>>
      %dma_start3A_152 = arith.constant 0 : i32
      %dma_start3A_153 = arith.constant 0 : i32
      %dma_start3A_154 = tpu.memref_slice %arg9[%dma_start3A_152, %dma_start3A_153] : memref<128x128xf32, #tpu.memory_space<vmem>> -> memref<113x128xf32, #tpu.memory_space<vmem>>
      %dma_start3A_155 = arith.constant 0 : i32
      %dma_start3A_156 = tpu.memref_slice %arg5[%add3A_52, %dma_start3A_155] : memref<10008x128xf32, #tpu.memory_space<vmem_shared>> -> memref<113x128xf32, #tpu.memory_space<vmem_shared>>
      %dma_start3A_157 = arith.constant 0 : i32
      %dma_start3A_158 = tpu.memref_slice %arg5[%add3A_52, %dma_start3A_157] : memref<10008x128xf32, #tpu.memory_space<vmem_shared>> -> memref<113x128xf32, #tpu.memory_space<vmem_shared>>
      %dma_start3A_159 = arith.constant 0 : i32
      %dma_start3A_160 = arith.constant 0 : i32
      %dma_start3A_161 = tpu.memref_slice %arg9[%dma_start3A_159, %dma_start3A_160] : memref<128x128xf32, #tpu.memory_space<vmem>> -> memref<113x128xf32, #tpu.memory_space<vmem>>
      tpu.enqueue_dma source(%dma_start3A_161 : memref<113x128xf32, #tpu.memory_space<vmem>>) target(%dma_start3A_158 : memref<113x128xf32, #tpu.memory_space<vmem_shared>>) target_semaphore(%run_scoped3A : memref<!tpu.dma_semaphore, #tpu.memory_space<semaphore_mem>>)
      %dma_wait3A_162 = arith.constant 0 : i32
      %dma_wait3A_163 = arith.constant 0 : i32
      %dma_wait3A_164 = tpu.memref_slice %arg9[%dma_wait3A_162, %dma_wait3A_163] : memref<128x128xf32, #tpu.memory_space<vmem>> -> memref<113x128xf32, #tpu.memory_space<vmem>>
      %dma_wait3A_165 = arith.constant 0 : i32
      %dma_wait3A_166 = tpu.memref_slice %arg5[%add3A_52, %dma_wait3A_165] : memref<10008x128xf32, #tpu.memory_space<vmem_shared>> -> memref<113x128xf32, #tpu.memory_space<vmem_shared>>
      %dma_wait3A_167 = arith.constant 0 : i32
      %dma_wait3A_168 = tpu.memref_slice %arg5[%add3A_52, %dma_wait3A_167] : memref<10008x128xf32, #tpu.memory_space<vmem_shared>> -> memref<113x128xf32, #tpu.memory_space<vmem_shared>>
      %dma_wait3A_169 = arith.constant 0 : i32
      %dma_wait3A_170 = arith.constant 0 : i32
      %dma_wait3A_171 = tpu.memref_slice %arg9[%dma_wait3A_169, %dma_wait3A_170] : memref<128x128xf32, #tpu.memory_space<vmem>> -> memref<113x128xf32, #tpu.memory_space<vmem>>
      tpu.wait_dma2 semaphore(%run_scoped3A : memref<!tpu.dma_semaphore, #tpu.memory_space<semaphore_mem>>) src(%dma_wait3A_171 : memref<113x128xf32, #tpu.memory_space<vmem>>) dst(%dma_wait3A_168 : memref<113x128xf32, #tpu.memory_space<vmem_shared>>)
      tpu.yield
    }) : () -> ()
    %eq3A = arith.constant 0 : i32
    %eq3A_53 = arith.cmpi eq, %arg1, %eq3A : i32
    %convert_element_type3A = arith.extui %eq3A_53 : i1 to i32
    %cond3A = arith.constant 0 : i32
    %cond3A_54 = arith.cmpi ne, %convert_element_type3A, %cond3A : i32
    scf.if %cond3A_54 {
      "tpu.region"() ({
        %run_scoped3A = tpu.sem_alloc : memref<!tpu.dma_semaphore, #tpu.memory_space<semaphore_mem>>
        %dma_start3A_152 = arith.constant 0 : i32
        %dma_start3A_153 = arith.constant 0 : i32
        %dma_start3A_154 = tpu.memref_slice %arg9[%dma_start3A_152, %dma_start3A_153] : memref<128x128xf32, #tpu.memory_space<vmem>> -> memref<8x128xf32, #tpu.memory_space<vmem>>
        %dma_start3A_155 = arith.constant 10000 : i32
        %dma_start3A_156 = arith.constant 0 : i32
        %dma_start3A_157 = tpu.memref_slice %arg5[%dma_start3A_155, %dma_start3A_156] : memref<10008x128xf32, #tpu.memory_space<vmem_shared>> -> memref<8x128xf32, #tpu.memory_space<vmem_shared>>
        %dma_start3A_158 = arith.constant 10000 : i32
        %dma_start3A_159 = arith.constant 0 : i32
        %dma_start3A_160 = tpu.memref_slice %arg5[%dma_start3A_158, %dma_start3A_159] : memref<10008x128xf32, #tpu.memory_space<vmem_shared>> -> memref<8x128xf32, #tpu.memory_space<vmem_shared>>
        %dma_start3A_161 = arith.constant 0 : i32
        %dma_start3A_162 = arith.constant 0 : i32
        %dma_start3A_163 = tpu.memref_slice %arg9[%dma_start3A_161, %dma_start3A_162] : memref<128x128xf32, #tpu.memory_space<vmem>> -> memref<8x128xf32, #tpu.memory_space<vmem>>
        tpu.enqueue_dma source(%dma_start3A_163 : memref<8x128xf32, #tpu.memory_space<vmem>>) target(%dma_start3A_160 : memref<8x128xf32, #tpu.memory_space<vmem_shared>>) target_semaphore(%run_scoped3A : memref<!tpu.dma_semaphore, #tpu.memory_space<semaphore_mem>>)
        %dma_wait3A_164 = arith.constant 0 : i32
        %dma_wait3A_165 = arith.constant 0 : i32
        %dma_wait3A_166 = tpu.memref_slice %arg9[%dma_wait3A_164, %dma_wait3A_165] : memref<128x128xf32, #tpu.memory_space<vmem>> -> memref<8x128xf32, #tpu.memory_space<vmem>>
        %dma_wait3A_167 = arith.constant 10000 : i32
        %dma_wait3A_168 = arith.constant 0 : i32
        %dma_wait3A_169 = tpu.memref_slice %arg5[%dma_wait3A_167, %dma_wait3A_168] : memref<10008x128xf32, #tpu.memory_space<vmem_shared>> -> memref<8x128xf32, #tpu.memory_space<vmem_shared>>
        %dma_wait3A_170 = arith.constant 10000 : i32
        %dma_wait3A_171 = arith.constant 0 : i32
        %dma_wait3A_172 = tpu.memref_slice %arg5[%dma_wait3A_170, %dma_wait3A_171] : memref<10008x128xf32, #tpu.memory_space<vmem_shared>> -> memref<8x128xf32, #tpu.memory_space<vmem_shared>>
        %dma_wait3A_173 = arith.constant 0 : i32
        %dma_wait3A_174 = arith.constant 0 : i32
        %dma_wait3A_175 = tpu.memref_slice %arg9[%dma_wait3A_173, %dma_wait3A_174] : memref<128x128xf32, #tpu.memory_space<vmem>> -> memref<8x128xf32, #tpu.memory_space<vmem>>
        tpu.wait_dma2 semaphore(%run_scoped3A : memref<!tpu.dma_semaphore, #tpu.memory_space<semaphore_mem>>) src(%dma_wait3A_175 : memref<8x128xf32, #tpu.memory_space<vmem>>) dst(%dma_wait3A_172 : memref<8x128xf32, #tpu.memory_space<vmem_shared>>)
        tpu.yield
      }) : () -> ()
    } else {
    }
    %dma_wait3A_55 = arith.constant 0 : i32
    %dma_wait3A_56 = arith.constant 0 : i32
    %dma_wait3A_57 = arith.constant 0 : i32
    %dma_wait3A_58 = tpu.memref_slice %arg3[%arg0, %arg1, %dma_wait3A_55, %dma_wait3A_56, %dma_wait3A_57] : memref<3x16x81x1x128xi32, #tpu.memory_space<hbm>> -> memref<1x1x1x1x128xi32, #tpu.memory_space<hbm>>
    %dma_wait3A_59 = tpu.memref_squeeze %dma_wait3A_58 : memref<1x1x1x1x128xi32, #tpu.memory_space<hbm>> -> memref<128xi32, #tpu.memory_space<hbm>>
    %dma_wait3A_60 = arith.constant 0 : i32
    %dma_wait3A_61 = tpu.memref_slice %arg3[%arg0, %arg1, %dma_wait3A_55, %dma_wait3A_56, %dma_wait3A_60] : memref<3x16x81x1x128xi32, #tpu.memory_space<hbm>> -> memref<1x1x1x1x128xi32, #tpu.memory_space<hbm>>
    %dma_wait3A_62 = tpu.memref_squeeze %dma_wait3A_61 : memref<1x1x1x1x128xi32, #tpu.memory_space<hbm>> -> memref<128xi32, #tpu.memory_space<hbm>>
    tpu.wait_dma2 semaphore(%arg15 : memref<!tpu.dma_semaphore, #tpu.memory_space<semaphore_mem>>) src(%dma_wait3A_62 : memref<128xi32, #tpu.memory_space<hbm>>) dst(%arg7 : memref<128xi32, #tpu.memory_space<vmem>>)
    %dma_start3A_63 = arith.constant 0 : i32
    %dma_start3A_64 = arith.constant 0 : i32
    %dma_start3A_65 = tpu.memref_slice %arg2[%dma_start3A_63, %dma_start3A_64] : memref<20000x128xf32, #tpu.memory_space<hbm>> -> memref<20000x128xf32, #tpu.memory_space<hbm>>
    tpu.enqueue_indirect_dma source(%dma_start3A_65 : memref<20000x128xf32, #tpu.memory_space<hbm>>) target(%arg9 : memref<128x128xf32, #tpu.memory_space<vmem>>) offsets(%arg7 : memref<128xi32, #tpu.memory_space<vmem>>) semaphore(%arg11 : memref<!tpu.dma_semaphore, #tpu.memory_space<semaphore_mem>>)
    %dma_wait3A_66 = arith.constant 2 : i32
    %dma_wait3A_67 = arith.constant 0 : i32
    %dma_wait3A_68 = arith.constant 0 : i32
    %dma_wait3A_69 = arith.constant 0 : i32
    %dma_wait3A_70 = tpu.memref_slice %arg3[%dma_wait3A_66, %arg1, %dma_wait3A_67, %dma_wait3A_68, %dma_wait3A_69] : memref<3x16x81x1x128xi32, #tpu.memory_space<hbm>> -> memref<1x1x81x1x128xi32, #tpu.memory_space<hbm>>
    %dma_wait3A_71 = tpu.memref_squeeze %dma_wait3A_70 : memref<1x1x81x1x128xi32, #tpu.memory_space<hbm>> -> memref<81x1x128xi32, #tpu.memory_space<hbm>>
    %dma_wait3A_72 = arith.constant 0 : i32
    %dma_wait3A_73 = arith.constant 0 : i32
    %dma_wait3A_74 = arith.constant 0 : i32
    %dma_wait3A_75 = tpu.memref_slice %arg3[%dma_wait3A_66, %arg1, %dma_wait3A_72, %dma_wait3A_73, %dma_wait3A_74] : memref<3x16x81x1x128xi32, #tpu.memory_space<hbm>> -> memref<1x1x81x1x128xi32, #tpu.memory_space<hbm>>
    %dma_wait3A_76 = tpu.memref_squeeze %dma_wait3A_75 : memref<1x1x81x1x128xi32, #tpu.memory_space<hbm>> -> memref<81x1x128xi32, #tpu.memory_space<hbm>>
    tpu.wait_dma2 semaphore(%arg17 : memref<!tpu.dma_semaphore, #tpu.memory_space<semaphore_mem>>) src(%dma_wait3A_76 : memref<81x1x128xi32, #tpu.memory_space<hbm>>) dst(%arg6 : memref<81x1x128xi32, #tpu.memory_space<vmem>>)
    %barrier3A = arith.constant 0 : index
    tpu.barrier barrier_id(%barrier3A)
    %dma_wait3A_77 = arith.constant 0 : i32
    %dma_wait3A_78 = arith.constant 0 : i32
    %dma_wait3A_79 = tpu.memref_slice %arg2[%dma_wait3A_77, %dma_wait3A_78] : memref<20000x128xf32, #tpu.memory_space<hbm>> -> memref<128x128xf32, #tpu.memory_space<hbm>>
    %dma_wait3A_80 = arith.constant 0 : i32
    %dma_wait3A_81 = arith.constant 0 : i32
    %dma_wait3A_82 = tpu.memref_slice %arg2[%dma_wait3A_80, %dma_wait3A_81] : memref<20000x128xf32, #tpu.memory_space<hbm>> -> memref<128x128xf32, #tpu.memory_space<hbm>>
    tpu.wait_dma2 semaphore(%arg11 : memref<!tpu.dma_semaphore, #tpu.memory_space<semaphore_mem>>) src(%dma_wait3A_82 : memref<128x128xf32, #tpu.memory_space<hbm>>) dst(%arg9 : memref<128x128xf32, #tpu.memory_space<vmem>>)
    %dma_start3A_83 = arith.constant 0 : i32
    %dma_start3A_84 = arith.constant 0 : i32
    %dma_start3A_85 = arith.constant 0 : i32
    %dma_start3A_86 = tpu.memref_slice %arg6[%dma_start3A_83, %dma_start3A_84, %dma_start3A_85] : memref<81x1x128xi32, #tpu.memory_space<vmem>> -> memref<1x1x128xi32, #tpu.memory_space<vmem>>
    %dma_start3A_87 = tpu.memref_squeeze %dma_start3A_86 : memref<1x1x128xi32, #tpu.memory_space<vmem>> -> memref<128xi32, #tpu.memory_space<vmem>>
    %dma_start3A_88 = arith.constant 0 : i32
    %dma_start3A_89 = arith.constant 0 : i32
    %dma_start3A_90 = tpu.memref_slice %arg5[%dma_start3A_88, %dma_start3A_89] : memref<10008x128xf32, #tpu.memory_space<vmem_shared>> -> memref<10008x128xf32, #tpu.memory_space<vmem_shared>>
    tpu.enqueue_indirect_dma source(%arg9 : memref<128x128xf32, #tpu.memory_space<vmem>>) target(%dma_start3A_90 : memref<10008x128xf32, #tpu.memory_space<vmem_shared>>) offsets(%dma_start3A_87 : memref<128xi32, #tpu.memory_space<vmem>>) semaphore(%arg13 : memref<!tpu.dma_semaphore, #tpu.memory_space<semaphore_mem>>) {add = true}
    %dma_start3A_91 = arith.constant 2 : i32
    %dma_start3A_92 = arith.constant 0 : i32
    %dma_start3A_93 = arith.constant 0 : i32
    %dma_start3A_94 = tpu.memref_slice %arg3[%arg0, %arg1, %dma_start3A_91, %dma_start3A_92, %dma_start3A_93] : memref<3x16x81x1x128xi32, #tpu.memory_space<hbm>> -> memref<1x1x1x1x128xi32, #tpu.memory_space<hbm>>
    %dma_start3A_95 = tpu.memref_squeeze %dma_start3A_94 : memref<1x1x1x1x128xi32, #tpu.memory_space<hbm>> -> memref<128xi32, #tpu.memory_space<hbm>>
    %dma_start3A_96 = arith.constant 0 : i32
    %dma_start3A_97 = tpu.memref_slice %arg3[%arg0, %arg1, %dma_start3A_91, %dma_start3A_92, %dma_start3A_96] : memref<3x16x81x1x128xi32, #tpu.memory_space<hbm>> -> memref<1x1x1x1x128xi32, #tpu.memory_space<hbm>>
    %dma_start3A_98 = tpu.memref_squeeze %dma_start3A_97 : memref<1x1x1x1x128xi32, #tpu.memory_space<hbm>> -> memref<128xi32, #tpu.memory_space<hbm>>
    tpu.enqueue_dma source(%dma_start3A_98 : memref<128xi32, #tpu.memory_space<hbm>>) target(%arg7 : memref<128xi32, #tpu.memory_space<vmem>>) target_semaphore(%arg15 : memref<!tpu.dma_semaphore, #tpu.memory_space<semaphore_mem>>)
    %scan3A_99 = arith.constant 0 : i32
    %scan3A_100 = arith.constant 0 : i32
    %scan3A_101 = arith.constant 39 : i32
    %scan3A_102 = arith.addi %scan3A_100, %scan3A_101 : i32
    %scan3A_103 = arith.constant 1 : i32
    %scan3A_104 = scf.for %scan3A_152 = %scan3A_100 to %scan3A_102 step %scan3A_103 iter_args(%scan3A_153 = %scan3A_99) -> (i32)  : i32 {
      %mul3A_154 = arith.constant 2 : i32
      %mul3A_155 = arith.muli %mul3A_154, %scan3A_152 : i32
      %add3A_156 = arith.constant 2 : i32
      %add3A_157 = arith.addi %mul3A_155, %add3A_156 : i32
      %dma_wait3A_158 = arith.constant 0 : i32
      %dma_wait3A_159 = arith.constant 0 : i32
      %dma_wait3A_160 = arith.constant 0 : i32
      %dma_wait3A_161 = tpu.memref_slice %arg3[%arg0, %arg1, %dma_wait3A_158, %dma_wait3A_159, %dma_wait3A_160] : memref<3x16x81x1x128xi32, #tpu.memory_space<hbm>> -> memref<1x1x1x1x128xi32, #tpu.memory_space<hbm>>
      %dma_wait3A_162 = tpu.memref_squeeze %dma_wait3A_161 : memref<1x1x1x1x128xi32, #tpu.memory_space<hbm>> -> memref<128xi32, #tpu.memory_space<hbm>>
      %dma_wait3A_163 = arith.constant 0 : i32
      %dma_wait3A_164 = tpu.memref_slice %arg3[%arg0, %arg1, %dma_wait3A_158, %dma_wait3A_159, %dma_wait3A_163] : memref<3x16x81x1x128xi32, #tpu.memory_space<hbm>> -> memref<1x1x1x1x128xi32, #tpu.memory_space<hbm>>
      %dma_wait3A_165 = tpu.memref_squeeze %dma_wait3A_164 : memref<1x1x1x1x128xi32, #tpu.memory_space<hbm>> -> memref<128xi32, #tpu.memory_space<hbm>>
      tpu.wait_dma2 semaphore(%arg15 : memref<!tpu.dma_semaphore, #tpu.memory_space<semaphore_mem>>) src(%dma_wait3A_165 : memref<128xi32, #tpu.memory_space<hbm>>) dst(%arg7 : memref<128xi32, #tpu.memory_space<vmem>>)
      %dma_wait3A_166 = arith.constant 0 : i32
      %dma_wait3A_167 = arith.constant 0 : i32
      %dma_wait3A_168 = tpu.memref_slice %arg5[%dma_wait3A_166, %dma_wait3A_167] : memref<10008x128xf32, #tpu.memory_space<vmem_shared>> -> memref<128x128xf32, #tpu.memory_space<vmem_shared>>
      %dma_wait3A_169 = arith.constant 0 : i32
      %dma_wait3A_170 = arith.constant 0 : i32
      %dma_wait3A_171 = tpu.memref_slice %arg5[%dma_wait3A_169, %dma_wait3A_170] : memref<10008x128xf32, #tpu.memory_space<vmem_shared>> -> memref<128x128xf32, #tpu.memory_space<vmem_shared>>
      tpu.wait_dma2 semaphore(%arg13 : memref<!tpu.dma_semaphore, #tpu.memory_space<semaphore_mem>>) src(%arg9 : memref<128x128xf32, #tpu.memory_space<vmem>>) dst(%dma_wait3A_171 : memref<128x128xf32, #tpu.memory_space<vmem_shared>>)
      %dma_start3A_172 = arith.constant 0 : i32
      %dma_start3A_173 = arith.constant 0 : i32
      %dma_start3A_174 = tpu.memref_slice %arg2[%dma_start3A_172, %dma_start3A_173] : memref<20000x128xf32, #tpu.memory_space<hbm>> -> memref<20000x128xf32, #tpu.memory_space<hbm>>
      tpu.enqueue_indirect_dma source(%dma_start3A_174 : memref<20000x128xf32, #tpu.memory_space<hbm>>) target(%arg9 : memref<128x128xf32, #tpu.memory_space<vmem>>) offsets(%arg7 : memref<128xi32, #tpu.memory_space<vmem>>) semaphore(%arg11 : memref<!tpu.dma_semaphore, #tpu.memory_space<semaphore_mem>>)
      %dma_wait3A_175 = arith.constant 0 : i32
      %dma_wait3A_176 = arith.constant 0 : i32
      %dma_wait3A_177 = tpu.memref_slice %arg2[%dma_wait3A_175, %dma_wait3A_176] : memref<20000x128xf32, #tpu.memory_space<hbm>> -> memref<128x128xf32, #tpu.memory_space<hbm>>
      %dma_wait3A_178 = arith.constant 0 : i32
      %dma_wait3A_179 = arith.constant 0 : i32
      %dma_wait3A_180 = tpu.memref_slice %arg2[%dma_wait3A_178, %dma_wait3A_179] : memref<20000x128xf32, #tpu.memory_space<hbm>> -> memref<128x128xf32, #tpu.memory_space<hbm>>
      tpu.wait_dma2 semaphore(%arg12 : memref<!tpu.dma_semaphore, #tpu.memory_space<semaphore_mem>>) src(%dma_wait3A_180 : memref<128x128xf32, #tpu.memory_space<hbm>>) dst(%arg10 : memref<128x128xf32, #tpu.memory_space<vmem>>)
      %sub3A = arith.constant 1 : i32
      %sub3A_181 = arith.subi %add3A_157, %sub3A : i32
      %dma_start3A_182 = arith.constant 0 : i32
      %dma_start3A_183 = arith.constant 0 : i32
      %dma_start3A_184 = tpu.memref_slice %arg6[%sub3A_181, %dma_start3A_182, %dma_start3A_183] : memref<81x1x128xi32, #tpu.memory_space<vmem>> -> memref<1x1x128xi32, #tpu.memory_space<vmem>>
      %dma_start3A_185 = tpu.memref_squeeze %dma_start3A_184 : memref<1x1x128xi32, #tpu.memory_space<vmem>> -> memref<128xi32, #tpu.memory_space<vmem>>
      %dma_start3A_186 = arith.constant 0 : i32
      %dma_start3A_187 = arith.constant 0 : i32
      %dma_start3A_188 = tpu.memref_slice %arg5[%dma_start3A_186, %dma_start3A_187] : memref<10008x128xf32, #tpu.memory_space<vmem_shared>> -> memref<10008x128xf32, #tpu.memory_space<vmem_shared>>
      tpu.enqueue_indirect_dma source(%arg10 : memref<128x128xf32, #tpu.memory_space<vmem>>) target(%dma_start3A_188 : memref<10008x128xf32, #tpu.memory_space<vmem_shared>>) offsets(%dma_start3A_185 : memref<128xi32, #tpu.memory_space<vmem>>) semaphore(%arg14 : memref<!tpu.dma_semaphore, #tpu.memory_space<semaphore_mem>>) {add = true}
      %add3A_189 = arith.constant 1 : i32
      %add3A_190 = arith.addi %add3A_157, %add3A_189 : i32
      %dma_start3A_191 = arith.constant 0 : i32
      %dma_start3A_192 = arith.constant 0 : i32
      %dma_start3A_193 = tpu.memref_slice %arg3[%arg0, %arg1, %add3A_190, %dma_start3A_191, %dma_start3A_192] : memref<3x16x81x1x128xi32, #tpu.memory_space<hbm>> -> memref<1x1x1x1x128xi32, #tpu.memory_space<hbm>>
      %dma_start3A_194 = tpu.memref_squeeze %dma_start3A_193 : memref<1x1x1x1x128xi32, #tpu.memory_space<hbm>> -> memref<128xi32, #tpu.memory_space<hbm>>
      %dma_start3A_195 = arith.constant 0 : i32
      %dma_start3A_196 = tpu.memref_slice %arg3[%arg0, %arg1, %add3A_190, %dma_start3A_191, %dma_start3A_195] : memref<3x16x81x1x128xi32, #tpu.memory_space<hbm>> -> memref<1x1x1x1x128xi32, #tpu.memory_space<hbm>>
      %dma_start3A_197 = tpu.memref_squeeze %dma_start3A_196 : memref<1x1x1x1x128xi32, #tpu.memory_space<hbm>> -> memref<128xi32, #tpu.memory_space<hbm>>
      tpu.enqueue_dma source(%dma_start3A_197 : memref<128xi32, #tpu.memory_space<hbm>>) target(%arg8 : memref<128xi32, #tpu.memory_space<vmem>>) target_semaphore(%arg16 : memref<!tpu.dma_semaphore, #tpu.memory_space<semaphore_mem>>)
      %add3A_198 = arith.constant 1 : i32
      %add3A_199 = arith.addi %add3A_157, %add3A_198 : i32
      %dma_wait3A_200 = arith.constant 0 : i32
      %dma_wait3A_201 = arith.constant 0 : i32
      %dma_wait3A_202 = arith.constant 0 : i32
      %dma_wait3A_203 = tpu.memref_slice %arg3[%arg0, %arg1, %dma_wait3A_200, %dma_wait3A_201, %dma_wait3A_202] : memref<3x16x81x1x128xi32, #tpu.memory_space<hbm>> -> memref<1x1x1x1x128xi32, #tpu.memory_space<hbm>>
      %dma_wait3A_204 = tpu.memref_squeeze %dma_wait3A_203 : memref<1x1x1x1x128xi32, #tpu.memory_space<hbm>> -> memref<128xi32, #tpu.memory_space<hbm>>
      %dma_wait3A_205 = arith.constant 0 : i32
      %dma_wait3A_206 = tpu.memref_slice %arg3[%arg0, %arg1, %dma_wait3A_200, %dma_wait3A_201, %dma_wait3A_205] : memref<3x16x81x1x128xi32, #tpu.memory_space<hbm>> -> memref<1x1x1x1x128xi32, #tpu.memory_space<hbm>>
      %dma_wait3A_207 = tpu.memref_squeeze %dma_wait3A_206 : memref<1x1x1x1x128xi32, #tpu.memory_space<hbm>> -> memref<128xi32, #tpu.memory_space<hbm>>
      tpu.wait_dma2 semaphore(%arg16 : memref<!tpu.dma_semaphore, #tpu.memory_space<semaphore_mem>>) src(%dma_wait3A_207 : memref<128xi32, #tpu.memory_space<hbm>>) dst(%arg8 : memref<128xi32, #tpu.memory_space<vmem>>)
      %dma_wait3A_208 = arith.constant 0 : i32
      %dma_wait3A_209 = arith.constant 0 : i32
      %dma_wait3A_210 = tpu.memref_slice %arg5[%dma_wait3A_208, %dma_wait3A_209] : memref<10008x128xf32, #tpu.memory_space<vmem_shared>> -> memref<128x128xf32, #tpu.memory_space<vmem_shared>>
      %dma_wait3A_211 = arith.constant 0 : i32
      %dma_wait3A_212 = arith.constant 0 : i32
      %dma_wait3A_213 = tpu.memref_slice %arg5[%dma_wait3A_211, %dma_wait3A_212] : memref<10008x128xf32, #tpu.memory_space<vmem_shared>> -> memref<128x128xf32, #tpu.memory_space<vmem_shared>>
      tpu.wait_dma2 semaphore(%arg14 : memref<!tpu.dma_semaphore, #tpu.memory_space<semaphore_mem>>) src(%arg10 : memref<128x128xf32, #tpu.memory_space<vmem>>) dst(%dma_wait3A_213 : memref<128x128xf32, #tpu.memory_space<vmem_shared>>)
      %dma_start3A_214 = arith.constant 0 : i32
      %dma_start3A_215 = arith.constant 0 : i32
      %dma_start3A_216 = tpu.memref_slice %arg2[%dma_start3A_214, %dma_start3A_215] : memref<20000x128xf32, #tpu.memory_space<hbm>> -> memref<20000x128xf32, #tpu.memory_space<hbm>>
      tpu.enqueue_indirect_dma source(%dma_start3A_216 : memref<20000x128xf32, #tpu.memory_space<hbm>>) target(%arg10 : memref<128x128xf32, #tpu.memory_space<vmem>>) offsets(%arg8 : memref<128xi32, #tpu.memory_space<vmem>>) semaphore(%arg12 : memref<!tpu.dma_semaphore, #tpu.memory_space<semaphore_mem>>)
      %dma_wait3A_217 = arith.constant 0 : i32
      %dma_wait3A_218 = arith.constant 0 : i32
      %dma_wait3A_219 = tpu.memref_slice %arg2[%dma_wait3A_217, %dma_wait3A_218] : memref<20000x128xf32, #tpu.memory_space<hbm>> -> memref<128x128xf32, #tpu.memory_space<hbm>>
      %dma_wait3A_220 = arith.constant 0 : i32
      %dma_wait3A_221 = arith.constant 0 : i32
      %dma_wait3A_222 = tpu.memref_slice %arg2[%dma_wait3A_220, %dma_wait3A_221] : memref<20000x128xf32, #tpu.memory_space<hbm>> -> memref<128x128xf32, #tpu.memory_space<hbm>>
      tpu.wait_dma2 semaphore(%arg11 : memref<!tpu.dma_semaphore, #tpu.memory_space<semaphore_mem>>) src(%dma_wait3A_222 : memref<128x128xf32, #tpu.memory_space<hbm>>) dst(%arg9 : memref<128x128xf32, #tpu.memory_space<vmem>>)
      %sub3A_223 = arith.constant 1 : i32
      %sub3A_224 = arith.subi %add3A_199, %sub3A_223 : i32
      %dma_start3A_225 = arith.constant 0 : i32
      %dma_start3A_226 = arith.constant 0 : i32
      %dma_start3A_227 = tpu.memref_slice %arg6[%sub3A_224, %dma_start3A_225, %dma_start3A_226] : memref<81x1x128xi32, #tpu.memory_space<vmem>> -> memref<1x1x128xi32, #tpu.memory_space<vmem>>
      %dma_start3A_228 = tpu.memref_squeeze %dma_start3A_227 : memref<1x1x128xi32, #tpu.memory_space<vmem>> -> memref<128xi32, #tpu.memory_space<vmem>>
      %dma_start3A_229 = arith.constant 0 : i32
      %dma_start3A_230 = arith.constant 0 : i32
      %dma_start3A_231 = tpu.memref_slice %arg5[%dma_start3A_229, %dma_start3A_230] : memref<10008x128xf32, #tpu.memory_space<vmem_shared>> -> memref<10008x128xf32, #tpu.memory_space<vmem_shared>>
      tpu.enqueue_indirect_dma source(%arg9 : memref<128x128xf32, #tpu.memory_space<vmem>>) target(%dma_start3A_231 : memref<10008x128xf32, #tpu.memory_space<vmem_shared>>) offsets(%dma_start3A_228 : memref<128xi32, #tpu.memory_space<vmem>>) semaphore(%arg13 : memref<!tpu.dma_semaphore, #tpu.memory_space<semaphore_mem>>) {add = true}
      %add3A_232 = arith.constant 1 : i32
      %add3A_233 = arith.addi %add3A_199, %add3A_232 : i32
      %dma_start3A_234 = arith.constant 0 : i32
      %dma_start3A_235 = arith.constant 0 : i32
      %dma_start3A_236 = tpu.memref_slice %arg3[%arg0, %arg1, %add3A_233, %dma_start3A_234, %dma_start3A_235] : memref<3x16x81x1x128xi32, #tpu.memory_space<hbm>> -> memref<1x1x1x1x128xi32, #tpu.memory_space<hbm>>
      %dma_start3A_237 = tpu.memref_squeeze %dma_start3A_236 : memref<1x1x1x1x128xi32, #tpu.memory_space<hbm>> -> memref<128xi32, #tpu.memory_space<hbm>>
      %dma_start3A_238 = arith.constant 0 : i32
      %dma_start3A_239 = tpu.memref_slice %arg3[%arg0, %arg1, %add3A_233, %dma_start3A_234, %dma_start3A_238] : memref<3x16x81x1x128xi32, #tpu.memory_space<hbm>> -> memref<1x1x1x1x128xi32, #tpu.memory_space<hbm>>
      %dma_start3A_240 = tpu.memref_squeeze %dma_start3A_239 : memref<1x1x1x1x128xi32, #tpu.memory_space<hbm>> -> memref<128xi32, #tpu.memory_space<hbm>>
      tpu.enqueue_dma source(%dma_start3A_240 : memref<128xi32, #tpu.memory_space<hbm>>) target(%arg7 : memref<128xi32, #tpu.memory_space<vmem>>) target_semaphore(%arg15 : memref<!tpu.dma_semaphore, #tpu.memory_space<semaphore_mem>>)
      %scan3A_241 = arith.constant 0 : i32
      scf.yield %scan3A_241 : i32
    }
    %scan3A_105 = arith.constant 39 : i32
    %dma_wait3A_106 = arith.constant 0 : i32
    %dma_wait3A_107 = arith.constant 0 : i32
    %dma_wait3A_108 = tpu.memref_slice %arg2[%dma_wait3A_106, %dma_wait3A_107] : memref<20000x128xf32, #tpu.memory_space<hbm>> -> memref<128x128xf32, #tpu.memory_space<hbm>>
    %dma_wait3A_109 = arith.constant 0 : i32
    %dma_wait3A_110 = arith.constant 0 : i32
    %dma_wait3A_111 = tpu.memref_slice %arg2[%dma_wait3A_109, %dma_wait3A_110] : memref<20000x128xf32, #tpu.memory_space<hbm>> -> memref<128x128xf32, #tpu.memory_space<hbm>>
    tpu.wait_dma2 semaphore(%arg12 : memref<!tpu.dma_semaphore, #tpu.memory_space<semaphore_mem>>) src(%dma_wait3A_111 : memref<128x128xf32, #tpu.memory_space<hbm>>) dst(%arg10 : memref<128x128xf32, #tpu.memory_space<vmem>>)
    %dma_start3A_112 = arith.constant 79 : i32
    %dma_start3A_113 = arith.constant 0 : i32
    %dma_start3A_114 = arith.constant 0 : i32
    %dma_start3A_115 = tpu.memref_slice %arg6[%dma_start3A_112, %dma_start3A_113, %dma_start3A_114] : memref<81x1x128xi32, #tpu.memory_space<vmem>> -> memref<1x1x128xi32, #tpu.memory_space<vmem>>
    %dma_start3A_116 = tpu.memref_squeeze %dma_start3A_115 : memref<1x1x128xi32, #tpu.memory_space<vmem>> -> memref<128xi32, #tpu.memory_space<vmem>>
    %dma_start3A_117 = arith.constant 0 : i32
    %dma_start3A_118 = arith.constant 0 : i32
    %dma_start3A_119 = tpu.memref_slice %arg5[%dma_start3A_117, %dma_start3A_118] : memref<10008x128xf32, #tpu.memory_space<vmem_shared>> -> memref<10008x128xf32, #tpu.memory_space<vmem_shared>>
    tpu.enqueue_indirect_dma source(%arg10 : memref<128x128xf32, #tpu.memory_space<vmem>>) target(%dma_start3A_119 : memref<10008x128xf32, #tpu.memory_space<vmem_shared>>) offsets(%dma_start3A_116 : memref<128xi32, #tpu.memory_space<vmem>>) semaphore(%arg14 : memref<!tpu.dma_semaphore, #tpu.memory_space<semaphore_mem>>) {add = true}
    %dma_wait3A_120 = arith.constant 0 : i32
    %dma_wait3A_121 = arith.constant 0 : i32
    %dma_wait3A_122 = tpu.memref_slice %arg5[%dma_wait3A_120, %dma_wait3A_121] : memref<10008x128xf32, #tpu.memory_space<vmem_shared>> -> memref<128x128xf32, #tpu.memory_space<vmem_shared>>
    %dma_wait3A_123 = arith.constant 0 : i32
    %dma_wait3A_124 = arith.constant 0 : i32
    %dma_wait3A_125 = tpu.memref_slice %arg5[%dma_wait3A_123, %dma_wait3A_124] : memref<10008x128xf32, #tpu.memory_space<vmem_shared>> -> memref<128x128xf32, #tpu.memory_space<vmem_shared>>
    tpu.wait_dma2 semaphore(%arg13 : memref<!tpu.dma_semaphore, #tpu.memory_space<semaphore_mem>>) src(%arg9 : memref<128x128xf32, #tpu.memory_space<vmem>>) dst(%dma_wait3A_125 : memref<128x128xf32, #tpu.memory_space<vmem_shared>>)
    %dma_wait3A_126 = arith.constant 0 : i32
    %dma_wait3A_127 = arith.constant 0 : i32
    %dma_wait3A_128 = tpu.memref_slice %arg5[%dma_wait3A_126, %dma_wait3A_127] : memref<10008x128xf32, #tpu.memory_space<vmem_shared>> -> memref<128x128xf32, #tpu.memory_space<vmem_shared>>
    %dma_wait3A_129 = arith.constant 0 : i32
    %dma_wait3A_130 = arith.constant 0 : i32
    %dma_wait3A_131 = tpu.memref_slice %arg5[%dma_wait3A_129, %dma_wait3A_130] : memref<10008x128xf32, #tpu.memory_space<vmem_shared>> -> memref<128x128xf32, #tpu.memory_space<vmem_shared>>
    tpu.wait_dma2 semaphore(%arg14 : memref<!tpu.dma_semaphore, #tpu.memory_space<semaphore_mem>>) src(%arg10 : memref<128x128xf32, #tpu.memory_space<vmem>>) dst(%dma_wait3A_131 : memref<128x128xf32, #tpu.memory_space<vmem_shared>>)
    %dma_wait3A_132 = arith.constant 0 : i32
    %dma_wait3A_133 = arith.constant 0 : i32
    %dma_wait3A_134 = arith.constant 0 : i32
    %dma_wait3A_135 = tpu.memref_slice %arg3[%arg0, %arg1, %dma_wait3A_132, %dma_wait3A_133, %dma_wait3A_134] : memref<3x16x81x1x128xi32, #tpu.memory_space<hbm>> -> memref<1x1x1x1x128xi32, #tpu.memory_space<hbm>>
    %dma_wait3A_136 = tpu.memref_squeeze %dma_wait3A_135 : memref<1x1x1x1x128xi32, #tpu.memory_space<hbm>> -> memref<128xi32, #tpu.memory_space<hbm>>
    %dma_wait3A_137 = arith.constant 0 : i32
    %dma_wait3A_138 = tpu.memref_slice %arg3[%arg0, %arg1, %dma_wait3A_132, %dma_wait3A_133, %dma_wait3A_137] : memref<3x16x81x1x128xi32, #tpu.memory_space<hbm>> -> memref<1x1x1x1x128xi32, #tpu.memory_space<hbm>>
    %dma_wait3A_139 = tpu.memref_squeeze %dma_wait3A_138 : memref<1x1x1x1x128xi32, #tpu.memory_space<hbm>> -> memref<128xi32, #tpu.memory_space<hbm>>
    tpu.wait_dma2 semaphore(%arg15 : memref<!tpu.dma_semaphore, #tpu.memory_space<semaphore_mem>>) src(%dma_wait3A_139 : memref<128xi32, #tpu.memory_space<hbm>>) dst(%arg7 : memref<128xi32, #tpu.memory_space<vmem>>)
    %barrier3A_140 = arith.constant 0 : index
    tpu.barrier barrier_id(%barrier3A_140)
    %mul3A_141 = arith.constant 640 : i32
    %mul3A_142 = arith.muli %arg1, %mul3A_141 : i32
    %lt3A = arith.constant 15 : i32
    %lt3A_143 = arith.cmpi slt, %arg1, %lt3A : i32
    %convert_element_type3A_144 = arith.extui %lt3A_143 : i1 to i32
    %cond3A_145 = arith.constant 0 : i32
    %cond3A_146 = arith.cmpi ne, %convert_element_type3A_144, %cond3A_145 : i32
    scf.if %cond3A_146 {
      "tpu.region"() ({
        %run_scoped3A = tpu.sem_alloc : memref<!tpu.dma_semaphore, #tpu.memory_space<semaphore_mem>>
        %dma_start3A_152 = arith.constant 0 : i32
        %dma_start3A_153 = tpu.memref_slice %arg4[%arg0, %mul3A_142, %dma_start3A_152] : memref<2x10000x128xf32, #tpu.memory_space<hbm>> -> memref<1x640x128xf32, #tpu.memory_space<hbm>>
        %dma_start3A_154 = tpu.memref_squeeze %dma_start3A_153 : memref<1x640x128xf32, #tpu.memory_space<hbm>> -> memref<640x128xf32, #tpu.memory_space<hbm>>
        %dma_start3A_155 = arith.constant 0 : i32
        %dma_start3A_156 = tpu.memref_slice %arg5[%mul3A_142, %dma_start3A_155] : memref<10008x128xf32, #tpu.memory_space<vmem_shared>> -> memref<640x128xf32, #tpu.memory_space<vmem_shared>>
        tpu.enqueue_dma source(%dma_start3A_156 : memref<640x128xf32, #tpu.memory_space<vmem_shared>>) target(%dma_start3A_154 : memref<640x128xf32, #tpu.memory_space<hbm>>) target_semaphore(%run_scoped3A : memref<!tpu.dma_semaphore, #tpu.memory_space<semaphore_mem>>)
        %dma_wait3A_157 = arith.constant 0 : i32
        %dma_wait3A_158 = tpu.memref_slice %arg4[%arg0, %mul3A_142, %dma_wait3A_157] : memref<2x10000x128xf32, #tpu.memory_space<hbm>> -> memref<1x640x128xf32, #tpu.memory_space<hbm>>
        %dma_wait3A_159 = tpu.memref_squeeze %dma_wait3A_158 : memref<1x640x128xf32, #tpu.memory_space<hbm>> -> memref<640x128xf32, #tpu.memory_space<hbm>>
        %dma_wait3A_160 = arith.constant 0 : i32
        %dma_wait3A_161 = tpu.memref_slice %arg5[%mul3A_142, %dma_wait3A_160] : memref<10008x128xf32, #tpu.memory_space<vmem_shared>> -> memref<640x128xf32, #tpu.memory_space<vmem_shared>>
        tpu.wait_dma2 semaphore(%run_scoped3A : memref<!tpu.dma_semaphore, #tpu.memory_space<semaphore_mem>>) src(%dma_wait3A_161 : memref<640x128xf32, #tpu.memory_space<vmem_shared>>) dst(%dma_wait3A_159 : memref<640x128xf32, #tpu.memory_space<hbm>>)
        tpu.yield
      }) : () -> ()
    } else {
    }
    %eq3A_147 = arith.constant 15 : i32
    %eq3A_148 = arith.cmpi eq, %arg1, %eq3A_147 : i32
    %convert_element_type3A_149 = arith.extui %eq3A_148 : i1 to i32
    %cond3A_150 = arith.constant 0 : i32
    %cond3A_151 = arith.cmpi ne, %convert_element_type3A_149, %cond3A_150 : i32
    scf.if %cond3A_151 {
      "tpu.region"() ({
        %run_scoped3A = tpu.sem_alloc : memref<!tpu.dma_semaphore, #tpu.memory_space<semaphore_mem>>
        %dma_start3A_152 = arith.constant 0 : i32
        %dma_start3A_153 = tpu.memref_slice %arg4[%arg0, %mul3A_142, %dma_start3A_152] : memref<2x10000x128xf32, #tpu.memory_space<hbm>> -> memref<1x400x128xf32, #tpu.memory_space<hbm>>
        %dma_start3A_154 = tpu.memref_squeeze %dma_start3A_153 : memref<1x400x128xf32, #tpu.memory_space<hbm>> -> memref<400x128xf32, #tpu.memory_space<hbm>>
        %dma_start3A_155 = arith.constant 0 : i32
        %dma_start3A_156 = tpu.memref_slice %arg5[%mul3A_142, %dma_start3A_155] : memref<10008x128xf32, #tpu.memory_space<vmem_shared>> -> memref<400x128xf32, #tpu.memory_space<vmem_shared>>
        tpu.enqueue_dma source(%dma_start3A_156 : memref<400x128xf32, #tpu.memory_space<vmem_shared>>) target(%dma_start3A_154 : memref<400x128xf32, #tpu.memory_space<hbm>>) target_semaphore(%run_scoped3A : memref<!tpu.dma_semaphore, #tpu.memory_space<semaphore_mem>>)
        %dma_wait3A_157 = arith.constant 0 : i32
        %dma_wait3A_158 = tpu.memref_slice %arg4[%arg0, %mul3A_142, %dma_wait3A_157] : memref<2x10000x128xf32, #tpu.memory_space<hbm>> -> memref<1x400x128xf32, #tpu.memory_space<hbm>>
        %dma_wait3A_159 = tpu.memref_squeeze %dma_wait3A_158 : memref<1x400x128xf32, #tpu.memory_space<hbm>> -> memref<400x128xf32, #tpu.memory_space<hbm>>
        %dma_wait3A_160 = arith.constant 0 : i32
        %dma_wait3A_161 = tpu.memref_slice %arg5[%mul3A_142, %dma_wait3A_160] : memref<10008x128xf32, #tpu.memory_space<vmem_shared>> -> memref<400x128xf32, #tpu.memory_space<vmem_shared>>
        tpu.wait_dma2 semaphore(%run_scoped3A : memref<!tpu.dma_semaphore, #tpu.memory_space<semaphore_mem>>) src(%dma_wait3A_161 : memref<400x128xf32, #tpu.memory_space<vmem_shared>>) dst(%dma_wait3A_159 : memref<400x128xf32, #tpu.memory_space<hbm>>)
        tpu.yield
      }) : () -> ()
    } else {
    }
    return
  }
}

#map = affine_map<(d0, d1) -> (0, 0)>
#map1 = affine_map<(d0, d1) -> (0, 0, 0, 0, 0)>
#map2 = affine_map<(d0, d1) -> (0, 0, 0)>
module attributes {stable_mosaic.version = 14 : i64} {
  func.func @agg(%arg0: i32, %arg1: i32, %arg2: memref<20000x128xf32, #tpu.memory_space<hbm>>, %arg3: memref<3x16x81x1x128xi32, #tpu.memory_space<hbm>>, %arg4: memref<2x10000x128xf32, #tpu.memory_space<hbm>>, %arg5: memref<10008x128xf32, #tpu.memory_space<vmem_shared>>, %arg6: memref<81x1x128xi32, #tpu.memory_space<vmem>>, %arg7: memref<128xi32, #tpu.memory_space<vmem>>, %arg8: memref<128xi32, #tpu.memory_space<vmem>>, %arg9: memref<128x128xf32, #tpu.memory_space<vmem>>, %arg10: memref<128x128xf32, #tpu.memory_space<vmem>>, %arg11: memref<!tpu.dma_semaphore, #tpu.memory_space<semaphore_mem>>, %arg12: memref<!tpu.dma_semaphore, #tpu.memory_space<semaphore_mem>>, %arg13: memref<!tpu.dma_semaphore, #tpu.memory_space<semaphore_mem>>, %arg14: memref<!tpu.dma_semaphore, #tpu.memory_space<semaphore_mem>>, %arg15: memref<!tpu.dma_semaphore, #tpu.memory_space<semaphore_mem>>, %arg16: memref<!tpu.dma_semaphore, #tpu.memory_space<semaphore_mem>>, %arg17: memref<!tpu.dma_semaphore, #tpu.memory_space<semaphore_mem>>) attributes {dimension_semantics = [#tpu.dimension_semantics<core_parallel>, #tpu.dimension_semantics<subcore_parallel>], iteration_bounds = array<i64: 2, 16>, scalar_prefetch = 0 : i64, scratch_operands = 13 : i64, tpu.core_type = #tpu.core_type<sc_vector_subcore>, window_params = [{transform_indices = #map}, {transform_indices = #map1}, {transform_indices = #map2}]} {
    %broadcast_in_dim3A = arith.constant 0.000000e+00 : f32
    %broadcast_in_dim3A_0 = vector.broadcast %broadcast_in_dim3A : f32 to vector<16xf32>
    %dma_start3A = arith.constant 2 : i32
    %dma_start3A_1 = arith.constant 0 : i32
    %dma_start3A_2 = arith.constant 0 : i32
    %dma_start3A_3 = arith.constant 0 : i32
    %dma_start3A_4 = tpu.memref_slice %arg3[%dma_start3A, %arg1, %dma_start3A_1, %dma_start3A_2, %dma_start3A_3] : memref<3x16x81x1x128xi32, #tpu.memory_space<hbm>> -> memref<1x1x81x1x128xi32, #tpu.memory_space<hbm>>
    %dma_start3A_5 = tpu.memref_squeeze %dma_start3A_4 : memref<1x1x81x1x128xi32, #tpu.memory_space<hbm>> -> memref<81x1x128xi32, #tpu.memory_space<hbm>>
    %dma_start3A_6 = arith.constant 0 : i32
    %dma_start3A_7 = arith.constant 0 : i32
    %dma_start3A_8 = arith.constant 0 : i32
    %dma_start3A_9 = tpu.memref_slice %arg3[%dma_start3A, %arg1, %dma_start3A_6, %dma_start3A_7, %dma_start3A_8] : memref<3x16x81x1x128xi32, #tpu.memory_space<hbm>> -> memref<1x1x81x1x128xi32, #tpu.memory_space<hbm>>
    %dma_start3A_10 = tpu.memref_squeeze %dma_start3A_9 : memref<1x1x81x1x128xi32, #tpu.memory_space<hbm>> -> memref<81x1x128xi32, #tpu.memory_space<hbm>>
    tpu.enqueue_dma source(%dma_start3A_10 : memref<81x1x128xi32, #tpu.memory_space<hbm>>) target(%arg6 : memref<81x1x128xi32, #tpu.memory_space<vmem>>) target_semaphore(%arg17 : memref<!tpu.dma_semaphore, #tpu.memory_space<semaphore_mem>>)
    %dma_start3A_11 = arith.constant 0 : i32
    %dma_start3A_12 = arith.constant 0 : i32
    %dma_start3A_13 = arith.constant 0 : i32
    %dma_start3A_14 = tpu.memref_slice %arg3[%arg0, %arg1, %dma_start3A_11, %dma_start3A_12, %dma_start3A_13] : memref<3x16x81x1x128xi32, #tpu.memory_space<hbm>> -> memref<1x1x1x1x128xi32, #tpu.memory_space<hbm>>
    %dma_start3A_15 = tpu.memref_squeeze %dma_start3A_14 : memref<1x1x1x1x128xi32, #tpu.memory_space<hbm>> -> memref<128xi32, #tpu.memory_space<hbm>>
    %dma_start3A_16 = arith.constant 0 : i32
    %dma_start3A_17 = tpu.memref_slice %arg3[%arg0, %arg1, %dma_start3A_11, %dma_start3A_12, %dma_start3A_16] : memref<3x16x81x1x128xi32, #tpu.memory_space<hbm>> -> memref<1x1x1x1x128xi32, #tpu.memory_space<hbm>>
    %dma_start3A_18 = tpu.memref_squeeze %dma_start3A_17 : memref<1x1x1x1x128xi32, #tpu.memory_space<hbm>> -> memref<128xi32, #tpu.memory_space<hbm>>
    tpu.enqueue_dma source(%dma_start3A_18 : memref<128xi32, #tpu.memory_space<hbm>>) target(%arg7 : memref<128xi32, #tpu.memory_space<vmem>>) target_semaphore(%arg15 : memref<!tpu.dma_semaphore, #tpu.memory_space<semaphore_mem>>)
    %dma_start3A_19 = arith.constant 1 : i32
    %dma_start3A_20 = arith.constant 0 : i32
    %dma_start3A_21 = arith.constant 0 : i32
    %dma_start3A_22 = tpu.memref_slice %arg3[%arg0, %arg1, %dma_start3A_19, %dma_start3A_20, %dma_start3A_21] : memref<3x16x81x1x128xi32, #tpu.memory_space<hbm>> -> memref<1x1x1x1x128xi32, #tpu.memory_space<hbm>>
    %dma_start3A_23 = tpu.memref_squeeze %dma_start3A_22 : memref<1x1x1x1x128xi32, #tpu.memory_space<hbm>> -> memref<128xi32, #tpu.memory_space<hbm>>
    %dma_start3A_24 = arith.constant 0 : i32
    %dma_start3A_25 = tpu.memref_slice %arg3[%arg0, %arg1, %dma_start3A_19, %dma_start3A_20, %dma_start3A_24] : memref<3x16x81x1x128xi32, #tpu.memory_space<hbm>> -> memref<1x1x1x1x128xi32, #tpu.memory_space<hbm>>
    %dma_start3A_26 = tpu.memref_squeeze %dma_start3A_25 : memref<1x1x1x1x128xi32, #tpu.memory_space<hbm>> -> memref<128xi32, #tpu.memory_space<hbm>>
    tpu.enqueue_dma source(%dma_start3A_26 : memref<128xi32, #tpu.memory_space<hbm>>) target(%arg8 : memref<128xi32, #tpu.memory_space<vmem>>) target_semaphore(%arg16 : memref<!tpu.dma_semaphore, #tpu.memory_space<semaphore_mem>>)
    %dma_wait3A = arith.constant 0 : i32
    %dma_wait3A_27 = arith.constant 0 : i32
    %dma_wait3A_28 = arith.constant 0 : i32
    %dma_wait3A_29 = tpu.memref_slice %arg3[%arg0, %arg1, %dma_wait3A, %dma_wait3A_27, %dma_wait3A_28] : memref<3x16x81x1x128xi32, #tpu.memory_space<hbm>> -> memref<1x1x1x1x128xi32, #tpu.memory_space<hbm>>
    %dma_wait3A_30 = tpu.memref_squeeze %dma_wait3A_29 : memref<1x1x1x1x128xi32, #tpu.memory_space<hbm>> -> memref<128xi32, #tpu.memory_space<hbm>>
    %dma_wait3A_31 = arith.constant 0 : i32
    %dma_wait3A_32 = tpu.memref_slice %arg3[%arg0, %arg1, %dma_wait3A, %dma_wait3A_27, %dma_wait3A_31] : memref<3x16x81x1x128xi32, #tpu.memory_space<hbm>> -> memref<1x1x1x1x128xi32, #tpu.memory_space<hbm>>
    %dma_wait3A_33 = tpu.memref_squeeze %dma_wait3A_32 : memref<1x1x1x1x128xi32, #tpu.memory_space<hbm>> -> memref<128xi32, #tpu.memory_space<hbm>>
    tpu.wait_dma2 semaphore(%arg16 : memref<!tpu.dma_semaphore, #tpu.memory_space<semaphore_mem>>) src(%dma_wait3A_33 : memref<128xi32, #tpu.memory_space<hbm>>) dst(%arg8 : memref<128xi32, #tpu.memory_space<vmem>>)
    %dma_start3A_34 = arith.constant 0 : i32
    %dma_start3A_35 = arith.constant 0 : i32
    %dma_start3A_36 = tpu.memref_slice %arg2[%dma_start3A_34, %dma_start3A_35] : memref<20000x128xf32, #tpu.memory_space<hbm>> -> memref<20000x128xf32, #tpu.memory_space<hbm>>
    tpu.enqueue_indirect_dma source(%dma_start3A_36 : memref<20000x128xf32, #tpu.memory_space<hbm>>) target(%arg10 : memref<128x128xf32, #tpu.memory_space<vmem>>) offsets(%arg8 : memref<128xi32, #tpu.memory_space<vmem>>) semaphore(%arg12 : memref<!tpu.dma_semaphore, #tpu.memory_space<semaphore_mem>>)
    %scan3A = arith.constant 0 : i32
    %scan3A_37 = arith.constant 0 : i32
    %scan3A_38 = arith.constant 1024 : i32
    %scan3A_39 = arith.addi %scan3A_37, %scan3A_38 : i32
    %scan3A_40 = arith.constant 1 : i32
    %scan3A_41 = scf.for %scan3A_152 = %scan3A_37 to %scan3A_39 step %scan3A_40 iter_args(%scan3A_153 = %scan3A) -> (i32)  : i32 {
      %jit3A = arith.constant 8 : i32
      %div3A = arith.divsi %scan3A_152, %jit3A : i32
      %sign3A = arith.constant 0 : i32
      %sign3A_154 = arith.cmpi sgt, %scan3A_152, %sign3A : i32
      %sign3A_155 = arith.extui %sign3A_154 : i1 to i32
      %sign3A_156 = arith.constant 0 : i32
      %sign3A_157 = arith.cmpi slt, %scan3A_152, %sign3A_156 : i32
      %sign3A_158 = arith.extui %sign3A_157 : i1 to i32
      %sign3A_159 = arith.subi %sign3A_155, %sign3A_158 : i32
      %sign3A_160 = arith.constant 0 : i32
      %sign3A_161 = arith.cmpi sgt, %jit3A, %sign3A_160 : i32
      %sign3A_162 = arith.extui %sign3A_161 : i1 to i32
      %sign3A_163 = arith.constant 0 : i32
      %sign3A_164 = arith.cmpi slt, %jit3A, %sign3A_163 : i32
      %sign3A_165 = arith.extui %sign3A_164 : i1 to i32
      %sign3A_166 = arith.subi %sign3A_162, %sign3A_165 : i32
      %ne3A = arith.cmpi ne, %sign3A_159, %sign3A_166 : i32
      %rem3A = arith.remsi %scan3A_152, %jit3A : i32
      %ne3A_167 = arith.constant 0 : i32
      %ne3A_168 = arith.cmpi ne, %rem3A, %ne3A_167 : i32
      %and3A = arith.andi %ne3A, %ne3A_168 : i1
      %sub3A = arith.constant 1 : i32
      %sub3A_169 = arith.subi %div3A, %sub3A : i32
      %select_n3A = arith.select %and3A, %sub3A_169, %div3A : i32
      %jit3A_170 = arith.constant 8 : i32
      %eq3A_171 = arith.constant 0 : i32
      %eq3A_172 = arith.cmpi eq, %jit3A_170, %eq3A_171 : i32
      %jit3A_173 = arith.constant 1 : i32
      %select_n3A_174 = arith.select %eq3A_172, %jit3A_173, %jit3A_170 : i32
      %rem3A_175 = arith.remsi %scan3A_152, %select_n3A_174 : i32
      %ne3A_176 = arith.constant 0 : i32
      %ne3A_177 = arith.cmpi ne, %rem3A_175, %ne3A_176 : i32
      %lt3A_178 = arith.constant 0 : i32
      %lt3A_179 = arith.cmpi slt, %rem3A_175, %lt3A_178 : i32
      %lt3A_180 = arith.constant 0 : i32
      %lt3A_181 = arith.cmpi slt, %select_n3A_174, %lt3A_180 : i32
      %ne3A_182 = arith.xori %lt3A_179, %lt3A_181 : i1
      %and3A_183 = arith.andi %ne3A_182, %ne3A_177 : i1
      %add3A_184 = arith.addi %rem3A_175, %select_n3A_174 : i32
      %select_n3A_185 = arith.select %and3A_183, %add3A_184, %rem3A_175 : i32
      %mul3A_186 = arith.constant 16 : i32
      %mul3A_187 = arith.muli %select_n3A_185, %mul3A_186 : i32
      %swap3A = arith.index_cast %select_n3A : i32 to index
      %swap3A_188 = arith.index_cast %mul3A_187 : i32 to index
      %swap3A_189 = tpu.vector_load %arg9[%swap3A, %swap3A_188] {strides = array<i32>} : memref<128x128xf32, #tpu.memory_space<vmem>>, vector<1x16xf32>,
      %swap3A_190 = vector.shape_cast %swap3A_189 : vector<1x16xf32> to vector<16xf32>
      %swap3A_191 = vector.shape_cast %broadcast_in_dim3A_0 : vector<16xf32> to vector<1x16xf32>
      tpu.vector_store %arg9[%swap3A, %swap3A_188], %swap3A_191 {strides = array<i32>} : memref<128x128xf32, #tpu.memory_space<vmem>>, vector<1x16xf32>,
      %scan3A_192 = arith.constant 0 : i32
      scf.yield %scan3A_192 : i32
    }
    %scan3A_42 = arith.constant 1024 : i32
    %mul3A = arith.constant 625 : i32
    %mul3A_43 = arith.muli %arg1, %mul3A : i32
    %add3A = arith.constant 0 : i32
    %add3A_44 = arith.addi %mul3A_43, %add3A : i32
    "tpu.region"() ({
      %run_scoped3A = tpu.sem_alloc : memref<!tpu.dma_semaphore, #tpu.memory_space<semaphore_mem>>
      %dma_start3A_152 = arith.constant 0 : i32
      %dma_start3A_153 = tpu.memref_slice %arg5[%add3A_44, %dma_start3A_152] : memref<10008x128xf32, #tpu.memory_space<vmem_shared>> -> memref<128x128xf32, #tpu.memory_space<vmem_shared>>
      %dma_start3A_154 = arith.constant 0 : i32
      %dma_start3A_155 = tpu.memref_slice %arg5[%add3A_44, %dma_start3A_154] : memref<10008x128xf32, #tpu.memory_space<vmem_shared>> -> memref<128x128xf32, #tpu.memory_space<vmem_shared>>
      tpu.enqueue_dma source(%arg9 : memref<128x128xf32, #tpu.memory_space<vmem>>) target(%dma_start3A_155 : memref<128x128xf32, #tpu.memory_space<vmem_shared>>) target_semaphore(%run_scoped3A : memref<!tpu.dma_semaphore, #tpu.memory_space<semaphore_mem>>)
      %dma_wait3A_156 = arith.constant 0 : i32
      %dma_wait3A_157 = tpu.memref_slice %arg5[%add3A_44, %dma_wait3A_156] : memref<10008x128xf32, #tpu.memory_space<vmem_shared>> -> memref<128x128xf32, #tpu.memory_space<vmem_shared>>
      %dma_wait3A_158 = arith.constant 0 : i32
      %dma_wait3A_159 = tpu.memref_slice %arg5[%add3A_44, %dma_wait3A_158] : memref<10008x128xf32, #tpu.memory_space<vmem_shared>> -> memref<128x128xf32, #tpu.memory_space<vmem_shared>>
      tpu.wait_dma2 semaphore(%run_scoped3A : memref<!tpu.dma_semaphore, #tpu.memory_space<semaphore_mem>>) src(%arg9 : memref<128x128xf32, #tpu.memory_space<vmem>>) dst(%dma_wait3A_159 : memref<128x128xf32, #tpu.memory_space<vmem_shared>>)
      tpu.yield
    }) : () -> ()
    %add3A_45 = arith.constant 128 : i32
    %add3A_46 = arith.addi %mul3A_43, %add3A_45 : i32
    "tpu.region"() ({
      %run_scoped3A = tpu.sem_alloc : memref<!tpu.dma_semaphore, #tpu.memory_space<semaphore_mem>>
      %dma_start3A_152 = arith.constant 0 : i32
      %dma_start3A_153 = tpu.memref_slice %arg5[%add3A_46, %dma_start3A_152] : memref<10008x128xf32, #tpu.memory_space<vmem_shared>> -> memref<128x128xf32, #tpu.memory_space<vmem_shared>>
      %dma_start3A_154 = arith.constant 0 : i32
      %dma_start3A_155 = tpu.memref_slice %arg5[%add3A_46, %dma_start3A_154] : memref<10008x128xf32, #tpu.memory_space<vmem_shared>> -> memref<128x128xf32, #tpu.memory_space<vmem_shared>>
      tpu.enqueue_dma source(%arg9 : memref<128x128xf32, #tpu.memory_space<vmem>>) target(%dma_start3A_155 : memref<128x128xf32, #tpu.memory_space<vmem_shared>>) target_semaphore(%run_scoped3A : memref<!tpu.dma_semaphore, #tpu.memory_space<semaphore_mem>>)
      %dma_wait3A_156 = arith.constant 0 : i32
      %dma_wait3A_157 = tpu.memref_slice %arg5[%add3A_46, %dma_wait3A_156] : memref<10008x128xf32, #tpu.memory_space<vmem_shared>> -> memref<128x128xf32, #tpu.memory_space<vmem_shared>>
      %dma_wait3A_158 = arith.constant 0 : i32
      %dma_wait3A_159 = tpu.memref_slice %arg5[%add3A_46, %dma_wait3A_158] : memref<10008x128xf32, #tpu.memory_space<vmem_shared>> -> memref<128x128xf32, #tpu.memory_space<vmem_shared>>
      tpu.wait_dma2 semaphore(%run_scoped3A : memref<!tpu.dma_semaphore, #tpu.memory_space<semaphore_mem>>) src(%arg9 : memref<128x128xf32, #tpu.memory_space<vmem>>) dst(%dma_wait3A_159 : memref<128x128xf32, #tpu.memory_space<vmem_shared>>)
      tpu.yield
    }) : () -> ()
    %add3A_47 = arith.constant 256 : i32
    %add3A_48 = arith.addi %mul3A_43, %add3A_47 : i32
    "tpu.region"() ({
      %run_scoped3A = tpu.sem_alloc : memref<!tpu.dma_semaphore, #tpu.memory_space<semaphore_mem>>
      %dma_start3A_152 = arith.constant 0 : i32
      %dma_start3A_153 = tpu.memref_slice %arg5[%add3A_48, %dma_start3A_152] : memref<10008x128xf32, #tpu.memory_space<vmem_shared>> -> memref<128x128xf32, #tpu.memory_space<vmem_shared>>
      %dma_start3A_154 = arith.constant 0 : i32
      %dma_start3A_155 = tpu.memref_slice %arg5[%add3A_48, %dma_start3A_154] : memref<10008x128xf32, #tpu.memory_space<vmem_shared>> -> memref<128x128xf32, #tpu.memory_space<vmem_shared>>
      tpu.enqueue_dma source(%arg9 : memref<128x128xf32, #tpu.memory_space<vmem>>) target(%dma_start3A_155 : memref<128x128xf32, #tpu.memory_space<vmem_shared>>) target_semaphore(%run_scoped3A : memref<!tpu.dma_semaphore, #tpu.memory_space<semaphore_mem>>)
      %dma_wait3A_156 = arith.constant 0 : i32
      %dma_wait3A_157 = tpu.memref_slice %arg5[%add3A_48, %dma_wait3A_156] : memref<10008x128xf32, #tpu.memory_space<vmem_shared>> -> memref<128x128xf32, #tpu.memory_space<vmem_shared>>
      %dma_wait3A_158 = arith.constant 0 : i32
      %dma_wait3A_159 = tpu.memref_slice %arg5[%add3A_48, %dma_wait3A_158] : memref<10008x128xf32, #tpu.memory_space<vmem_shared>> -> memref<128x128xf32, #tpu.memory_space<vmem_shared>>
      tpu.wait_dma2 semaphore(%run_scoped3A : memref<!tpu.dma_semaphore, #tpu.memory_space<semaphore_mem>>) src(%arg9 : memref<128x128xf32, #tpu.memory_space<vmem>>) dst(%dma_wait3A_159 : memref<128x128xf32, #tpu.memory_space<vmem_shared>>)
      tpu.yield
    }) : () -> ()
    %add3A_49 = arith.constant 384 : i32
    %add3A_50 = arith.addi %mul3A_43, %add3A_49 : i32
    "tpu.region"() ({
      %run_scoped3A = tpu.sem_alloc : memref<!tpu.dma_semaphore, #tpu.memory_space<semaphore_mem>>
      %dma_start3A_152 = arith.constant 0 : i32
      %dma_start3A_153 = tpu.memref_slice %arg5[%add3A_50, %dma_start3A_152] : memref<10008x128xf32, #tpu.memory_space<vmem_shared>> -> memref<128x128xf32, #tpu.memory_space<vmem_shared>>
      %dma_start3A_154 = arith.constant 0 : i32
      %dma_start3A_155 = tpu.memref_slice %arg5[%add3A_50, %dma_start3A_154] : memref<10008x128xf32, #tpu.memory_space<vmem_shared>> -> memref<128x128xf32, #tpu.memory_space<vmem_shared>>
      tpu.enqueue_dma source(%arg9 : memref<128x128xf32, #tpu.memory_space<vmem>>) target(%dma_start3A_155 : memref<128x128xf32, #tpu.memory_space<vmem_shared>>) target_semaphore(%run_scoped3A : memref<!tpu.dma_semaphore, #tpu.memory_space<semaphore_mem>>)
      %dma_wait3A_156 = arith.constant 0 : i32
      %dma_wait3A_157 = tpu.memref_slice %arg5[%add3A_50, %dma_wait3A_156] : memref<10008x128xf32, #tpu.memory_space<vmem_shared>> -> memref<128x128xf32, #tpu.memory_space<vmem_shared>>
      %dma_wait3A_158 = arith.constant 0 : i32
      %dma_wait3A_159 = tpu.memref_slice %arg5[%add3A_50, %dma_wait3A_158] : memref<10008x128xf32, #tpu.memory_space<vmem_shared>> -> memref<128x128xf32, #tpu.memory_space<vmem_shared>>
      tpu.wait_dma2 semaphore(%run_scoped3A : memref<!tpu.dma_semaphore, #tpu.memory_space<semaphore_mem>>) src(%arg9 : memref<128x128xf32, #tpu.memory_space<vmem>>) dst(%dma_wait3A_159 : memref<128x128xf32, #tpu.memory_space<vmem_shared>>)
      tpu.yield
    }) : () -> ()
    %add3A_51 = arith.constant 512 : i32
    %add3A_52 = arith.addi %mul3A_43, %add3A_51 : i32
    "tpu.region"() ({
      %run_scoped3A = tpu.sem_alloc : memref<!tpu.dma_semaphore, #tpu.memory_space<semaphore_mem>>
      %dma_start3A_152 = arith.constant 0 : i32
      %dma_start3A_153 = arith.constant 0 : i32
      %dma_start3A_154 = tpu.memref_slice %arg9[%dma_start3A_152, %dma_start3A_153] : memref<128x128xf32, #tpu.memory_space<vmem>> -> memref<113x128xf32, #tpu.memory_space<vmem>>
      %dma_start3A_155 = arith.constant 0 : i32
      %dma_start3A_156 = tpu.memref_slice %arg5[%add3A_52, %dma_start3A_155] : memref<10008x128xf32, #tpu.memory_space<vmem_shared>> -> memref<113x128xf32, #tpu.memory_space<vmem_shared>>
      %dma_start3A_157 = arith.constant 0 : i32
      %dma_start3A_158 = tpu.memref_slice %arg5[%add3A_52, %dma_start3A_157] : memref<10008x128xf32, #tpu.memory_space<vmem_shared>> -> memref<113x128xf32, #tpu.memory_space<vmem_shared>>
      %dma_start3A_159 = arith.constant 0 : i32
      %dma_start3A_160 = arith.constant 0 : i32
      %dma_start3A_161 = tpu.memref_slice %arg9[%dma_start3A_159, %dma_start3A_160] : memref<128x128xf32, #tpu.memory_space<vmem>> -> memref<113x128xf32, #tpu.memory_space<vmem>>
      tpu.enqueue_dma source(%dma_start3A_161 : memref<113x128xf32, #tpu.memory_space<vmem>>) target(%dma_start3A_158 : memref<113x128xf32, #tpu.memory_space<vmem_shared>>) target_semaphore(%run_scoped3A : memref<!tpu.dma_semaphore, #tpu.memory_space<semaphore_mem>>)
      %dma_wait3A_162 = arith.constant 0 : i32
      %dma_wait3A_163 = arith.constant 0 : i32
      %dma_wait3A_164 = tpu.memref_slice %arg9[%dma_wait3A_162, %dma_wait3A_163] : memref<128x128xf32, #tpu.memory_space<vmem>> -> memref<113x128xf32, #tpu.memory_space<vmem>>
      %dma_wait3A_165 = arith.constant 0 : i32
      %dma_wait3A_166 = tpu.memref_slice %arg5[%add3A_52, %dma_wait3A_165] : memref<10008x128xf32, #tpu.memory_space<vmem_shared>> -> memref<113x128xf32, #tpu.memory_space<vmem_shared>>
      %dma_wait3A_167 = arith.constant 0 : i32
      %dma_wait3A_168 = tpu.memref_slice %arg5[%add3A_52, %dma_wait3A_167] : memref<10008x128xf32, #tpu.memory_space<vmem_shared>> -> memref<113x128xf32, #tpu.memory_space<vmem_shared>>
      %dma_wait3A_169 = arith.constant 0 : i32
      %dma_wait3A_170 = arith.constant 0 : i32
      %dma_wait3A_171 = tpu.memref_slice %arg9[%dma_wait3A_169, %dma_wait3A_170] : memref<128x128xf32, #tpu.memory_space<vmem>> -> memref<113x128xf32, #tpu.memory_space<vmem>>
      tpu.wait_dma2 semaphore(%run_scoped3A : memref<!tpu.dma_semaphore, #tpu.memory_space<semaphore_mem>>) src(%dma_wait3A_171 : memref<113x128xf32, #tpu.memory_space<vmem>>) dst(%dma_wait3A_168 : memref<113x128xf32, #tpu.memory_space<vmem_shared>>)
      tpu.yield
    }) : () -> ()
    %eq3A = arith.constant 0 : i32
    %eq3A_53 = arith.cmpi eq, %arg1, %eq3A : i32
    %convert_element_type3A = arith.extui %eq3A_53 : i1 to i32
    %cond3A = arith.constant 0 : i32
    %cond3A_54 = arith.cmpi ne, %convert_element_type3A, %cond3A : i32
    scf.if %cond3A_54 {
      "tpu.region"() ({
        %run_scoped3A = tpu.sem_alloc : memref<!tpu.dma_semaphore, #tpu.memory_space<semaphore_mem>>
        %dma_start3A_152 = arith.constant 0 : i32
        %dma_start3A_153 = arith.constant 0 : i32
        %dma_start3A_154 = tpu.memref_slice %arg9[%dma_start3A_152, %dma_start3A_153] : memref<128x128xf32, #tpu.memory_space<vmem>> -> memref<8x128xf32, #tpu.memory_space<vmem>>
        %dma_start3A_155 = arith.constant 10000 : i32
        %dma_start3A_156 = arith.constant 0 : i32
        %dma_start3A_157 = tpu.memref_slice %arg5[%dma_start3A_155, %dma_start3A_156] : memref<10008x128xf32, #tpu.memory_space<vmem_shared>> -> memref<8x128xf32, #tpu.memory_space<vmem_shared>>
        %dma_start3A_158 = arith.constant 10000 : i32
        %dma_start3A_159 = arith.constant 0 : i32
        %dma_start3A_160 = tpu.memref_slice %arg5[%dma_start3A_158, %dma_start3A_159] : memref<10008x128xf32, #tpu.memory_space<vmem_shared>> -> memref<8x128xf32, #tpu.memory_space<vmem_shared>>
        %dma_start3A_161 = arith.constant 0 : i32
        %dma_start3A_162 = arith.constant 0 : i32
        %dma_start3A_163 = tpu.memref_slice %arg9[%dma_start3A_161, %dma_start3A_162] : memref<128x128xf32, #tpu.memory_space<vmem>> -> memref<8x128xf32, #tpu.memory_space<vmem>>
        tpu.enqueue_dma source(%dma_start3A_163 : memref<8x128xf32, #tpu.memory_space<vmem>>) target(%dma_start3A_160 : memref<8x128xf32, #tpu.memory_space<vmem_shared>>) target_semaphore(%run_scoped3A : memref<!tpu.dma_semaphore, #tpu.memory_space<semaphore_mem>>)
        %dma_wait3A_164 = arith.constant 0 : i32
        %dma_wait3A_165 = arith.constant 0 : i32
        %dma_wait3A_166 = tpu.memref_slice %arg9[%dma_wait3A_164, %dma_wait3A_165] : memref<128x128xf32, #tpu.memory_space<vmem>> -> memref<8x128xf32, #tpu.memory_space<vmem>>
        %dma_wait3A_167 = arith.constant 10000 : i32
        %dma_wait3A_168 = arith.constant 0 : i32
        %dma_wait3A_169 = tpu.memref_slice %arg5[%dma_wait3A_167, %dma_wait3A_168] : memref<10008x128xf32, #tpu.memory_space<vmem_shared>> -> memref<8x128xf32, #tpu.memory_space<vmem_shared>>
        %dma_wait3A_170 = arith.constant 10000 : i32
        %dma_wait3A_171 = arith.constant 0 : i32
        %dma_wait3A_172 = tpu.memref_slice %arg5[%dma_wait3A_170, %dma_wait3A_171] : memref<10008x128xf32, #tpu.memory_space<vmem_shared>> -> memref<8x128xf32, #tpu.memory_space<vmem_shared>>
        %dma_wait3A_173 = arith.constant 0 : i32
        %dma_wait3A_174 = arith.constant 0 : i32
        %dma_wait3A_175 = tpu.memref_slice %arg9[%dma_wait3A_173, %dma_wait3A_174] : memref<128x128xf32, #tpu.memory_space<vmem>> -> memref<8x128xf32, #tpu.memory_space<vmem>>
        tpu.wait_dma2 semaphore(%run_scoped3A : memref<!tpu.dma_semaphore, #tpu.memory_space<semaphore_mem>>) src(%dma_wait3A_175 : memref<8x128xf32, #tpu.memory_space<vmem>>) dst(%dma_wait3A_172 : memref<8x128xf32, #tpu.memory_space<vmem_shared>>)
        tpu.yield
      }) : () -> ()
    } else {
    }
    %dma_wait3A_55 = arith.constant 0 : i32
    %dma_wait3A_56 = arith.constant 0 : i32
    %dma_wait3A_57 = arith.constant 0 : i32
    %dma_wait3A_58 = tpu.memref_slice %arg3[%arg0, %arg1, %dma_wait3A_55, %dma_wait3A_56, %dma_wait3A_57] : memref<3x16x81x1x128xi32, #tpu.memory_space<hbm>> -> memref<1x1x1x1x128xi32, #tpu.memory_space<hbm>>
    %dma_wait3A_59 = tpu.memref_squeeze %dma_wait3A_58 : memref<1x1x1x1x128xi32, #tpu.memory_space<hbm>> -> memref<128xi32, #tpu.memory_space<hbm>>
    %dma_wait3A_60 = arith.constant 0 : i32
    %dma_wait3A_61 = tpu.memref_slice %arg3[%arg0, %arg1, %dma_wait3A_55, %dma_wait3A_56, %dma_wait3A_60] : memref<3x16x81x1x128xi32, #tpu.memory_space<hbm>> -> memref<1x1x1x1x128xi32, #tpu.memory_space<hbm>>
    %dma_wait3A_62 = tpu.memref_squeeze %dma_wait3A_61 : memref<1x1x1x1x128xi32, #tpu.memory_space<hbm>> -> memref<128xi32, #tpu.memory_space<hbm>>
    tpu.wait_dma2 semaphore(%arg15 : memref<!tpu.dma_semaphore, #tpu.memory_space<semaphore_mem>>) src(%dma_wait3A_62 : memref<128xi32, #tpu.memory_space<hbm>>) dst(%arg7 : memref<128xi32, #tpu.memory_space<vmem>>)
    %dma_start3A_63 = arith.constant 0 : i32
    %dma_start3A_64 = arith.constant 0 : i32
    %dma_start3A_65 = tpu.memref_slice %arg2[%dma_start3A_63, %dma_start3A_64] : memref<20000x128xf32, #tpu.memory_space<hbm>> -> memref<20000x128xf32, #tpu.memory_space<hbm>>
    tpu.enqueue_indirect_dma source(%dma_start3A_65 : memref<20000x128xf32, #tpu.memory_space<hbm>>) target(%arg9 : memref<128x128xf32, #tpu.memory_space<vmem>>) offsets(%arg7 : memref<128xi32, #tpu.memory_space<vmem>>) semaphore(%arg11 : memref<!tpu.dma_semaphore, #tpu.memory_space<semaphore_mem>>)
    %dma_wait3A_66 = arith.constant 2 : i32
    %dma_wait3A_67 = arith.constant 0 : i32
    %dma_wait3A_68 = arith.constant 0 : i32
    %dma_wait3A_69 = arith.constant 0 : i32
    %dma_wait3A_70 = tpu.memref_slice %arg3[%dma_wait3A_66, %arg1, %dma_wait3A_67, %dma_wait3A_68, %dma_wait3A_69] : memref<3x16x81x1x128xi32, #tpu.memory_space<hbm>> -> memref<1x1x81x1x128xi32, #tpu.memory_space<hbm>>
    %dma_wait3A_71 = tpu.memref_squeeze %dma_wait3A_70 : memref<1x1x81x1x128xi32, #tpu.memory_space<hbm>> -> memref<81x1x128xi32, #tpu.memory_space<hbm>>
    %dma_wait3A_72 = arith.constant 0 : i32
    %dma_wait3A_73 = arith.constant 0 : i32
    %dma_wait3A_74 = arith.constant 0 : i32
    %dma_wait3A_75 = tpu.memref_slice %arg3[%dma_wait3A_66, %arg1, %dma_wait3A_72, %dma_wait3A_73, %dma_wait3A_74] : memref<3x16x81x1x128xi32, #tpu.memory_space<hbm>> -> memref<1x1x81x1x128xi32, #tpu.memory_space<hbm>>
    %dma_wait3A_76 = tpu.memref_squeeze %dma_wait3A_75 : memref<1x1x81x1x128xi32, #tpu.memory_space<hbm>> -> memref<81x1x128xi32, #tpu.memory_space<hbm>>
    tpu.wait_dma2 semaphore(%arg17 : memref<!tpu.dma_semaphore, #tpu.memory_space<semaphore_mem>>) src(%dma_wait3A_76 : memref<81x1x128xi32, #tpu.memory_space<hbm>>) dst(%arg6 : memref<81x1x128xi32, #tpu.memory_space<vmem>>)
    %barrier3A = arith.constant 0 : index
    tpu.barrier barrier_id(%barrier3A)
    %dma_wait3A_77 = arith.constant 0 : i32
    %dma_wait3A_78 = arith.constant 0 : i32
    %dma_wait3A_79 = tpu.memref_slice %arg2[%dma_wait3A_77, %dma_wait3A_78] : memref<20000x128xf32, #tpu.memory_space<hbm>> -> memref<128x128xf32, #tpu.memory_space<hbm>>
    %dma_wait3A_80 = arith.constant 0 : i32
    %dma_wait3A_81 = arith.constant 0 : i32
    %dma_wait3A_82 = tpu.memref_slice %arg2[%dma_wait3A_80, %dma_wait3A_81] : memref<20000x128xf32, #tpu.memory_space<hbm>> -> memref<128x128xf32, #tpu.memory_space<hbm>>
    tpu.wait_dma2 semaphore(%arg11 : memref<!tpu.dma_semaphore, #tpu.memory_space<semaphore_mem>>) src(%dma_wait3A_82 : memref<128x128xf32, #tpu.memory_space<hbm>>) dst(%arg9 : memref<128x128xf32, #tpu.memory_space<vmem>>)
    %dma_start3A_83 = arith.constant 0 : i32
    %dma_start3A_84 = arith.constant 0 : i32
    %dma_start3A_85 = arith.constant 0 : i32
    %dma_start3A_86 = tpu.memref_slice %arg6[%dma_start3A_83, %dma_start3A_84, %dma_start3A_85] : memref<81x1x128xi32, #tpu.memory_space<vmem>> -> memref<1x1x128xi32, #tpu.memory_space<vmem>>
    %dma_start3A_87 = tpu.memref_squeeze %dma_start3A_86 : memref<1x1x128xi32, #tpu.memory_space<vmem>> -> memref<128xi32, #tpu.memory_space<vmem>>
    %dma_start3A_88 = arith.constant 0 : i32
    %dma_start3A_89 = arith.constant 0 : i32
    %dma_start3A_90 = tpu.memref_slice %arg5[%dma_start3A_88, %dma_start3A_89] : memref<10008x128xf32, #tpu.memory_space<vmem_shared>> -> memref<10008x128xf32, #tpu.memory_space<vmem_shared>>
    tpu.enqueue_indirect_dma source(%arg9 : memref<128x128xf32, #tpu.memory_space<vmem>>) target(%dma_start3A_90 : memref<10008x128xf32, #tpu.memory_space<vmem_shared>>) offsets(%dma_start3A_87 : memref<128xi32, #tpu.memory_space<vmem>>) semaphore(%arg13 : memref<!tpu.dma_semaphore, #tpu.memory_space<semaphore_mem>>) {add = true}
    %dma_start3A_91 = arith.constant 2 : i32
    %dma_start3A_92 = arith.constant 0 : i32
    %dma_start3A_93 = arith.constant 0 : i32
    %dma_start3A_94 = tpu.memref_slice %arg3[%arg0, %arg1, %dma_start3A_91, %dma_start3A_92, %dma_start3A_93] : memref<3x16x81x1x128xi32, #tpu.memory_space<hbm>> -> memref<1x1x1x1x128xi32, #tpu.memory_space<hbm>>
    %dma_start3A_95 = tpu.memref_squeeze %dma_start3A_94 : memref<1x1x1x1x128xi32, #tpu.memory_space<hbm>> -> memref<128xi32, #tpu.memory_space<hbm>>
    %dma_start3A_96 = arith.constant 0 : i32
    %dma_start3A_97 = tpu.memref_slice %arg3[%arg0, %arg1, %dma_start3A_91, %dma_start3A_92, %dma_start3A_96] : memref<3x16x81x1x128xi32, #tpu.memory_space<hbm>> -> memref<1x1x1x1x128xi32, #tpu.memory_space<hbm>>
    %dma_start3A_98 = tpu.memref_squeeze %dma_start3A_97 : memref<1x1x1x1x128xi32, #tpu.memory_space<hbm>> -> memref<128xi32, #tpu.memory_space<hbm>>
    tpu.enqueue_dma source(%dma_start3A_98 : memref<128xi32, #tpu.memory_space<hbm>>) target(%arg7 : memref<128xi32, #tpu.memory_space<vmem>>) target_semaphore(%arg15 : memref<!tpu.dma_semaphore, #tpu.memory_space<semaphore_mem>>)
    %scan3A_99 = arith.constant 0 : i32
    %scan3A_100 = arith.constant 0 : i32
    %scan3A_101 = arith.constant 39 : i32
    %scan3A_102 = arith.addi %scan3A_100, %scan3A_101 : i32
    %scan3A_103 = arith.constant 1 : i32
    %scan3A_104 = scf.for %scan3A_152 = %scan3A_100 to %scan3A_102 step %scan3A_103 iter_args(%scan3A_153 = %scan3A_99) -> (i32)  : i32 {
      %mul3A_154 = arith.constant 2 : i32
      %mul3A_155 = arith.muli %mul3A_154, %scan3A_152 : i32
      %add3A_156 = arith.constant 2 : i32
      %add3A_157 = arith.addi %mul3A_155, %add3A_156 : i32
      %dma_wait3A_158 = arith.constant 0 : i32
      %dma_wait3A_159 = arith.constant 0 : i32
      %dma_wait3A_160 = arith.constant 0 : i32
      %dma_wait3A_161 = tpu.memref_slice %arg3[%arg0, %arg1, %dma_wait3A_158, %dma_wait3A_159, %dma_wait3A_160] : memref<3x16x81x1x128xi32, #tpu.memory_space<hbm>> -> memref<1x1x1x1x128xi32, #tpu.memory_space<hbm>>
      %dma_wait3A_162 = tpu.memref_squeeze %dma_wait3A_161 : memref<1x1x1x1x128xi32, #tpu.memory_space<hbm>> -> memref<128xi32, #tpu.memory_space<hbm>>
      %dma_wait3A_163 = arith.constant 0 : i32
      %dma_wait3A_164 = tpu.memref_slice %arg3[%arg0, %arg1, %dma_wait3A_158, %dma_wait3A_159, %dma_wait3A_163] : memref<3x16x81x1x128xi32, #tpu.memory_space<hbm>> -> memref<1x1x1x1x128xi32, #tpu.memory_space<hbm>>
      %dma_wait3A_165 = tpu.memref_squeeze %dma_wait3A_164 : memref<1x1x1x1x128xi32, #tpu.memory_space<hbm>> -> memref<128xi32, #tpu.memory_space<hbm>>
      tpu.wait_dma2 semaphore(%arg15 : memref<!tpu.dma_semaphore, #tpu.memory_space<semaphore_mem>>) src(%dma_wait3A_165 : memref<128xi32, #tpu.memory_space<hbm>>) dst(%arg7 : memref<128xi32, #tpu.memory_space<vmem>>)
      %dma_wait3A_166 = arith.constant 0 : i32
      %dma_wait3A_167 = arith.constant 0 : i32
      %dma_wait3A_168 = tpu.memref_slice %arg5[%dma_wait3A_166, %dma_wait3A_167] : memref<10008x128xf32, #tpu.memory_space<vmem_shared>> -> memref<128x128xf32, #tpu.memory_space<vmem_shared>>
      %dma_wait3A_169 = arith.constant 0 : i32
      %dma_wait3A_170 = arith.constant 0 : i32
      %dma_wait3A_171 = tpu.memref_slice %arg5[%dma_wait3A_169, %dma_wait3A_170] : memref<10008x128xf32, #tpu.memory_space<vmem_shared>> -> memref<128x128xf32, #tpu.memory_space<vmem_shared>>
      tpu.wait_dma2 semaphore(%arg13 : memref<!tpu.dma_semaphore, #tpu.memory_space<semaphore_mem>>) src(%arg9 : memref<128x128xf32, #tpu.memory_space<vmem>>) dst(%dma_wait3A_171 : memref<128x128xf32, #tpu.memory_space<vmem_shared>>)
      %dma_start3A_172 = arith.constant 0 : i32
      %dma_start3A_173 = arith.constant 0 : i32
      %dma_start3A_174 = tpu.memref_slice %arg2[%dma_start3A_172, %dma_start3A_173] : memref<20000x128xf32, #tpu.memory_space<hbm>> -> memref<20000x128xf32, #tpu.memory_space<hbm>>
      tpu.enqueue_indirect_dma source(%dma_start3A_174 : memref<20000x128xf32, #tpu.memory_space<hbm>>) target(%arg9 : memref<128x128xf32, #tpu.memory_space<vmem>>) offsets(%arg7 : memref<128xi32, #tpu.memory_space<vmem>>) semaphore(%arg11 : memref<!tpu.dma_semaphore, #tpu.memory_space<semaphore_mem>>)
      %dma_wait3A_175 = arith.constant 0 : i32
      %dma_wait3A_176 = arith.constant 0 : i32
      %dma_wait3A_177 = tpu.memref_slice %arg2[%dma_wait3A_175, %dma_wait3A_176] : memref<20000x128xf32, #tpu.memory_space<hbm>> -> memref<128x128xf32, #tpu.memory_space<hbm>>
      %dma_wait3A_178 = arith.constant 0 : i32
      %dma_wait3A_179 = arith.constant 0 : i32
      %dma_wait3A_180 = tpu.memref_slice %arg2[%dma_wait3A_178, %dma_wait3A_179] : memref<20000x128xf32, #tpu.memory_space<hbm>> -> memref<128x128xf32, #tpu.memory_space<hbm>>
      tpu.wait_dma2 semaphore(%arg12 : memref<!tpu.dma_semaphore, #tpu.memory_space<semaphore_mem>>) src(%dma_wait3A_180 : memref<128x128xf32, #tpu.memory_space<hbm>>) dst(%arg10 : memref<128x128xf32, #tpu.memory_space<vmem>>)
      %sub3A = arith.constant 1 : i32
      %sub3A_181 = arith.subi %add3A_157, %sub3A : i32
      %dma_start3A_182 = arith.constant 0 : i32
      %dma_start3A_183 = arith.constant 0 : i32
      %dma_start3A_184 = tpu.memref_slice %arg6[%sub3A_181, %dma_start3A_182, %dma_start3A_183] : memref<81x1x128xi32, #tpu.memory_space<vmem>> -> memref<1x1x128xi32, #tpu.memory_space<vmem>>
      %dma_start3A_185 = tpu.memref_squeeze %dma_start3A_184 : memref<1x1x128xi32, #tpu.memory_space<vmem>> -> memref<128xi32, #tpu.memory_space<vmem>>
      %dma_start3A_186 = arith.constant 0 : i32
      %dma_start3A_187 = arith.constant 0 : i32
      %dma_start3A_188 = tpu.memref_slice %arg5[%dma_start3A_186, %dma_start3A_187] : memref<10008x128xf32, #tpu.memory_space<vmem_shared>> -> memref<10008x128xf32, #tpu.memory_space<vmem_shared>>
      tpu.enqueue_indirect_dma source(%arg10 : memref<128x128xf32, #tpu.memory_space<vmem>>) target(%dma_start3A_188 : memref<10008x128xf32, #tpu.memory_space<vmem_shared>>) offsets(%dma_start3A_185 : memref<128xi32, #tpu.memory_space<vmem>>) semaphore(%arg14 : memref<!tpu.dma_semaphore, #tpu.memory_space<semaphore_mem>>) {add = true}
      %add3A_189 = arith.constant 1 : i32
      %add3A_190 = arith.addi %add3A_157, %add3A_189 : i32
      %dma_start3A_191 = arith.constant 0 : i32
      %dma_start3A_192 = arith.constant 0 : i32
      %dma_start3A_193 = tpu.memref_slice %arg3[%arg0, %arg1, %add3A_190, %dma_start3A_191, %dma_start3A_192] : memref<3x16x81x1x128xi32, #tpu.memory_space<hbm>> -> memref<1x1x1x1x128xi32, #tpu.memory_space<hbm>>
      %dma_start3A_194 = tpu.memref_squeeze %dma_start3A_193 : memref<1x1x1x1x128xi32, #tpu.memory_space<hbm>> -> memref<128xi32, #tpu.memory_space<hbm>>
      %dma_start3A_195 = arith.constant 0 : i32
      %dma_start3A_196 = tpu.memref_slice %arg3[%arg0, %arg1, %add3A_190, %dma_start3A_191, %dma_start3A_195] : memref<3x16x81x1x128xi32, #tpu.memory_space<hbm>> -> memref<1x1x1x1x128xi32, #tpu.memory_space<hbm>>
      %dma_start3A_197 = tpu.memref_squeeze %dma_start3A_196 : memref<1x1x1x1x128xi32, #tpu.memory_space<hbm>> -> memref<128xi32, #tpu.memory_space<hbm>>
      tpu.enqueue_dma source(%dma_start3A_197 : memref<128xi32, #tpu.memory_space<hbm>>) target(%arg8 : memref<128xi32, #tpu.memory_space<vmem>>) target_semaphore(%arg16 : memref<!tpu.dma_semaphore, #tpu.memory_space<semaphore_mem>>)
      %add3A_198 = arith.constant 1 : i32
      %add3A_199 = arith.addi %add3A_157, %add3A_198 : i32
      %dma_wait3A_200 = arith.constant 0 : i32
      %dma_wait3A_201 = arith.constant 0 : i32
      %dma_wait3A_202 = arith.constant 0 : i32
      %dma_wait3A_203 = tpu.memref_slice %arg3[%arg0, %arg1, %dma_wait3A_200, %dma_wait3A_201, %dma_wait3A_202] : memref<3x16x81x1x128xi32, #tpu.memory_space<hbm>> -> memref<1x1x1x1x128xi32, #tpu.memory_space<hbm>>
      %dma_wait3A_204 = tpu.memref_squeeze %dma_wait3A_203 : memref<1x1x1x1x128xi32, #tpu.memory_space<hbm>> -> memref<128xi32, #tpu.memory_space<hbm>>
      %dma_wait3A_205 = arith.constant 0 : i32
      %dma_wait3A_206 = tpu.memref_slice %arg3[%arg0, %arg1, %dma_wait3A_200, %dma_wait3A_201, %dma_wait3A_205] : memref<3x16x81x1x128xi32, #tpu.memory_space<hbm>> -> memref<1x1x1x1x128xi32, #tpu.memory_space<hbm>>
      %dma_wait3A_207 = tpu.memref_squeeze %dma_wait3A_206 : memref<1x1x1x1x128xi32, #tpu.memory_space<hbm>> -> memref<128xi32, #tpu.memory_space<hbm>>
      tpu.wait_dma2 semaphore(%arg16 : memref<!tpu.dma_semaphore, #tpu.memory_space<semaphore_mem>>) src(%dma_wait3A_207 : memref<128xi32, #tpu.memory_space<hbm>>) dst(%arg8 : memref<128xi32, #tpu.memory_space<vmem>>)
      %dma_wait3A_208 = arith.constant 0 : i32
      %dma_wait3A_209 = arith.constant 0 : i32
      %dma_wait3A_210 = tpu.memref_slice %arg5[%dma_wait3A_208, %dma_wait3A_209] : memref<10008x128xf32, #tpu.memory_space<vmem_shared>> -> memref<128x128xf32, #tpu.memory_space<vmem_shared>>
      %dma_wait3A_211 = arith.constant 0 : i32
      %dma_wait3A_212 = arith.constant 0 : i32
      %dma_wait3A_213 = tpu.memref_slice %arg5[%dma_wait3A_211, %dma_wait3A_212] : memref<10008x128xf32, #tpu.memory_space<vmem_shared>> -> memref<128x128xf32, #tpu.memory_space<vmem_shared>>
      tpu.wait_dma2 semaphore(%arg14 : memref<!tpu.dma_semaphore, #tpu.memory_space<semaphore_mem>>) src(%arg10 : memref<128x128xf32, #tpu.memory_space<vmem>>) dst(%dma_wait3A_213 : memref<128x128xf32, #tpu.memory_space<vmem_shared>>)
      %dma_start3A_214 = arith.constant 0 : i32
      %dma_start3A_215 = arith.constant 0 : i32
      %dma_start3A_216 = tpu.memref_slice %arg2[%dma_start3A_214, %dma_start3A_215] : memref<20000x128xf32, #tpu.memory_space<hbm>> -> memref<20000x128xf32, #tpu.memory_space<hbm>>
      tpu.enqueue_indirect_dma source(%dma_start3A_216 : memref<20000x128xf32, #tpu.memory_space<hbm>>) target(%arg10 : memref<128x128xf32, #tpu.memory_space<vmem>>) offsets(%arg8 : memref<128xi32, #tpu.memory_space<vmem>>) semaphore(%arg12 : memref<!tpu.dma_semaphore, #tpu.memory_space<semaphore_mem>>)
      %dma_wait3A_217 = arith.constant 0 : i32
      %dma_wait3A_218 = arith.constant 0 : i32
      %dma_wait3A_219 = tpu.memref_slice %arg2[%dma_wait3A_217, %dma_wait3A_218] : memref<20000x128xf32, #tpu.memory_space<hbm>> -> memref<128x128xf32, #tpu.memory_space<hbm>>
      %dma_wait3A_220 = arith.constant 0 : i32
      %dma_wait3A_221 = arith.constant 0 : i32
      %dma_wait3A_222 = tpu.memref_slice %arg2[%dma_wait3A_220, %dma_wait3A_221] : memref<20000x128xf32, #tpu.memory_space<hbm>> -> memref<128x128xf32, #tpu.memory_space<hbm>>
      tpu.wait_dma2 semaphore(%arg11 : memref<!tpu.dma_semaphore, #tpu.memory_space<semaphore_mem>>) src(%dma_wait3A_222 : memref<128x128xf32, #tpu.memory_space<hbm>>) dst(%arg9 : memref<128x128xf32, #tpu.memory_space<vmem>>)
      %sub3A_223 = arith.constant 1 : i32
      %sub3A_224 = arith.subi %add3A_199, %sub3A_223 : i32
      %dma_start3A_225 = arith.constant 0 : i32
      %dma_start3A_226 = arith.constant 0 : i32
      %dma_start3A_227 = tpu.memref_slice %arg6[%sub3A_224, %dma_start3A_225, %dma_start3A_226] : memref<81x1x128xi32, #tpu.memory_space<vmem>> -> memref<1x1x128xi32, #tpu.memory_space<vmem>>
      %dma_start3A_228 = tpu.memref_squeeze %dma_start3A_227 : memref<1x1x128xi32, #tpu.memory_space<vmem>> -> memref<128xi32, #tpu.memory_space<vmem>>
      %dma_start3A_229 = arith.constant 0 : i32
      %dma_start3A_230 = arith.constant 0 : i32
      %dma_start3A_231 = tpu.memref_slice %arg5[%dma_start3A_229, %dma_start3A_230] : memref<10008x128xf32, #tpu.memory_space<vmem_shared>> -> memref<10008x128xf32, #tpu.memory_space<vmem_shared>>
      tpu.enqueue_indirect_dma source(%arg9 : memref<128x128xf32, #tpu.memory_space<vmem>>) target(%dma_start3A_231 : memref<10008x128xf32, #tpu.memory_space<vmem_shared>>) offsets(%dma_start3A_228 : memref<128xi32, #tpu.memory_space<vmem>>) semaphore(%arg13 : memref<!tpu.dma_semaphore, #tpu.memory_space<semaphore_mem>>) {add = true}
      %add3A_232 = arith.constant 1 : i32
      %add3A_233 = arith.addi %add3A_199, %add3A_232 : i32
      %dma_start3A_234 = arith.constant 0 : i32
      %dma_start3A_235 = arith.constant 0 : i32
      %dma_start3A_236 = tpu.memref_slice %arg3[%arg0, %arg1, %add3A_233, %dma_start3A_234, %dma_start3A_235] : memref<3x16x81x1x128xi32, #tpu.memory_space<hbm>> -> memref<1x1x1x1x128xi32, #tpu.memory_space<hbm>>
      %dma_start3A_237 = tpu.memref_squeeze %dma_start3A_236 : memref<1x1x1x1x128xi32, #tpu.memory_space<hbm>> -> memref<128xi32, #tpu.memory_space<hbm>>
      %dma_start3A_238 = arith.constant 0 : i32
      %dma_start3A_239 = tpu.memref_slice %arg3[%arg0, %arg1, %add3A_233, %dma_start3A_234, %dma_start3A_238] : memref<3x16x81x1x128xi32, #tpu.memory_space<hbm>> -> memref<1x1x1x1x128xi32, #tpu.memory_space<hbm>>
      %dma_start3A_240 = tpu.memref_squeeze %dma_start3A_239 : memref<1x1x1x1x128xi32, #tpu.memory_space<hbm>> -> memref<128xi32, #tpu.memory_space<hbm>>
      tpu.enqueue_dma source(%dma_start3A_240 : memref<128xi32, #tpu.memory_space<hbm>>) target(%arg7 : memref<128xi32, #tpu.memory_space<vmem>>) target_semaphore(%arg15 : memref<!tpu.dma_semaphore, #tpu.memory_space<semaphore_mem>>)
      %scan3A_241 = arith.constant 0 : i32
      scf.yield %scan3A_241 : i32
    }
    %scan3A_105 = arith.constant 39 : i32
    %dma_wait3A_106 = arith.constant 0 : i32
    %dma_wait3A_107 = arith.constant 0 : i32
    %dma_wait3A_108 = tpu.memref_slice %arg2[%dma_wait3A_106, %dma_wait3A_107] : memref<20000x128xf32, #tpu.memory_space<hbm>> -> memref<128x128xf32, #tpu.memory_space<hbm>>
    %dma_wait3A_109 = arith.constant 0 : i32
    %dma_wait3A_110 = arith.constant 0 : i32
    %dma_wait3A_111 = tpu.memref_slice %arg2[%dma_wait3A_109, %dma_wait3A_110] : memref<20000x128xf32, #tpu.memory_space<hbm>> -> memref<128x128xf32, #tpu.memory_space<hbm>>
    tpu.wait_dma2 semaphore(%arg12 : memref<!tpu.dma_semaphore, #tpu.memory_space<semaphore_mem>>) src(%dma_wait3A_111 : memref<128x128xf32, #tpu.memory_space<hbm>>) dst(%arg10 : memref<128x128xf32, #tpu.memory_space<vmem>>)
    %dma_start3A_112 = arith.constant 79 : i32
    %dma_start3A_113 = arith.constant 0 : i32
    %dma_start3A_114 = arith.constant 0 : i32
    %dma_start3A_115 = tpu.memref_slice %arg6[%dma_start3A_112, %dma_start3A_113, %dma_start3A_114] : memref<81x1x128xi32, #tpu.memory_space<vmem>> -> memref<1x1x128xi32, #tpu.memory_space<vmem>>
    %dma_start3A_116 = tpu.memref_squeeze %dma_start3A_115 : memref<1x1x128xi32, #tpu.memory_space<vmem>> -> memref<128xi32, #tpu.memory_space<vmem>>
    %dma_start3A_117 = arith.constant 0 : i32
    %dma_start3A_118 = arith.constant 0 : i32
    %dma_start3A_119 = tpu.memref_slice %arg5[%dma_start3A_117, %dma_start3A_118] : memref<10008x128xf32, #tpu.memory_space<vmem_shared>> -> memref<10008x128xf32, #tpu.memory_space<vmem_shared>>
    tpu.enqueue_indirect_dma source(%arg10 : memref<128x128xf32, #tpu.memory_space<vmem>>) target(%dma_start3A_119 : memref<10008x128xf32, #tpu.memory_space<vmem_shared>>) offsets(%dma_start3A_116 : memref<128xi32, #tpu.memory_space<vmem>>) semaphore(%arg14 : memref<!tpu.dma_semaphore, #tpu.memory_space<semaphore_mem>>) {add = true}
    %dma_wait3A_120 = arith.constant 0 : i32
    %dma_wait3A_121 = arith.constant 0 : i32
    %dma_wait3A_122 = tpu.memref_slice %arg5[%dma_wait3A_120, %dma_wait3A_121] : memref<10008x128xf32, #tpu.memory_space<vmem_shared>> -> memref<128x128xf32, #tpu.memory_space<vmem_shared>>
    %dma_wait3A_123 = arith.constant 0 : i32
    %dma_wait3A_124 = arith.constant 0 : i32
    %dma_wait3A_125 = tpu.memref_slice %arg5[%dma_wait3A_123, %dma_wait3A_124] : memref<10008x128xf32, #tpu.memory_space<vmem_shared>> -> memref<128x128xf32, #tpu.memory_space<vmem_shared>>
    tpu.wait_dma2 semaphore(%arg13 : memref<!tpu.dma_semaphore, #tpu.memory_space<semaphore_mem>>) src(%arg9 : memref<128x128xf32, #tpu.memory_space<vmem>>) dst(%dma_wait3A_125 : memref<128x128xf32, #tpu.memory_space<vmem_shared>>)
    %dma_wait3A_126 = arith.constant 0 : i32
    %dma_wait3A_127 = arith.constant 0 : i32
    %dma_wait3A_128 = tpu.memref_slice %arg5[%dma_wait3A_126, %dma_wait3A_127] : memref<10008x128xf32, #tpu.memory_space<vmem_shared>> -> memref<128x128xf32, #tpu.memory_space<vmem_shared>>
    %dma_wait3A_129 = arith.constant 0 : i32
    %dma_wait3A_130 = arith.constant 0 : i32
    %dma_wait3A_131 = tpu.memref_slice %arg5[%dma_wait3A_129, %dma_wait3A_130] : memref<10008x128xf32, #tpu.memory_space<vmem_shared>> -> memref<128x128xf32, #tpu.memory_space<vmem_shared>>
    tpu.wait_dma2 semaphore(%arg14 : memref<!tpu.dma_semaphore, #tpu.memory_space<semaphore_mem>>) src(%arg10 : memref<128x128xf32, #tpu.memory_space<vmem>>) dst(%dma_wait3A_131 : memref<128x128xf32, #tpu.memory_space<vmem_shared>>)
    %dma_wait3A_132 = arith.constant 0 : i32
    %dma_wait3A_133 = arith.constant 0 : i32
    %dma_wait3A_134 = arith.constant 0 : i32
    %dma_wait3A_135 = tpu.memref_slice %arg3[%arg0, %arg1, %dma_wait3A_132, %dma_wait3A_133, %dma_wait3A_134] : memref<3x16x81x1x128xi32, #tpu.memory_space<hbm>> -> memref<1x1x1x1x128xi32, #tpu.memory_space<hbm>>
    %dma_wait3A_136 = tpu.memref_squeeze %dma_wait3A_135 : memref<1x1x1x1x128xi32, #tpu.memory_space<hbm>> -> memref<128xi32, #tpu.memory_space<hbm>>
    %dma_wait3A_137 = arith.constant 0 : i32
    %dma_wait3A_138 = tpu.memref_slice %arg3[%arg0, %arg1, %dma_wait3A_132, %dma_wait3A_133, %dma_wait3A_137] : memref<3x16x81x1x128xi32, #tpu.memory_space<hbm>> -> memref<1x1x1x1x128xi32, #tpu.memory_space<hbm>>
    %dma_wait3A_139 = tpu.memref_squeeze %dma_wait3A_138 : memref<1x1x1x1x128xi32, #tpu.memory_space<hbm>> -> memref<128xi32, #tpu.memory_space<hbm>>
    tpu.wait_dma2 semaphore(%arg15 : memref<!tpu.dma_semaphore, #tpu.memory_space<semaphore_mem>>) src(%dma_wait3A_139 : memref<128xi32, #tpu.memory_space<hbm>>) dst(%arg7 : memref<128xi32, #tpu.memory_space<vmem>>)
    %barrier3A_140 = arith.constant 0 : index
    tpu.barrier barrier_id(%barrier3A_140)
    %mul3A_141 = arith.constant 640 : i32
    %mul3A_142 = arith.muli %arg1, %mul3A_141 : i32
    %lt3A = arith.constant 15 : i32
    %lt3A_143 = arith.cmpi slt, %arg1, %lt3A : i32
    %convert_element_type3A_144 = arith.extui %lt3A_143 : i1 to i32
    %cond3A_145 = arith.constant 0 : i32
    %cond3A_146 = arith.cmpi ne, %convert_element_type3A_144, %cond3A_145 : i32
    scf.if %cond3A_146 {
      "tpu.region"() ({
        %run_scoped3A = tpu.sem_alloc : memref<!tpu.dma_semaphore, #tpu.memory_space<semaphore_mem>>
        %dma_start3A_152 = arith.constant 0 : i32
        %dma_start3A_153 = tpu.memref_slice %arg4[%arg0, %mul3A_142, %dma_start3A_152] : memref<2x10000x128xf32, #tpu.memory_space<hbm>> -> memref<1x640x128xf32, #tpu.memory_space<hbm>>
        %dma_start3A_154 = tpu.memref_squeeze %dma_start3A_153 : memref<1x640x128xf32, #tpu.memory_space<hbm>> -> memref<640x128xf32, #tpu.memory_space<hbm>>
        %dma_start3A_155 = arith.constant 0 : i32
        %dma_start3A_156 = tpu.memref_slice %arg5[%mul3A_142, %dma_start3A_155] : memref<10008x128xf32, #tpu.memory_space<vmem_shared>> -> memref<640x128xf32, #tpu.memory_space<vmem_shared>>
        tpu.enqueue_dma source(%dma_start3A_156 : memref<640x128xf32, #tpu.memory_space<vmem_shared>>) target(%dma_start3A_154 : memref<640x128xf32, #tpu.memory_space<hbm>>) target_semaphore(%run_scoped3A : memref<!tpu.dma_semaphore, #tpu.memory_space<semaphore_mem>>)
        %dma_wait3A_157 = arith.constant 0 : i32
        %dma_wait3A_158 = tpu.memref_slice %arg4[%arg0, %mul3A_142, %dma_wait3A_157] : memref<2x10000x128xf32, #tpu.memory_space<hbm>> -> memref<1x640x128xf32, #tpu.memory_space<hbm>>
        %dma_wait3A_159 = tpu.memref_squeeze %dma_wait3A_158 : memref<1x640x128xf32, #tpu.memory_space<hbm>> -> memref<640x128xf32, #tpu.memory_space<hbm>>
        %dma_wait3A_160 = arith.constant 0 : i32
        %dma_wait3A_161 = tpu.memref_slice %arg5[%mul3A_142, %dma_wait3A_160] : memref<10008x128xf32, #tpu.memory_space<vmem_shared>> -> memref<640x128xf32, #tpu.memory_space<vmem_shared>>
        tpu.wait_dma2 semaphore(%run_scoped3A : memref<!tpu.dma_semaphore, #tpu.memory_space<semaphore_mem>>) src(%dma_wait3A_161 : memref<640x128xf32, #tpu.memory_space<vmem_shared>>) dst(%dma_wait3A_159 : memref<640x128xf32, #tpu.memory_space<hbm>>)
        tpu.yield
      }) : () -> ()
    } else {
    }
    %eq3A_147 = arith.constant 15 : i32
    %eq3A_148 = arith.cmpi eq, %arg1, %eq3A_147 : i32
    %convert_element_type3A_149 = arith.extui %eq3A_148 : i1 to i32
    %cond3A_150 = arith.constant 0 : i32
    %cond3A_151 = arith.cmpi ne, %convert_element_type3A_149, %cond3A_150 : i32
    scf.if %cond3A_151 {
      "tpu.region"() ({
        %run_scoped3A = tpu.sem_alloc : memref<!tpu.dma_semaphore, #tpu.memory_space<semaphore_mem>>
        %dma_start3A_152 = arith.constant 0 : i32
        %dma_start3A_153 = tpu.memref_slice %arg4[%arg0, %mul3A_142, %dma_start3A_152] : memref<2x10000x128xf32, #tpu.memory_space<hbm>> -> memref<1x400x128xf32, #tpu.memory_space<hbm>>
        %dma_start3A_154 = tpu.memref_squeeze %dma_start3A_153 : memref<1x400x128xf32, #tpu.memory_space<hbm>> -> memref<400x128xf32, #tpu.memory_space<hbm>>
        %dma_start3A_155 = arith.constant 0 : i32
        %dma_start3A_156 = tpu.memref_slice %arg5[%mul3A_142, %dma_start3A_155] : memref<10008x128xf32, #tpu.memory_space<vmem_shared>> -> memref<400x128xf32, #tpu.memory_space<vmem_shared>>
        tpu.enqueue_dma source(%dma_start3A_156 : memref<400x128xf32, #tpu.memory_space<vmem_shared>>) target(%dma_start3A_154 : memref<400x128xf32, #tpu.memory_space<hbm>>) target_semaphore(%run_scoped3A : memref<!tpu.dma_semaphore, #tpu.memory_space<semaphore_mem>>)
        %dma_wait3A_157 = arith.constant 0 : i32
        %dma_wait3A_158 = tpu.memref_slice %arg4[%arg0, %mul3A_142, %dma_wait3A_157] : memref<2x10000x128xf32, #tpu.memory_space<hbm>> -> memref<1x400x128xf32, #tpu.memory_space<hbm>>
        %dma_wait3A_159 = tpu.memref_squeeze %dma_wait3A_158 : memref<1x400x128xf32, #tpu.memory_space<hbm>> -> memref<400x128xf32, #tpu.memory_space<hbm>>
        %dma_wait3A_160 = arith.constant 0 : i32
        %dma_wait3A_161 = tpu.memref_slice %arg5[%mul3A_142, %dma_wait3A_160] : memref<10008x128xf32, #tpu.memory_space<vmem_shared>> -> memref<400x128xf32, #tpu.memory_space<vmem_shared>>
        tpu.wait_dma2 semaphore(%run_scoped3A : memref<!tpu.dma_semaphore, #tpu.memory_space<semaphore_mem>>) src(%dma_wait3A_161 : memref<400x128xf32, #tpu.memory_space<vmem_shared>>) dst(%dma_wait3A_159 : memref<400x128xf32, #tpu.memory_space<hbm>>)
        tpu.yield
      }) : () -> ()
    } else {
    }
    return
  }
}

module attributes {stable_mosaic.version = 14 : i64} {
  func.func @body(%arg0: i32, %arg1: memref<1000x2xf32, #tpu.memory_space<vmem>>, %arg2: memref<1000x256xf32, #tpu.memory_space<vmem>>, %arg3: memref<2x1000x128xf32, #tpu.memory_space<vmem>>, %arg4: memref<1000x1xf32, #tpu.memory_space<vmem>>, %arg5: memref<1000x1xf32, #tpu.memory_space<vmem>>) attributes {dimension_semantics = [#tpu.dimension_semantics<arbitrary>], iteration_bounds = array<i64: 10>, scalar_prefetch = 0 : i64, scratch_operands = 0 : i64, tpu.core_type = #tpu.core_type<tc>, window_params = [{transform_indices = @transform_0, window_bounds = array<i64: 1000, 2>}, {transform_indices = @transform_1, window_bounds = array<i64: 1000, 256>}, {transform_indices = @transform_2, window_bounds = array<i64: 2, 1000, 128>}, {transform_indices = @transform_3, window_bounds = array<i64: 1000, 1>}, {transform_indices = @transform_4, window_bounds = array<i64: 1000, 1>}]} {
    %get3A = arith.constant 0 : index
    %get3A_0 = arith.constant 0 : index
    %get3A_1 = vector.load %arg1[%get3A, %get3A_0] : memref<1000x2xf32, #tpu.memory_space<vmem>>, vector<1000x1xf32>
    %get3A_2 = arith.constant 0 : index
    %get3A_3 = arith.constant 1 : index
    %get3A_4 = vector.load %arg1[%get3A_2, %get3A_3] : memref<1000x2xf32, #tpu.memory_space<vmem>>, vector<1000x1xf32>
    %add3A = arith.addf %get3A_1, %get3A_4 : vector<1000x1xf32>
    %add3A_5 = arith.constant 1.000000e+00 : f32
    %add3A_6 = vector.broadcast %add3A_5 : f32 to vector<1000x1xf32>
    %add3A_7 = arith.addf %add3A, %add3A_6 : vector<1000x1xf32>
    %rsqrt3A = math.rsqrt %add3A_7 : vector<1000x1xf32>
    %swap3A = arith.constant 0 : index
    %swap3A_8 = arith.constant 0 : index
    %swap3A_9 = vector.load %arg4[%swap3A, %swap3A_8] : memref<1000x1xf32, #tpu.memory_space<vmem>>, vector<1000x1xf32>
    tpu.vector_store %arg4[%swap3A, %swap3A_8], %rsqrt3A {strides = array<i32>} : memref<1000x1xf32, #tpu.memory_space<vmem>>, vector<1000x1xf32>,
    %div3A = arith.constant 1.000000e+00 : f32
    %div3A_10 = vector.broadcast %div3A : f32 to vector<1000x1xf32>
    %div3A_11 = arith.divf %div3A_10, %add3A_7 : vector<1000x1xf32>
    %swap3A_12 = arith.constant 0 : index
    %swap3A_13 = arith.constant 0 : index
    %swap3A_14 = vector.load %arg5[%swap3A_12, %swap3A_13] : memref<1000x1xf32, #tpu.memory_space<vmem>>, vector<1000x1xf32>
    tpu.vector_store %arg5[%swap3A_12, %swap3A_13], %div3A_11 {strides = array<i32>} : memref<1000x1xf32, #tpu.memory_space<vmem>>, vector<1000x1xf32>,
    %get3A_15 = arith.constant 0 : index
    %get3A_16 = arith.constant 0 : index
    %get3A_17 = vector.load %arg2[%get3A_15, %get3A_16] : memref<1000x256xf32, #tpu.memory_space<vmem>>, vector<1000x256xf32>
    %mul3A = vector.broadcast %rsqrt3A : vector<1000x1xf32> to vector<1000x256xf32>
    %mul3A_18 = arith.mulf %get3A_17, %mul3A : vector<1000x256xf32>
    %slice3A = vector.extract_strided_slice %mul3A_18 {offsets = [0, 0], sizes = [1000, 128], strides = [1, 1]} : vector<1000x256xf32> to vector<1000x128xf32>
    %swap3A_19 = arith.constant 0 : index
    %swap3A_20 = arith.constant 0 : index
    %swap3A_21 = arith.constant 0 : index
    %swap3A_22 = vector.load %arg3[%swap3A_19, %swap3A_20, %swap3A_21] : memref<2x1000x128xf32, #tpu.memory_space<vmem>>, vector<1x1000x128xf32>
    %swap3A_23 = vector.shape_cast %swap3A_22 : vector<1x1000x128xf32> to vector<1000x128xf32>
    %swap3A_24 = vector.shape_cast %slice3A : vector<1000x128xf32> to vector<1x1000x128xf32>
    tpu.vector_store %arg3[%swap3A_19, %swap3A_20, %swap3A_21], %swap3A_24 {strides = array<i32>} : memref<2x1000x128xf32, #tpu.memory_space<vmem>>, vector<1x1000x128xf32>,
    %slice3A_25 = vector.extract_strided_slice %mul3A_18 {offsets = [0, 128], sizes = [1000, 128], strides = [1, 1]} : vector<1000x256xf32> to vector<1000x128xf32>
    %swap3A_26 = arith.constant 1 : index
    %swap3A_27 = arith.constant 0 : index
    %swap3A_28 = arith.constant 0 : index
    %swap3A_29 = vector.load %arg3[%swap3A_26, %swap3A_27, %swap3A_28] : memref<2x1000x128xf32, #tpu.memory_space<vmem>>, vector<1x1000x128xf32>
    %swap3A_30 = vector.shape_cast %swap3A_29 : vector<1x1000x128xf32> to vector<1000x128xf32>
    %swap3A_31 = vector.shape_cast %slice3A_25 : vector<1000x128xf32> to vector<1x1000x128xf32>
    tpu.vector_store %arg3[%swap3A_26, %swap3A_27, %swap3A_28], %swap3A_31 {strides = array<i32>} : memref<2x1000x128xf32, #tpu.memory_space<vmem>>, vector<1x1000x128xf32>,
    return
  }
  func.func @transform_0(%arg0: i32) -> (i32, i32) {
    %c0_i32 = arith.constant 0 : i32
    %c0_i32_0 = arith.constant 0 : i32
    return %arg0, %c0_i32 : i32, i32
  }
  func.func @transform_1(%arg0: i32) -> (i32, i32) {
    %c0_i32 = arith.constant 0 : i32
    %c0_i32_0 = arith.constant 0 : i32
    return %arg0, %c0_i32 : i32, i32
  }
  func.func @transform_2(%arg0: i32) -> (i32, i32, i32) {
    %c0_i32 = arith.constant 0 : i32
    %c0_i32_0 = arith.constant 0 : i32
    %c0_i32_1 = arith.constant 0 : i32
    return %c0_i32, %arg0, %c0_i32_0 : i32, i32, i32
  }
  func.func @transform_3(%arg0: i32) -> (i32, i32) {
    %c0_i32 = arith.constant 0 : i32
    %c0_i32_0 = arith.constant 0 : i32
    return %arg0, %c0_i32 : i32, i32
  }
  func.func @transform_4(%arg0: i32) -> (i32, i32) {
    %c0_i32 = arith.constant 0 : i32
    %c0_i32_0 = arith.constant 0 : i32
    return %arg0, %c0_i32 : i32, i32
  }
}

module attributes {stable_mosaic.version = 14 : i64} {
  func.func @body(%arg0: i32, %arg1: memref<2x1000x128xf32, #tpu.memory_space<vmem>>, %arg2: memref<1000x256xf32, #tpu.memory_space<vmem>>, %arg3: memref<1000x1xf32, #tpu.memory_space<vmem>>, %arg4: memref<1000x1xf32, #tpu.memory_space<vmem>>, %arg5: memref<256x512xf32, #tpu.memory_space<vmem>>, %arg6: memref<1x512xf32, #tpu.memory_space<vmem>>, %arg7: memref<512x256xf32, #tpu.memory_space<vmem>>, %arg8: memref<1000x256xf32, #tpu.memory_space<vmem>>, %arg9: memref<2x1000x128xf32, #tpu.memory_space<vmem>>) attributes {dimension_semantics = [#tpu.dimension_semantics<arbitrary>], iteration_bounds = array<i64: 10>, scalar_prefetch = 0 : i64, scratch_operands = 0 : i64, tpu.core_type = #tpu.core_type<tc>, window_params = [{transform_indices = @transform_0, window_bounds = array<i64: 2, 1000, 128>}, {transform_indices = @transform_1, window_bounds = array<i64: 1000, 256>}, {transform_indices = @transform_2, window_bounds = array<i64: 1000, 1>}, {transform_indices = @transform_3, window_bounds = array<i64: 1000, 1>}, {pipeline_mode = #tpu.pipeline_mode<synchronous>, transform_indices = @transform_4, window_bounds = array<i64: 256, 512>}, {pipeline_mode = #tpu.pipeline_mode<synchronous>, transform_indices = @transform_5, window_bounds = array<i64: 1, 512>}, {pipeline_mode = #tpu.pipeline_mode<synchronous>, transform_indices = @transform_6, window_bounds = array<i64: 512, 256>}, {transform_indices = @transform_7, window_bounds = array<i64: 1000, 256>}, {transform_indices = @transform_8, window_bounds = array<i64: 2, 1000, 128>}]} {
    %get3A = arith.constant 0 : index
    %get3A_0 = arith.constant 0 : index
    %get3A_1 = vector.load %arg3[%get3A, %get3A_0] : memref<1000x1xf32, #tpu.memory_space<vmem>>, vector<1000x1xf32>
    %get3A_2 = arith.constant 0 : index
    %get3A_3 = arith.constant 0 : index
    %get3A_4 = arith.constant 0 : index
    %get3A_5 = vector.load %arg1[%get3A_2, %get3A_3, %get3A_4] : memref<2x1000x128xf32, #tpu.memory_space<vmem>>, vector<1x1000x128xf32>
    %get3A_6 = vector.shape_cast %get3A_5 : vector<1x1000x128xf32> to vector<1000x128xf32>
    %get3A_7 = arith.constant 1 : index
    %get3A_8 = arith.constant 0 : index
    %get3A_9 = arith.constant 0 : index
    %get3A_10 = vector.load %arg1[%get3A_7, %get3A_8, %get3A_9] : memref<2x1000x128xf32, #tpu.memory_space<vmem>>, vector<1x1000x128xf32>
    %get3A_11 = vector.shape_cast %get3A_10 : vector<1x1000x128xf32> to vector<1000x128xf32>
    %concatenate3A = tpu.concatenate %get3A_6, %get3A_11 in 1 : vector<1000x128xf32>, vector<1000x128xf32> -> vector<1000x256xf32>
    %mul3A = vector.broadcast %get3A_1 : vector<1000x1xf32> to vector<1000x256xf32>
    %mul3A_12 = arith.mulf %concatenate3A, %mul3A : vector<1000x256xf32>
    %get3A_13 = arith.constant 0 : index
    %get3A_14 = arith.constant 0 : index
    %get3A_15 = vector.load %arg2[%get3A_13, %get3A_14] : memref<1000x256xf32, #tpu.memory_space<vmem>>, vector<1000x256xf32>
    %get3A_16 = arith.constant 0 : index
    %get3A_17 = arith.constant 0 : index
    %get3A_18 = vector.load %arg4[%get3A_16, %get3A_17] : memref<1000x1xf32, #tpu.memory_space<vmem>>, vector<1000x1xf32>
    %mul3A_19 = vector.broadcast %get3A_18 : vector<1000x1xf32> to vector<1000x256xf32>
    %mul3A_20 = arith.mulf %get3A_15, %mul3A_19 : vector<1000x256xf32>
    %add3A = arith.addf %mul3A_12, %mul3A_20 : vector<1000x256xf32>
    %get3A_21 = arith.constant 0 : index
    %get3A_22 = arith.constant 0 : index
    %get3A_23 = vector.load %arg5[%get3A_21, %get3A_22] : memref<256x512xf32, #tpu.memory_space<vmem>>, vector<256x512xf32>
    %dot_general3A = arith.constant dense<0.000000e+00> : vector<1000x512xf32>
    %dot_general3A_24 = tpu.matmul %add3A, %get3A_23, %dot_general3A {dimension_numbers = #tpu.dot_dimension_numbers<[1], [0], [0], [1], [0, 0, 1, 1], [], []>, transpose_lhs_hint = false} : vector<1000x256xf32>, vector<256x512xf32>, vector<1000x512xf32> -> vector<1000x512xf32>
    %get3A_25 = arith.constant 0 : index
    %get3A_26 = arith.constant 0 : index
    %get3A_27 = vector.load %arg6[%get3A_25, %get3A_26] : memref<1x512xf32, #tpu.memory_space<vmem>>, vector<1x512xf32>
    %add3A_28 = vector.broadcast %get3A_27 : vector<1x512xf32> to vector<1000x512xf32>
    %add3A_29 = arith.addf %dot_general3A_24, %add3A_28 : vector<1000x512xf32>
    %max3A = arith.constant 0.000000e+00 : f32
    %max3A_30 = vector.broadcast %max3A : f32 to vector<1000x512xf32>
    %max3A_31 = arith.maximumf %add3A_29, %max3A_30 : vector<1000x512xf32>
    %get3A_32 = arith.constant 0 : index
    %get3A_33 = arith.constant 0 : index
    %get3A_34 = vector.load %arg7[%get3A_32, %get3A_33] : memref<512x256xf32, #tpu.memory_space<vmem>>, vector<512x256xf32>
    %dot_general3A_35 = arith.constant dense<0.000000e+00> : vector<1000x256xf32>
    %dot_general3A_36 = tpu.matmul %max3A_31, %get3A_34, %dot_general3A_35 {dimension_numbers = #tpu.dot_dimension_numbers<[1], [0], [0], [1], [0, 0, 1, 1], [], []>, transpose_lhs_hint = false} : vector<1000x512xf32>, vector<512x256xf32>, vector<1000x256xf32> -> vector<1000x256xf32>
    %swap3A = arith.constant 0 : index
    %swap3A_37 = arith.constant 0 : index
    %swap3A_38 = vector.load %arg8[%swap3A, %swap3A_37] : memref<1000x256xf32, #tpu.memory_space<vmem>>, vector<1000x256xf32>
    tpu.vector_store %arg8[%swap3A, %swap3A_37], %dot_general3A_36 {strides = array<i32>} : memref<1000x256xf32, #tpu.memory_space<vmem>>, vector<1000x256xf32>,
    %mul3A_39 = vector.broadcast %get3A_1 : vector<1000x1xf32> to vector<1000x256xf32>
    %mul3A_40 = arith.mulf %dot_general3A_36, %mul3A_39 : vector<1000x256xf32>
    %slice3A = vector.extract_strided_slice %mul3A_40 {offsets = [0, 0], sizes = [1000, 128], strides = [1, 1]} : vector<1000x256xf32> to vector<1000x128xf32>
    %swap3A_41 = arith.constant 0 : index
    %swap3A_42 = arith.constant 0 : index
    %swap3A_43 = arith.constant 0 : index
    %swap3A_44 = vector.load %arg9[%swap3A_41, %swap3A_42, %swap3A_43] : memref<2x1000x128xf32, #tpu.memory_space<vmem>>, vector<1x1000x128xf32>
    %swap3A_45 = vector.shape_cast %swap3A_44 : vector<1x1000x128xf32> to vector<1000x128xf32>
    %swap3A_46 = vector.shape_cast %slice3A : vector<1000x128xf32> to vector<1x1000x128xf32>
    tpu.vector_store %arg9[%swap3A_41, %swap3A_42, %swap3A_43], %swap3A_46 {strides = array<i32>} : memref<2x1000x128xf32, #tpu.memory_space<vmem>>, vector<1x1000x128xf32>,
    %slice3A_47 = vector.extract_strided_slice %mul3A_40 {offsets = [0, 128], sizes = [1000, 128], strides = [1, 1]} : vector<1000x256xf32> to vector<1000x128xf32>
    %swap3A_48 = arith.constant 1 : index
    %swap3A_49 = arith.constant 0 : index
    %swap3A_50 = arith.constant 0 : index
    %swap3A_51 = vector.load %arg9[%swap3A_48, %swap3A_49, %swap3A_50] : memref<2x1000x128xf32, #tpu.memory_space<vmem>>, vector<1x1000x128xf32>
    %swap3A_52 = vector.shape_cast %swap3A_51 : vector<1x1000x128xf32> to vector<1000x128xf32>
    %swap3A_53 = vector.shape_cast %slice3A_47 : vector<1000x128xf32> to vector<1x1000x128xf32>
    tpu.vector_store %arg9[%swap3A_48, %swap3A_49, %swap3A_50], %swap3A_53 {strides = array<i32>} : memref<2x1000x128xf32, #tpu.memory_space<vmem>>, vector<1x1000x128xf32>,
    return
  }
  func.func @transform_0(%arg0: i32) -> (i32, i32, i32) {
    %c0_i32 = arith.constant 0 : i32
    %c0_i32_0 = arith.constant 0 : i32
    %c0_i32_1 = arith.constant 0 : i32
    return %c0_i32, %arg0, %c0_i32_0 : i32, i32, i32
  }
  func.func @transform_1(%arg0: i32) -> (i32, i32) {
    %c0_i32 = arith.constant 0 : i32
    %c0_i32_0 = arith.constant 0 : i32
    return %arg0, %c0_i32 : i32, i32
  }
  func.func @transform_2(%arg0: i32) -> (i32, i32) {
    %c0_i32 = arith.constant 0 : i32
    %c0_i32_0 = arith.constant 0 : i32
    return %arg0, %c0_i32 : i32, i32
  }
  func.func @transform_3(%arg0: i32) -> (i32, i32) {
    %c0_i32 = arith.constant 0 : i32
    %c0_i32_0 = arith.constant 0 : i32
    return %arg0, %c0_i32 : i32, i32
  }
  func.func @transform_4(%arg0: i32) -> (i32, i32) {
    %c0_i32 = arith.constant 0 : i32
    %c0_i32_0 = arith.constant 0 : i32
    %c0_i32_1 = arith.constant 0 : i32
    return %c0_i32, %c0_i32_0 : i32, i32
  }
  func.func @transform_5(%arg0: i32) -> (i32, i32) {
    %c0_i32 = arith.constant 0 : i32
    %c0_i32_0 = arith.constant 0 : i32
    %c0_i32_1 = arith.constant 0 : i32
    return %c0_i32, %c0_i32_0 : i32, i32
  }
  func.func @transform_6(%arg0: i32) -> (i32, i32) {
    %c0_i32 = arith.constant 0 : i32
    %c0_i32_0 = arith.constant 0 : i32
    %c0_i32_1 = arith.constant 0 : i32
    return %c0_i32, %c0_i32_0 : i32, i32
  }
  func.func @transform_7(%arg0: i32) -> (i32, i32) {
    %c0_i32 = arith.constant 0 : i32
    %c0_i32_0 = arith.constant 0 : i32
    return %arg0, %c0_i32 : i32, i32
  }
  func.func @transform_8(%arg0: i32) -> (i32, i32, i32) {
    %c0_i32 = arith.constant 0 : i32
    %c0_i32_0 = arith.constant 0 : i32
    %c0_i32_1 = arith.constant 0 : i32
    return %c0_i32, %arg0, %c0_i32_0 : i32, i32, i32
  }
}

module attributes {stable_mosaic.version = 14 : i64} {
  func.func @body(%arg0: i32, %arg1: memref<2x1000x128xf32, #tpu.memory_space<vmem>>, %arg2: memref<1000x256xf32, #tpu.memory_space<vmem>>, %arg3: memref<1000x1xf32, #tpu.memory_space<vmem>>, %arg4: memref<1000x1xf32, #tpu.memory_space<vmem>>, %arg5: memref<1x256xf32, #tpu.memory_space<vmem>>, %arg6: memref<256x128xf32, #tpu.memory_space<vmem>>, %arg7: memref<1x128xf32, #tpu.memory_space<vmem>>, %arg8: memref<1000x128xf32, #tpu.memory_space<vmem>>, %arg9: memref<1000x256xf32, #tpu.memory_space<vmem>>) attributes {dimension_semantics = [#tpu.dimension_semantics<arbitrary>], iteration_bounds = array<i64: 10>, scalar_prefetch = 0 : i64, scratch_operands = 0 : i64, tpu.core_type = #tpu.core_type<tc>, window_params = [{transform_indices = @transform_0, window_bounds = array<i64: 2, 1000, 128>}, {transform_indices = @transform_1, window_bounds = array<i64: 1000, 256>}, {transform_indices = @transform_2, window_bounds = array<i64: 1000, 1>}, {transform_indices = @transform_3, window_bounds = array<i64: 1000, 1>}, {pipeline_mode = #tpu.pipeline_mode<synchronous>, transform_indices = @transform_4, window_bounds = array<i64: 1, 256>}, {pipeline_mode = #tpu.pipeline_mode<synchronous>, transform_indices = @transform_5, window_bounds = array<i64: 256, 128>}, {pipeline_mode = #tpu.pipeline_mode<synchronous>, transform_indices = @transform_6, window_bounds = array<i64: 1, 128>}, {transform_indices = @transform_7, window_bounds = array<i64: 1000, 128>}, {transform_indices = @transform_8, window_bounds = array<i64: 1000, 256>}]} {
    %get3A = arith.constant 0 : index
    %get3A_0 = arith.constant 0 : index
    %get3A_1 = arith.constant 0 : index
    %get3A_2 = vector.load %arg1[%get3A, %get3A_0, %get3A_1] : memref<2x1000x128xf32, #tpu.memory_space<vmem>>, vector<1x1000x128xf32>
    %get3A_3 = vector.shape_cast %get3A_2 : vector<1x1000x128xf32> to vector<1000x128xf32>
    %get3A_4 = arith.constant 1 : index
    %get3A_5 = arith.constant 0 : index
    %get3A_6 = arith.constant 0 : index
    %get3A_7 = vector.load %arg1[%get3A_4, %get3A_5, %get3A_6] : memref<2x1000x128xf32, #tpu.memory_space<vmem>>, vector<1x1000x128xf32>
    %get3A_8 = vector.shape_cast %get3A_7 : vector<1x1000x128xf32> to vector<1000x128xf32>
    %concatenate3A = tpu.concatenate %get3A_3, %get3A_8 in 1 : vector<1000x128xf32>, vector<1000x128xf32> -> vector<1000x256xf32>
    %get3A_9 = arith.constant 0 : index
    %get3A_10 = arith.constant 0 : index
    %get3A_11 = vector.load %arg3[%get3A_9, %get3A_10] : memref<1000x1xf32, #tpu.memory_space<vmem>>, vector<1000x1xf32>
    %mul3A = vector.broadcast %get3A_11 : vector<1000x1xf32> to vector<1000x256xf32>
    %mul3A_12 = arith.mulf %concatenate3A, %mul3A : vector<1000x256xf32>
    %get3A_13 = arith.constant 0 : index
    %get3A_14 = arith.constant 0 : index
    %get3A_15 = vector.load %arg2[%get3A_13, %get3A_14] : memref<1000x256xf32, #tpu.memory_space<vmem>>, vector<1000x256xf32>
    %get3A_16 = arith.constant 0 : index
    %get3A_17 = arith.constant 0 : index
    %get3A_18 = vector.load %arg4[%get3A_16, %get3A_17] : memref<1000x1xf32, #tpu.memory_space<vmem>>, vector<1000x1xf32>
    %mul3A_19 = vector.broadcast %get3A_18 : vector<1000x1xf32> to vector<1000x256xf32>
    %mul3A_20 = arith.mulf %get3A_15, %mul3A_19 : vector<1000x256xf32>
    %add3A = arith.addf %mul3A_12, %mul3A_20 : vector<1000x256xf32>
    %get3A_21 = arith.constant 0 : index
    %get3A_22 = arith.constant 0 : index
    %get3A_23 = vector.load %arg5[%get3A_21, %get3A_22] : memref<1x256xf32, #tpu.memory_space<vmem>>, vector<1x256xf32>
    %add3A_24 = vector.broadcast %get3A_23 : vector<1x256xf32> to vector<1000x256xf32>
    %add3A_25 = arith.addf %add3A, %add3A_24 : vector<1000x256xf32>
    %mul3A_26 = arith.mulf %add3A_25, %add3A_25 : vector<1000x256xf32>
    %reduce_sum3A = arith.constant dense<0.000000e+00> : vector<1000xf32>
    %reduce_sum3A_27 = vector.multi_reduction <add>, %mul3A_26, %reduce_sum3A [1] : vector<1000x256xf32> to vector<1000xf32>
    %broadcast_in_dim3A = vector.shape_cast %reduce_sum3A_27 : vector<1000xf32> to vector<1000x1xf32>
    %sqrt3A = math.sqrt %broadcast_in_dim3A : vector<1000x1xf32>
    %add3A_28 = arith.constant 9.99999996E-13 : f32
    %add3A_29 = vector.broadcast %add3A_28 : f32 to vector<1000x1xf32>
    %add3A_30 = arith.addf %sqrt3A, %add3A_29 : vector<1000x1xf32>
    %div3A = vector.broadcast %add3A_30 : vector<1000x1xf32> to vector<1000x256xf32>
    %div3A_31 = arith.divf %add3A_25, %div3A : vector<1000x256xf32>
    %swap3A = arith.constant 0 : index
    %swap3A_32 = arith.constant 0 : index
    %swap3A_33 = vector.load %arg9[%swap3A, %swap3A_32] : memref<1000x256xf32, #tpu.memory_space<vmem>>, vector<1000x256xf32>
    tpu.vector_store %arg9[%swap3A, %swap3A_32], %div3A_31 {strides = array<i32>} : memref<1000x256xf32, #tpu.memory_space<vmem>>, vector<1000x256xf32>,
    %get3A_34 = arith.constant 0 : index
    %get3A_35 = arith.constant 0 : index
    %get3A_36 = vector.load %arg6[%get3A_34, %get3A_35] : memref<256x128xf32, #tpu.memory_space<vmem>>, vector<256x128xf32>
    %dot_general3A = arith.constant dense<0.000000e+00> : vector<1000x128xf32>
    %dot_general3A_37 = tpu.matmul %div3A_31, %get3A_36, %dot_general3A {dimension_numbers = #tpu.dot_dimension_numbers<[1], [0], [0], [1], [0, 0, 1, 1], [], []>, transpose_lhs_hint = false} : vector<1000x256xf32>, vector<256x128xf32>, vector<1000x128xf32> -> vector<1000x128xf32>
    %get3A_38 = arith.constant 0 : index
    %get3A_39 = arith.constant 0 : index
    %get3A_40 = vector.load %arg7[%get3A_38, %get3A_39] : memref<1x128xf32, #tpu.memory_space<vmem>>, vector<1x128xf32>
    %add3A_41 = vector.broadcast %get3A_40 : vector<1x128xf32> to vector<1000x128xf32>
    %add3A_42 = arith.addf %dot_general3A_37, %add3A_41 : vector<1000x128xf32>
    %reduce_max3A = arith.constant dense<0xFF800000> : vector<1000xf32>
    %reduce_max3A_43 = vector.multi_reduction <maximumf>, %add3A_42, %reduce_max3A [1] : vector<1000x128xf32> to vector<1000xf32>
    %broadcast_in_dim3A_44 = vector.shape_cast %reduce_max3A_43 : vector<1000xf32> to vector<1000x1xf32>
    %sub3A = vector.broadcast %broadcast_in_dim3A_44 : vector<1000x1xf32> to vector<1000x128xf32>
    %sub3A_45 = arith.subf %add3A_42, %sub3A : vector<1000x128xf32>
    %exp3A = math.exp %sub3A_45 : vector<1000x128xf32>
    %reduce_sum3A_46 = arith.constant dense<0.000000e+00> : vector<1000xf32>
    %reduce_sum3A_47 = vector.multi_reduction <add>, %exp3A, %reduce_sum3A_46 [1] : vector<1000x128xf32> to vector<1000xf32>
    %broadcast_in_dim3A_48 = vector.shape_cast %reduce_sum3A_47 : vector<1000xf32> to vector<1000x1xf32>
    %log3A = math.log %broadcast_in_dim3A_48 : vector<1000x1xf32>
    %add3A_49 = arith.addf %broadcast_in_dim3A_44, %log3A : vector<1000x1xf32>
    %sub3A_50 = vector.broadcast %add3A_49 : vector<1000x1xf32> to vector<1000x128xf32>
    %sub3A_51 = arith.subf %add3A_42, %sub3A_50 : vector<1000x128xf32>
    %swap3A_52 = arith.constant 0 : index
    %swap3A_53 = arith.constant 0 : index
    %swap3A_54 = vector.load %arg8[%swap3A_52, %swap3A_53] : memref<1000x128xf32, #tpu.memory_space<vmem>>, vector<1000x128xf32>
    tpu.vector_store %arg8[%swap3A_52, %swap3A_53], %sub3A_51 {strides = array<i32>} : memref<1000x128xf32, #tpu.memory_space<vmem>>, vector<1000x128xf32>,
    return
  }
  func.func @transform_0(%arg0: i32) -> (i32, i32, i32) {
    %c0_i32 = arith.constant 0 : i32
    %c0_i32_0 = arith.constant 0 : i32
    %c0_i32_1 = arith.constant 0 : i32
    return %c0_i32, %arg0, %c0_i32_0 : i32, i32, i32
  }
  func.func @transform_1(%arg0: i32) -> (i32, i32) {
    %c0_i32 = arith.constant 0 : i32
    %c0_i32_0 = arith.constant 0 : i32
    return %arg0, %c0_i32 : i32, i32
  }
  func.func @transform_2(%arg0: i32) -> (i32, i32) {
    %c0_i32 = arith.constant 0 : i32
    %c0_i32_0 = arith.constant 0 : i32
    return %arg0, %c0_i32 : i32, i32
  }
  func.func @transform_3(%arg0: i32) -> (i32, i32) {
    %c0_i32 = arith.constant 0 : i32
    %c0_i32_0 = arith.constant 0 : i32
    return %arg0, %c0_i32 : i32, i32
  }
  func.func @transform_4(%arg0: i32) -> (i32, i32) {
    %c0_i32 = arith.constant 0 : i32
    %c0_i32_0 = arith.constant 0 : i32
    %c0_i32_1 = arith.constant 0 : i32
    return %c0_i32, %c0_i32_0 : i32, i32
  }
  func.func @transform_5(%arg0: i32) -> (i32, i32) {
    %c0_i32 = arith.constant 0 : i32
    %c0_i32_0 = arith.constant 0 : i32
    %c0_i32_1 = arith.constant 0 : i32
    return %c0_i32, %c0_i32_0 : i32, i32
  }
  func.func @transform_6(%arg0: i32) -> (i32, i32) {
    %c0_i32 = arith.constant 0 : i32
    %c0_i32_0 = arith.constant 0 : i32
    %c0_i32_1 = arith.constant 0 : i32
    return %c0_i32, %c0_i32_0 : i32, i32
  }
  func.func @transform_7(%arg0: i32) -> (i32, i32) {
    %c0_i32 = arith.constant 0 : i32
    %c0_i32_0 = arith.constant 0 : i32
    return %arg0, %c0_i32 : i32, i32
  }
  func.func @transform_8(%arg0: i32) -> (i32, i32) {
    %c0_i32 = arith.constant 0 : i32
    %c0_i32_0 = arith.constant 0 : i32
    return %arg0, %c0_i32 : i32, i32
  }
}

</mosaic_0001>

<sc_bundles>
// kernel: kernel.11.cloned.1.call-start
scs
__scs_entry_jumppad:
0x0: {  	(pc) =	sbr.rel $0x88, $3  }
0x1: {  	(tag) =	ssettag $0x0;
	lr =	simm.s32 $0x1  }
0x2: {  	[smem:$0x3F99] =	sst lr;
	_ =	strace $0xD0000000  }
0x3: {  	_ = 	snop  }
0x4: {  	_ = 	snop  }
0x5: {  	_ = 	snop  }
0x6: {  	_ = 	snop  }
0x7: {  	_ = 	snop  }
__scs_overlays_trampoline_lowered:
0x8: {  	[smem:$0x3FA8] =	sst s0  }
0x9: {  	[smem:$0x3FA9] =	sst s1  }
0xa: {  	[smem:$0x3FAA] =	sst s2  }
0xb: {  	[smem:$0x3FAB] =	sst s3  }
0xc: {  	[smem:$0x3FAC] =	sst s4  }
0xd: {  	[smem:$0x3FAD] =	sst s5  }
0xe: {  	[smem:$0x3FAE] =	sst s6  }
0xf: {  	[smem:$0x3FAF] =	sst s7  }
0x10: {  	[smem:$0x3FB0] =	sst s8  }
0x11: {  	[smem:$0x3FB1] =	sst s9;
	s0 =	simm.s32 @!p0 $0x0  }
0x12: {  	s1 =	sld [smem:$0x3F97];
	s0 =	simm.s32 @p0 $0x1  }
0x13: {  	[smem:$0x3FB2] =	sst s0;
	s0 =	simm.s32 @!p1 $0x0  }
0x14: {  	s2 =	sld [smem:$0x3F96];
	s0 =	simm.s32 @p1 $0x1  }
0x15: {  	[smem:$0x3FB3] =	sst s0;
	s0 =	simm.s32 @!p2 $0x0  }
0x16: {  	s3 =	sld [smem:$0x3FDB];
	s0 =	simm.s32 @p2 $0x1  }
0x17: {  	s4 =	simm.s32 $0x1BF5;
	[smem:$0x3FB5] =	sst s0  }
0x18: {  	s0 =	sld [smem:$0x3F98];
	_ =	swait.ge [sflag:s4], $0x0  }
0x19: {  	s7 =	sld [smem:$0x3F99]  }
0x1a: {  	s8 =	sadd.s32 $0xFFFFE003, lr  }
0x1b: {  	s9 =	sadd.s32 $0xFFFFFEF7, lr;
	s5 =	simm.s32 $0xFFFFFFFF;
	p2 =	slt.u32 s8, $0xFFFFF086  }
0x1c: {  	p1 =	slt.u32 s9, $0xF7A;
	s5 =	simm.s32 @!p2 $0x0  }
0x1d: {  	s5 =	simm.s32 @p1 $0x1;
	p0 =	seq.s32 s7, s2  }
0x1e: {  	s7 =	smul.u32 @!p0 $0xF7A, s2;
	p2 =	seq.s32 @!p0 s5, $0x0  }
0x1f: {  	s9 =	smul.u32 $0xF7A, s1;
	s8 =	simm.s32 @!p0 $0x1BF5;
	p2 =	por !p2, p0  }
0x20: {  	[sflag:s8] =	ssyncset.s32 @!p0 $0xFFFFF086;
	s6 =	sadd.s32 @!p0 s3, s7;
	s7 =	simm.s32 @!p0 $0x108  }
0x21: {  	s3 =	sadd.s32 s3, s9;
	s6 =	sadd.s32 @!p0 $0x88, s6;
	s7 =	simm.s32 @p2 $0x1082  }
0x22: {  	[simem:s7], [sflag:s8] =	dma.local @!p0 [hbm:s6], $0xF7A  }
0x23: {  	s9 =	sor.u32 $0xD0000000, s2;
	s6 =	simm.s32 $0x108;
	_ =	swait.ge @!p0 [sflag:s8], $0x0  }
0x24: {  	s3 =	sadd.s32 $0x88, s3;
	s6 =	simm.s32 @!p1 $0x1082;
	[sflag:s4] =	ssyncset.s32 $0xFFFFF086  }
0x25: {  	[simem:s6], [sflag:s4] =	dma.local [hbm:s3], $0xF7A  }
0x26: {  	[smem:$0x3F99] =	sst s1;
	(tag) =	ssettag s2;
	_ =	strace s9  }
0x27: {  	s1 =	sld [smem:$0x3FA9]  }
0x28: {  	s2 =	sld [smem:$0x3FAA]  }
0x29: {  	s4 =	sld [smem:$0x3FAC]  }
0x2a: {  	p0 =	seq.s32 s5, $0x0;
	s5 =	sld [smem:$0x3FAD]  }
0x2b: {  	s6 =	sld [smem:$0x3FAE]  }
0x2c: {  	s7 =	sld [smem:$0x3FAF]  }
0x2d: {  	s3 =	simm.s32 $0x108;
	s8 =	sld [smem:$0x3FB0]  }
0x2e: {  	s3 =	simm.s32 @!p0 $0x1082;
	s9 =	sld [smem:$0x3FB1]  }
0x2f: {  	lr =	sadd.s32 s0, s3;
	s0 =	sld [smem:$0x3FA8]  }
0x30: {  	s3 =	sld [smem:$0x3FAB]  }
0x31: {  	[smem:$0x3FB4] =	sst s10  }
0x32: {  	s10 =	sld [smem:$0x3FB2];
	_ =	sdelay $0x3  }
0x33: {  	p0 =	seq.s32 s10, $0x1;
	s10 =	sld [smem:$0x3FB4];
	_ =	sdelay $0x3  }
0x34: {  	[smem:$0x3FB4] =	sst s10  }
0x35: {  	s10 =	sld [smem:$0x3FB3];
	_ =	sdelay $0x3  }
0x36: {  	p1 =	seq.s32 s10, $0x1;
	s10 =	sld [smem:$0x3FB4];
	_ =	sdelay $0x3  }
0x37: {  	[smem:$0x3FB4] =	sst s10  }
0x38: {  	s10 =	sld [smem:$0x3FB5]  }
0x39: {  	_ = 	snop;
	(pc) =	sbr.ind lr, $3  }
0x3a: {  	_ = 	snop  }
0x3b: {  	_ = 	snop  }
0x3c: {  	p2 =	seq.s32 s10, $0x1;
	s10 =	sld [smem:$0x3FB4]  }
0x3d: {  	_ =	shalt  }
0x3e: {  	_ =	shalt  }
0x3f: {  	_ =	shalt  }
0x40: {  	_ =	shalt  }
0x41: {  	_ =	shalt  }
0x42: {  	_ =	shalt  }
0x43: {  	_ =	shalt  }
0x44: {  	_ =	shalt  }
0x45: {  	_ =	shalt  }
0x46: {  	_ =	shalt  }
0x47: {  	_ =	shalt  }
0x48: {  	_ =	shalt  }
0x49: {  	_ =	shalt  }
0x4a: {  	_ =	shalt  }
0x4b: {  	_ =	shalt  }
0x4c: {  	_ =	shalt  }
0x4d: {  	_ =	shalt  }
0x4e: {  	_ =	shalt  }
0x4f: {  	_ =	shalt  }
0x50: {  	_ =	shalt  }
0x51: {  	_ =	shalt  }
0x52: {  	_ =	shalt  }
0x53: {  	_ =	shalt  }
0x54: {  	_ =	shalt  }
0x55: {  	_ =	shalt  }
0x56: {  	_ =	shalt  }
0x57: {  	_ =	shalt  }
0x58: {  	_ =	shalt  }
0x59: {  	_ =	shalt  }
0x5a: {  	_ =	shalt  }
0x5b: {  	_ =	shalt  }
0x5c: {  	_ =	shalt  }
0x5d: {  	_ =	shalt  }
0x5e: {  	_ =	shalt  }
0x5f: {  	_ =	shalt  }
0x60: {  	_ =	shalt  }
0x61: {  	_ =	shalt  }
0x62: {  	_ =	shalt  }
0x63: {  	_ =	shalt  }
0x64: {  	_ =	shalt  }
0x65: {  	_ =	shalt  }
0x66: {  	_ =	shalt  }
0x67: {  	_ =	shalt  }
0x68: {  	_ =	shalt  }
0x69: {  	_ =	shalt  }
0x6a: {  	_ =	shalt  }
0x6b: {  	_ =	shalt  }
0x6c: {  	_ =	shalt  }
0x6d: {  	_ =	shalt  }
0x6e: {  	_ =	shalt  }
0x6f: {  	_ =	shalt  }
0x70: {  	_ =	shalt  }
0x71: {  	_ =	shalt  }
0x72: {  	_ =	shalt  }
0x73: {  	_ =	shalt  }
0x74: {  	_ =	shalt  }
0x75: {  	_ =	shalt  }
0x76: {  	_ =	shalt  }
0x77: {  	_ =	shalt  }
0x78: {  	_ =	shalt  }
0x79: {  	_ =	shalt  }
0x7a: {  	_ =	shalt  }
0x7b: {  	_ =	shalt  }
0x7c: {  	_ =	shalt  }
0x7d: {  	_ =	shalt  }
0x7e: {  	_ =	shalt  }
0x7f: {  	_ =	shalt  }
0x80: {  	_ =	shalt  }
0x81: {  	_ =	shalt  }
0x82: {  	_ =	shalt  }
0x83: {  	_ =	shalt  }
0x84: {  	_ =	shalt  }
0x85: {  	_ =	shalt  }
0x86: {  	_ =	shalt  }
0x87: {  	_ =	shalt  }
.Lfunc_end0:
.L_simem_size_0:
called_computation.1_lowered:
.L_overlay_start_0:
0x88: {  	s2 =	sld [smem:$0x3FD9]  }
0x89: {  	s3 =	sld [smem:$0x3FFE];
	_ =	sdelay $0x1  }
0x8a: {  	s1 =	srdreg.scid  }
0x8b: {  	s0 =	sand.u32 $0x1, s1  }
0x8c: {  	s14 =	sshll.u32 s0, $0xA;
	s2 =	sadd.s32 s3, s2  }
0x8d: {  	s2 =	sadd.s32 s2, s14  }
0x8e: {  	[smem:$0x3FC0] =	sst s2  }
0x8f: {  	_ = 	snop  }
0x90: {  	s2 =	sld [smem:$0x3FD0];
	_ =	sdelay $0x2  }
0x91: {  	s15 =	simm.s32 $0xA;
	s4 =	simm.s32 $0x10  }
0x92: {  	[smem:s4], [sflag:s15] =	dma.local [hbm:s2], $0x1  }
0x93: {  	_ =	swait.eq [sflag:s15], $0x1  }
0x94: {  	[sflag:s15] =	ssyncset.done $0x0  }
0x95: {  	s16 =	sld [smem:$0x10];
	[sflag:s15] =	ssyncadd.s32 $0xFFFFFFFF  }
0x96: {  	s17 =	sld [smem:$0x11];
	(tm) =	ssettm $0x1  }
0x97: {  	s18 =	sld [smem:$0x3FFB];
	_ =	sdelay $0x3  }
0x98: {  	_ =	strace s18  }
0x99: {  	s4 =	sld [smem:$0x3FFC];
	_ =	sdelay $0x3  }
0x9a: {  	_ =	strace s4  }
0x9b: {  	s4 =	sld [smem:$0x3FFD];
	_ =	sdelay $0x3  }
0x9c: {  	_ =	strace s4  }
0x9d: {  	_ =	strace $0x8FFFFFFF  }
0x9e: {  	s19 =	sld [smem:$0x3FDB];
	_ =	sdelay $0x1  }
0x9f: {  	s5 =	simm.s32 $_scs_section_size  }
0xa0: {  	s6 =	simm.s32 $_size__tile_overlayer_lowered;
	s7 =	simm.s32 $_tile_overlayer_lowered  }
0xa1: {  	s22 =	simm.s32 $0x1BFF;
	s21 =	sshll.u32 s7, $0x1;
	s4 =	sadd.s32 s5, s19  }
0xa2: {  	s8 =	simm.s32 $0x0;
	s20 =	sshll.u32 s6, $0x1;
	s6 =	sadd.s32 s21, s4  }
0xa3: {  	[timem:s8], [sflag:s22] =	dma.local [hbm:s6], s20  }
0xa4: {  	_ =	swait.ge [sflag:s22], s20  }
0xa5: {  	s5 =	ssub.s32 $0x0, s20;
	[sflag:s22] =	ssyncset.done $0x0  }
0xa6: {  	[sflag:s22] =	ssyncadd.s32 s5;
	_ =	sdelay $0x1  }
0xa7: {  	s23 =	simm.s32 $0x1B8B  }
0xa8: {  	_ =	swait.ge [sflag:s23], $0x1  }
0xa9: {  	[sflag:s23] =	ssyncset.done $0x0  }
0xaa: {  	s25 =	simm.s32 $0x1B8E;
	s24 =	sld [smem:$0x3FFE];
	[sflag:s23] =	ssyncadd.s32 $0xFFFFFFFF  }
0xab: {  	s26 =	simm.s32 $execute0_lowered;
	[smem:$0x3FD2] =	sst s25  }
0xac: {  	s6 =	sshll.u32 s26, $0x1;
	_ =	strace $0x80000049;
	[dreg:$0x1] =	wrdreg $0xFFFFFFFF  }
0xad: {  	s28 =	simm.s32 $_size_execute0_lowered;
	s4 =	sadd.s32 s4, s6;
	[dreg:$0x0] =	wrdreg $0x0  }
0xae: {  	s6 =	sshll.u32 s28, $0x1;
	[dreg:$0x2] =	wrdreg s4  }
0xaf: {  	[dreg:$0x3] =	wrdreg s6  }
0xb0: {  	[dreg:$0x4] =	wrdreg $0xC0  }
0xb1: {  	_ =	task [dreg:s8], $0x5FFFF  }
0xb2: {  	[dreg:$0x1] =	wrdreg $0xFFFFFFFF  }
0xb3: {  	[dreg:$0x0] =	wrdreg $0x60  }
0xb4: {  	[dreg:$0x2] =	wrdreg s17  }
0xb5: {  	[dreg:$0x3] =	wrdreg s16  }
0xb6: {  	[dreg:$0x4] =	wrdreg s24  }
0xb7: {  	[dreg:$0x5] =	wrdreg $0x0  }
0xb8: {  	[dreg:$0x6] =	wrdreg $0x9  }
0xb9: {  	_ =	task.clear_ibuf [dreg:s8], $0x7FFFF;
	_ =	strace $0x90000049  }
0xba: {  	s29 =	simm.s32 $0x9;
	_ =	strace $0x8000004B  }
0xbb: {  	_ =	swait.ge [sflag:s29], $0x1  }
0xbc: {  	[sflag:s29] =	ssyncadd.s32 $0xFFFFFFFF  }
0xbd: {  	_ =	strace $0x9000004B  }
0xbe: {  	_ =	sfence  }
0xbf: {  	s30 =	sld [smem:$0x0];
	_ =	sdelay $0x2  }
0xc0: {  	s31 =	sshll.u32 s1, $0xD;
	s1 =	sshrl.u32 s1, $0x2  }
0xc1: {  	s3 =	sand.u32 $0x4000, s31;
	s1 =	sadd.s32 s1, s30  }
0xc2: {  	s0 =	sor.u32 s3, s0;
	s1 =	sshll.u32 s1, $0x11  }
0xc3: {  	s0 =	sor.u32 s1, s0  }
0xc4: {  	s0 =	sadd.s32 $0x8F2B, s0  }
0xc5: {  	[sflag:s0] =	ssyncadd.remote.s32 $0x1  }
0xc6: {  	_ =	sfence.sel $0xFFFF  }
0xc7: {  	[dreg:$0x0] =	wrdreg $0xFFFFFFFF;
	(pc) =	sbr.abs _section_cstart, $3  }
0xc8: {  	[dreg:$0x1] =	wrdreg $0xFFFFFFFF  }
0xc9: {  	_ =	task.clear_ibuf [dreg:s8], $0x2FFFF;
	_ =	strace $0x9FFFFFFF  }
0xca: {  	(tm) =	ssettm $0x7FFFFFFF  }
0xcb: {  	_ =	shalt  }
tec
execute0_lowered:
.L_overlay_start_1:
0x0: {  	(tag) =	ssettag $0x1  }
0x1: {  	s1 =	rddreg [dreg:$0x0]  }
0x2: {  	s0 =	rddreg [dreg:$0x1]  }
0x3: {  	s4 =	rddreg [dreg:$0x2]  }
0x4: {  	s2 =	rddreg [dreg:$0x3];
	s3 =	simm.s32 $0x0;
	s5 =	srdreg.scid  }
0x5: {  	s12 =	stileid.u32;
	s28 =	simm.s32 $0x1A240;
	s29 =	simm.s32 $0x16240  }
0x6: {  	s30 =	simm.s32 $0x8;
	s31 =	simm.s32 $0x5;
	s6 =	smul.u32 $0x2880, s12  }
0x7: {  	[smem:$0x7FF] =	sst s3;
	s5 =	sand.u32 $0x1, s5;
	s11 =	smul.u32 $0x4E200, s12  }
0x8: {  	s4 =	sadd.s32 $0x1C00, s4;
	s18 =	smul.u32 $0x14000, s12;
	s22 =	sadd.s32 $0x138800, s2  }
0x9: {  	s23 =	smul.u32 $0x50000, s12;
	p1 =	seq.s32 s12, $0xF;
	p0 =	sne.s32 s12, $0x0  }
0xa: {  	_ =	strace $0x8000004A;
	s7 =	ssub.s32 $0x2, s5;
	s8 =	smul.u32 $0x28800, s5  }
0xb: {  	s5 =	smul.u32 $0x138800, s5;
	[dreg:$0xb] =	wrdreg s22;
	s22 =	simm.s32 $0x161C0  }
0xc: {  	s9 =	sshrl.u32 s7, $0x1;
	s10 =	sshrl.u32 s6, $0x3;
	s15 =	sshrl.u32 s11, $0x2  }
0xd: {  	s24 =	sshrl.u32 s23, $0x2;
	s23 =	simm.s32 $0x6;
	s9 =	ssub.s32 s7, s9  }
0xe: {  	s10 =	sadd.s32 s0, s10;
	s8 =	sadd.s32 s6, s8;
	s7 =	sadd.s32 s15, s2  }
0xf: {  	s13 =	sadd.s32 $0xA200, s10;
	s14 =	sshrl.u32 s8, $0x3;
	s17 =	sadd.s32 $0x4000, s7  }
0x10: {  	s19 =	sadd.s32 $0x8000, s7;
	s20 =	sadd.s32 $0xC000, s7;
	[dreg:$0x5] =	wrdreg s13  }
0x11: {  	s21 =	sadd.s32 $0x10000, s7;
	s10 =	sadd.s32 s18, s5;
	[dreg:$0x7] =	wrdreg s17  }
0x12: {  	s5 =	sshrl.u32 s5, $0x3;
	s25 =	sadd.s32 $0x200, s8;
	[dreg:$0x8] =	wrdreg s19  }
0x13: {  	s8 =	sadd.s32 $0x180, s8;
	s6 =	sadd.s32 s0, s14;
	[dreg:$0x9] =	wrdreg s20  }
0x14: {  	[dreg:$0xa] =	wrdreg s21;
	s10 =	sshrl.u32 s10, $0x3;
	s17 =	smax.u32 s9, $0x1  }
0x15: {  	s26 =	sshrl.u32 s8, $0x3;
	s20 =	simm.s32 $0x138C0;
	s21 =	simm.s32 $0x16140  }
0x16: {  	s8 =	simm.s32 $0x2;
	s9 =	simm.s32 $0x4;
	s16 =	sadd.s32 $0x10, s6  }
0x17: {  	s13 =	sadd.s32 $0x20, s6;
	s15 =	sadd.s32 s4, s10;
	s4 =	sadd.s32 s4, s5  }
0x18: {  	s5 =	sadd.s32 s24, s2;
	s10 =	sadd.s32 $0x12C000, s2;
	[dreg:$0x6] =	wrdreg s16  }
0x19: {  	s19 =	sadd.s32 s26, s0;
	s26 =	simm.s32 $0x80;
	[dreg:$0xc] =	wrdreg s13  }
0x1a: {  	s16 =	sadd.s32 $0x25800, s4;
	s4 =	sshrl.u32 s25, $0x3;
	s24 =	sshrl.u32 @p1 s10, $0x3  }
0x1b: {  	s25 =	sshrl.u32 @!p1 s5, $0x3;
	s5 =	simm.s32 $0x3;
	s10 =	simm.s32 $0x0  }
0x1c: {  	v0 =	vimm.f32 $0.0e+00;
	s18 =	sadd.s32 s4, s0;
	s0 =	simm.s32 $0x7;
	s4 =	simm.s32 $0x1  }
.LBB2_1:
0x1d: {  	s11 =	rddreg [dreg:$0x5]  }
0x1e: {  	[tilespmem:s20], [sflag:$0x7] =	stream.linear.gather [hbm4b:s11+s3], $0x2880, $0x38;
	[tilespmem:$0x1E240] =	vst v63  }
0x1f: {  	_ = 	snop  }
0x20: {  	[tilespmem:s21], [sflag:$0x5] =	stream.linear.gather [hbm4b:s6+s3], $0x80, $0x38;
	[tilespmem:$0x1E240] =	vst v63  }
0x21: {  	s13 =	rddreg [dreg:$0x6]  }
0x22: {  	[tilespmem:s22], [sflag:$0x6] =	stream.linear.gather [hbm4b:s13+s3], $0x80, $0x38;
	[tilespmem:$0x1E240] =	vst v63  }
0x23: {  	s14 =	sand.u32 $0xFE00, s3;
	s12 =	sand.u32 $0x70, s3;
	_ =	swait.ge [sflag:s23], $0x80  }
0x24: {  	s11 =	simm.s32 $0x40;
	s13 =	sshrl.u32 s14, $0x2;
	[sflag:s23] =	ssyncset.done $0x0  }
0x25: {  	s13 =	sor.u32 s12, s13;
	s12 =	simm.s32 $0x0;
	[sflag:s23] =	ssyncadd.s32 $0xFFFFFF80  }
0x26: {  	[tilespmem:s28], [sflag:$0x2] =	stream.indirect.gather [hbm4b:s1+s26], $0x80, s22, s26, $0xb8;
	[tilespmem:$0x1E240] =	vst v63  }
.LBB2_2:
0x27: {  	p2 =	sne.s32 s11, $0xFFC0  }
0x28: {  	[tilespmem:s13+$0x16240] =	vst v0;
	s12 =	sadd.s32 $0x10, s12;
	s13 =	smov.u32 s11;
	s11 =	sadd.s32 $0x40, s11  }
.Ltmp0:
0x29: {  	(pc) =	sbr.rel @p2 .LBB2_2-.Ltmp0, $4  }
0x2a: {  	_ = 	snop  }
0x2b: {  	s13 =	sand.u32 $0xFE00, s13  }
0x2c: {  	s14 =	sand.u32 $0x70, s12;
	s13 =	sshrl.u32 s13, $0x2  }
0x2d: {  	s13 =	sor.u32 s14, s13  }
0x2e: {  	[tilespmem:s13+$0x16240] =	vst v0  }
0x2f: {  	[spmem:s7] =	stream.linear.scatter [tilespmem:s29], [sflag:$0x8], $0x4000, $0x38;
	[tilespmem:$0x1E240] =	vst v63  }
0x30: {  	_ =	swait.ge [sflag:s30], $0x4000  }
0x31: {  	[sflag:s30] =	ssyncset.done $0x0  }
0x32: {  	s11 =	rddreg [dreg:$0x7];
	[sflag:s30] =	ssyncadd.s32 $0xFFFFC000  }
0x33: {  	[spmem:s11] =	stream.linear.scatter [tilespmem:s29], [sflag:$0x8], $0x4000, $0x38;
	[tilespmem:$0x1E240] =	vst v63  }
0x34: {  	_ =	swait.ge [sflag:s30], $0x4000  }
0x35: {  	[sflag:s30] =	ssyncset.done $0x0  }
0x36: {  	s13 =	rddreg [dreg:$0x8];
	[sflag:s30] =	ssyncadd.s32 $0xFFFFC000  }
0x37: {  	[spmem:s13] =	stream.linear.scatter [tilespmem:s29], [sflag:$0x8], $0x4000, $0x38;
	[tilespmem:$0x1E240] =	vst v63  }
0x38: {  	_ =	swait.ge [sflag:s30], $0x4000  }
0x39: {  	[sflag:s30] =	ssyncset.done $0x0  }
0x3a: {  	s14 =	rddreg [dreg:$0x9];
	[sflag:s30] =	ssyncadd.s32 $0xFFFFC000  }
0x3b: {  	[spmem:s14] =	stream.linear.scatter [tilespmem:s29], [sflag:$0x8], $0x4000, $0x38;
	[tilespmem:$0x1E240] =	vst v63  }
0x3c: {  	_ =	swait.ge [sflag:s30], $0x4000  }
0x3d: {  	[sflag:s30] =	ssyncset.done $0x0  }
0x3e: {  	s12 =	rddreg [dreg:$0xa];
	[sflag:s30] =	ssyncadd.s32 $0xFFFFC000  }
0x3f: {  	[spmem:s12] =	stream.linear.scatter [tilespmem:s29], [sflag:$0x8], $0x3880, $0x38;
	[tilespmem:$0x1E240] =	vst v63  }
0x40: {  	_ =	swait.ge [sflag:s30], $0x3880  }
0x41: {  	[sflag:s30] =	ssyncset.done $0x0  }
0x42: {  	s11 =	simm.s32 @!p0 $0x16240;
	s12 =	rddreg [dreg:$0xb];
	[sflag:s30] =	ssyncadd.s32 $0xFFFFC780  }
0x43: {  	[spmem:s12] =	stream.linear.scatter @!p0 [tilespmem:s11], [sflag:$0x8], $0x400, $0x38;
	[tilespmem:$0x1E240] =	vst v63  }
0x44: {  	s11 =	simm.s32 @!p0 $0x8  }
0x45: {  	_ =	swait.ge @!p0 [sflag:s11], $0x400  }
0x46: {  	[sflag:s11] =	ssyncset.done @!p0 $0x0  }
0x47: {  	[sflag:s11] =	ssyncadd.s32 @!p0 $0xFFFFFC00  }
0x48: {  	_ =	swait.ge [sflag:s31], $0x80  }
0x49: {  	[sflag:s31] =	ssyncset.done $0x0  }
0x4a: {  	[sflag:s31] =	ssyncadd.s32 $0xFFFFFF80  }
0x4b: {  	[tilespmem:s29], [sflag:$0x1] =	stream.indirect.gather [hbm4b:s1+s26], $0x80, s21, s26, $0xb8;
	[tilespmem:$0x1E240] =	vst v63  }
0x4c: {  	_ =	swait.ge [sflag:s0], $0x2880  }
0x4d: {  	[sflag:s0] =	ssyncset.done $0x0  }
0x4e: {  	[sflag:s0] =	ssyncadd.s32 $0xFFFFD780  }
0x4f: {  	[bflag:$0x0] =	sbarrier.arrive $0xFFFF  }
0x50: {  	_ =	swait.ge [sflag:s4], $0x4000  }
0x51: {  	[sflag:s4] =	ssyncset.done $0x0  }
0x52: {  	[sflag:s4] =	ssyncadd.s32 $0xFFFFC000  }
0x53: {  	[spmem:s2] =	stream.indirect.scatter.add.f32 [tilespmem:s29], [sflag:$0x3], $0x80, s20, s26, $0xb8;
	[tilespmem:$0x1E240] =	vst v63  }
0x54: {  	s13 =	simm.s32 $0x0;
	s14 =	rddreg [dreg:$0xc]  }
0x55: {  	[tilespmem:s21], [sflag:$0x5] =	stream.linear.gather [hbm4b:s14+s13], $0x80, $0x38;
	[tilespmem:$0x1E240] =	vst v63  }
0x56: {  	_ =	swait.ge [sflag:s31], $0x80  }
0x57: {  	[sflag:s31] =	ssyncset.done $0x0  }
0x58: {  	[sflag:s31] =	ssyncadd.s32 $0xFFFFFF80  }
0x59: {  	_ =	swait.ge [sflag:s5], $0x4000  }
0x5a: {  	[sflag:s5] =	ssyncset.done $0x0  }
0x5b: {  	[sflag:s5] =	ssyncadd.s32 $0xFFFFC000  }
0x5c: {  	[tilespmem:s29], [sflag:$0x1] =	stream.indirect.gather [hbm4b:s1+s26], $0x80, s21, s26, $0xb8;
	[tilespmem:$0x1E240] =	vst v63  }
0x5d: {  	_ =	swait.ge [sflag:s8], $0x4000  }
0x5e: {  	[sflag:s8] =	ssyncset.done $0x0  }
0x5f: {  	s12 =	simm.s32 $0x13940;
	[sflag:s8] =	ssyncadd.s32 $0xFFFFC000  }
0x60: {  	[spmem:s2] =	stream.indirect.scatter.add.f32 [tilespmem:s28], [sflag:$0x4], $0x80, s12, s26, $0xb8;
	[tilespmem:$0x1E240] =	vst v63  }
0x61: {  	s13 =	sadd.s32 $0x0, s19  }
0x62: {  	[tilespmem:s22], [sflag:$0x6] =	stream.linear.gather [hbm4b:s13+s3], $0x80, $0x38;
	[tilespmem:$0x1E240] =	vst v63  }
0x63: {  	_ =	swait.ge [sflag:s23], $0x80  }
0x64: {  	[sflag:s23] =	ssyncset.done $0x0  }
0x65: {  	[sflag:s23] =	ssyncadd.s32 $0xFFFFFF80  }
0x66: {  	_ =	swait.ge [sflag:s9], $0x4000  }
0x67: {  	[sflag:s9] =	ssyncset.done $0x0  }
0x68: {  	[sflag:s9] =	ssyncadd.s32 $0xFFFFC000  }
0x69: {  	[tilespmem:s28], [sflag:$0x2] =	stream.indirect.gather [hbm4b:s1+s26], $0x80, s22, s26, $0xb8;
	[tilespmem:$0x1E240] =	vst v63  }
0x6a: {  	_ =	swait.ge [sflag:s4], $0x4000  }
0x6b: {  	s11 =	simm.s32 $0x20;
	s14 =	simm.s32 $0x139C0;
	[sflag:s4] =	ssyncset.done $0x0  }
0x6c: {  	s12 =	simm.s32 $0x13AC0;
	s13 =	sadd.s32 $0x0, s18;
	[sflag:s4] =	ssyncadd.s32 $0xFFFFC000  }
0x6d: {  	[spmem:s2] =	stream.indirect.scatter.add.f32 [tilespmem:s29], [sflag:$0x3], $0x80, s14, s26, $0xb8;
	[tilespmem:$0x1E240] =	vst v63  }
.LBB2_4:
0x6e: {  	[tilespmem:s21], [sflag:$0x5] =	stream.linear.gather [hbm4b:s13+s3], $0x80, $0x38;
	[tilespmem:$0x1E240] =	vst v63  }
0x6f: {  	s13 =	smov.u32 s11  }
0x70: {  	p2 =	sne.s32 s11, $0x4C0;
	s11 =	sadd.s32 $0x20, s11;
	_ =	swait.ge [sflag:s31], $0x80  }
0x71: {  	[sflag:s31] =	ssyncset.done $0x0  }
0x72: {  	[sflag:s31] =	ssyncadd.s32 $0xFFFFFF80  }
0x73: {  	_ =	swait.ge [sflag:s5], $0x4000  }
0x74: {  	[sflag:s5] =	ssyncset.done $0x0  }
0x75: {  	[sflag:s5] =	ssyncadd.s32 $0xFFFFC000  }
0x76: {  	[tilespmem:s29], [sflag:$0x1] =	stream.indirect.gather [hbm4b:s1+s26], $0x80, s21, s26, $0xb8;
	[tilespmem:$0x1E240] =	vst v63  }
0x77: {  	_ =	swait.ge [sflag:s8], $0x4000  }
0x78: {  	[sflag:s8] =	ssyncset.done $0x0  }
0x79: {  	s14 =	sadd.s32 $0xFFFFFF80, s12;
	[sflag:s8] =	ssyncadd.s32 $0xFFFFC000  }
0x7a: {  	[spmem:s2] =	stream.indirect.scatter.add.f32 [tilespmem:s28], [sflag:$0x4], $0x80, s14, s26, $0xb8;
	[tilespmem:$0x1E240] =	vst v63  }
0x7b: {  	s14 =	sadd.s32 s13, s19  }
0x7c: {  	[tilespmem:s22], [sflag:$0x6] =	stream.linear.gather [hbm4b:s14+s3], $0x80, $0x38;
	[tilespmem:$0x1E240] =	vst v63  }
0x7d: {  	_ =	swait.ge [sflag:s23], $0x80  }
0x7e: {  	[sflag:s23] =	ssyncset.done $0x0  }
0x7f: {  	[sflag:s23] =	ssyncadd.s32 $0xFFFFFF80  }
0x80: {  	_ =	swait.ge [sflag:s9], $0x4000  }
0x81: {  	[sflag:s9] =	ssyncset.done $0x0  }
0x82: {  	[sflag:s9] =	ssyncadd.s32 $0xFFFFC000  }
0x83: {  	[tilespmem:s28], [sflag:$0x2] =	stream.indirect.gather [hbm4b:s1+s26], $0x80, s22, s26, $0xb8;
	[tilespmem:$0x1E240] =	vst v63  }
.Ltmp1:
0x84: {  	_ =	swait.ge [sflag:s4], $0x4000;
	(pc) =	sbr.rel @p2 .LBB2_4-.Ltmp1, $4  }
0x85: {  	[sflag:s4] =	ssyncset.done $0x0  }
0x86: {  	[sflag:s4] =	ssyncadd.s32 $0xFFFFC000  }
0x87: {  	[spmem:s2] =	stream.indirect.scatter.add.f32 [tilespmem:s29], [sflag:$0x3], $0x80, s12, s26, $0xb8;
	[tilespmem:$0x1E240] =	vst v63  }
0x88: {  	s13 =	sadd.s32 s13, s18;
	s12 =	sadd.s32 $0x100, s12  }
0x89: {  	[tilespmem:s21], [sflag:$0x5] =	stream.linear.gather [hbm4b:s13+s3], $0x80, $0x38;
	[tilespmem:$0x1E240] =	vst v63  }
0x8a: {  	_ =	swait.ge [sflag:s8], $0x4000  }
0x8b: {  	[sflag:s8] =	ssyncset.done $0x0  }
0x8c: {  	s11 =	simm.s32 $0x16040;
	[sflag:s8] =	ssyncadd.s32 $0xFFFFC000  }
0x8d: {  	[spmem:s2] =	stream.indirect.scatter.add.f32 [tilespmem:s28], [sflag:$0x4], $0x80, s11, s26, $0xb8;
	[tilespmem:$0x1E240] =	vst v63  }
0x8e: {  	_ =	swait.ge [sflag:s5], $0x4000  }
0x8f: {  	[sflag:s5] =	ssyncset.done $0x0  }
0x90: {  	[sflag:s5] =	ssyncadd.s32 $0xFFFFC000  }
0x91: {  	_ =	swait.ge [sflag:s9], $0x4000  }
0x92: {  	[sflag:s9] =	ssyncset.done $0x0  }
0x93: {  	[sflag:s9] =	ssyncadd.s32 $0xFFFFC000  }
0x94: {  	_ =	swait.ge [sflag:s31], $0x80  }
0x95: {  	[sflag:s31] =	ssyncset.done $0x0  }
0x96: {  	[sflag:s31] =	ssyncadd.s32 $0xFFFFFF80  }
0x97: {  	s11 =	simm.s32 @p1 $0x1FC8;
	[bflag:$0x0] =	sbarrier.arrive $0xFFFF  }
0x98: {  	[hbm:s16], [sflag:s11] =	dma.local @p1 [spmem:s24], $0x1900  }
0x99: {  	s11 =	simm.s32 @p1 $0x8  }
0x9a: {  	s12 =	stileid.u32;
	_ =	swait.ge @p1 [sflag:s11], $0x1900  }
0x9b: {  	s10 =	sadd.s32 $0x1, s10;
	s12 =	sshll.u32 @!p1 s12, $0x6;
	[sflag:s11] =	ssyncset.done @p1 $0x0  }
0x9c: {  	p2 =	sne.s32 s10, s17;
	[sflag:s11] =	ssyncadd.s32 @p1 $0xFFFFE700;
	s11 =	sor.u32 @!p1 $0x1C08, s12  }
0x9d: {  	[hbm:s15], [sflag:s11] =	dma.local @!p1 [spmem:s25], $0x2800  }
.Ltmp2:
0x9e: {  	_ = 	snop;
	(pc) =	sbr.rel @p2 .LBB2_1-.Ltmp2, $4  }
0x9f: {  	s11 =	simm.s32 @!p1 $0x8  }
0xa0: {  	_ =	swait.ge @!p1 [sflag:s11], $0x2800  }
0xa1: {  	[sflag:s11] =	ssyncset.done @!p1 $0x0  }
0xa2: {  	[sflag:s11] =	ssyncadd.s32 @!p1 $0xFFFFD800  }
0xa3: {  	_ =	sfence.sel $0x180000  }
0xa4: {  	[bflag:$0x0] =	sbarrier.arrive $0xFFFF  }
0xa5: {  	_ =	strace $0x9000004A  }
0xa6: {  	[bflag:$0x2] =	sbarrier.arrive $0xFFFF  }
0xa7: {  	s0 =	rddreg [dreg:$0x4]  }
0xa8: {  	s0 =	sadd.s32 @!p0 $0x100000, s0  }
0xa9: {  	[sflag:s0] =	ssyncadd.tile.s32 @!p0 $0x1;
	_ =	shalt  }
.Lfunc_end2:
_tile_overlayer_lowered:
.L_overlay_start_2:
0xaa: {  	(tag) =	ssettag $0x2  }
0xab: {  	s0 =	rddreg [dreg:$0x0];
	s2 =	stileid.u32  }
0xac: {  	s1 =	rddreg [dreg:$0x1];
	p0 =	sne.s32 s2, $0x0  }
0xad: {  	s3 =	rddreg [dreg:$0x2];
	[bflag:$0x3] =	sbarrier.arrive $0xFFFF;
	s2 =	simm.s32 @!p0 $0x1C08  }
0xae: {  	[timem:s3], [sflag:s2] =	dma.local @!p0 [hbm:s0], s1  }
0xaf: {  	s0 =	simm.s32 @!p0 $0x8  }
0xb0: {  	_ =	swait.ge @!p0 [sflag:s0], s1  }
0xb1: {  	s1 =	ssub.s32 @!p0 $0x0, s1;
	[sflag:s0] =	ssyncset.done @!p0 $0x0  }
0xb2: {  	[sflag:s0] =	ssyncadd.s32 @!p0 s1  }
0xb3: {  	[bflag:$0x3] =	sbarrier.arrive $0xFFFF  }
0xb4: {  	_ =	shalt  }

// kernel: kernel.14.cloned.1.call-start
scs
__scs_entry_jumppad:
0x0: {  	(pc) =	sbr.rel $0x88, $3  }
0x1: {  	(tag) =	ssettag $0x0;
	lr =	simm.s32 $0x1  }
0x2: {  	[smem:$0x3F99] =	sst lr;
	_ =	strace $0xD0000000  }
0x3: {  	_ = 	snop  }
0x4: {  	_ = 	snop  }
0x5: {  	_ = 	snop  }
0x6: {  	_ = 	snop  }
0x7: {  	_ = 	snop  }
__scs_overlays_trampoline_lowered:
0x8: {  	[smem:$0x3FA8] =	sst s0  }
0x9: {  	[smem:$0x3FA9] =	sst s1  }
0xa: {  	[smem:$0x3FAA] =	sst s2  }
0xb: {  	[smem:$0x3FAB] =	sst s3  }
0xc: {  	[smem:$0x3FAC] =	sst s4  }
0xd: {  	[smem:$0x3FAD] =	sst s5  }
0xe: {  	[smem:$0x3FAE] =	sst s6  }
0xf: {  	[smem:$0x3FAF] =	sst s7  }
0x10: {  	[smem:$0x3FB0] =	sst s8  }
0x11: {  	[smem:$0x3FB1] =	sst s9;
	s0 =	simm.s32 @!p0 $0x0  }
0x12: {  	s1 =	sld [smem:$0x3F97];
	s0 =	simm.s32 @p0 $0x1  }
0x13: {  	[smem:$0x3FB2] =	sst s0;
	s0 =	simm.s32 @!p1 $0x0  }
0x14: {  	s2 =	sld [smem:$0x3F96];
	s0 =	simm.s32 @p1 $0x1  }
0x15: {  	[smem:$0x3FB3] =	sst s0;
	s0 =	simm.s32 @!p2 $0x0  }
0x16: {  	s3 =	sld [smem:$0x3FDB];
	s0 =	simm.s32 @p2 $0x1  }
0x17: {  	s4 =	simm.s32 $0x1BF5;
	[smem:$0x3FB5] =	sst s0  }
0x18: {  	s0 =	sld [smem:$0x3F98];
	_ =	swait.ge [sflag:s4], $0x0  }
0x19: {  	s7 =	sld [smem:$0x3F99]  }
0x1a: {  	s8 =	sadd.s32 $0xFFFFE003, lr  }
0x1b: {  	s9 =	sadd.s32 $0xFFFFFEF7, lr;
	s5 =	simm.s32 $0xFFFFFFFF;
	p2 =	slt.u32 s8, $0xFFFFF086  }
0x1c: {  	p1 =	slt.u32 s9, $0xF7A;
	s5 =	simm.s32 @!p2 $0x0  }
0x1d: {  	s5 =	simm.s32 @p1 $0x1;
	p0 =	seq.s32 s7, s2  }
0x1e: {  	s7 =	smul.u32 @!p0 $0xF7A, s2;
	p2 =	seq.s32 @!p0 s5, $0x0  }
0x1f: {  	s9 =	smul.u32 $0xF7A, s1;
	s8 =	simm.s32 @!p0 $0x1BF5;
	p2 =	por !p2, p0  }
0x20: {  	[sflag:s8] =	ssyncset.s32 @!p0 $0xFFFFF086;
	s6 =	sadd.s32 @!p0 s3, s7;
	s7 =	simm.s32 @!p0 $0x108  }
0x21: {  	s3 =	sadd.s32 s3, s9;
	s6 =	sadd.s32 @!p0 $0x88, s6;
	s7 =	simm.s32 @p2 $0x1082  }
0x22: {  	[simem:s7], [sflag:s8] =	dma.local @!p0 [hbm:s6], $0xF7A  }
0x23: {  	s9 =	sor.u32 $0xD0000000, s2;
	s6 =	simm.s32 $0x108;
	_ =	swait.ge @!p0 [sflag:s8], $0x0  }
0x24: {  	s3 =	sadd.s32 $0x88, s3;
	s6 =	simm.s32 @!p1 $0x1082;
	[sflag:s4] =	ssyncset.s32 $0xFFFFF086  }
0x25: {  	[simem:s6], [sflag:s4] =	dma.local [hbm:s3], $0xF7A  }
0x26: {  	[smem:$0x3F99] =	sst s1;
	(tag) =	ssettag s2;
	_ =	strace s9  }
0x27: {  	s1 =	sld [smem:$0x3FA9]  }
0x28: {  	s2 =	sld [smem:$0x3FAA]  }
0x29: {  	s4 =	sld [smem:$0x3FAC]  }
0x2a: {  	p0 =	seq.s32 s5, $0x0;
	s5 =	sld [smem:$0x3FAD]  }
0x2b: {  	s6 =	sld [smem:$0x3FAE]  }
0x2c: {  	s7 =	sld [smem:$0x3FAF]  }
0x2d: {  	s3 =	simm.s32 $0x108;
	s8 =	sld [smem:$0x3FB0]  }
0x2e: {  	s3 =	simm.s32 @!p0 $0x1082;
	s9 =	sld [smem:$0x3FB1]  }
0x2f: {  	lr =	sadd.s32 s0, s3;
	s0 =	sld [smem:$0x3FA8]  }
0x30: {  	s3 =	sld [smem:$0x3FAB]  }
0x31: {  	[smem:$0x3FB4] =	sst s10  }
0x32: {  	s10 =	sld [smem:$0x3FB2];
	_ =	sdelay $0x3  }
0x33: {  	p0 =	seq.s32 s10, $0x1;
	s10 =	sld [smem:$0x3FB4];
	_ =	sdelay $0x3  }
0x34: {  	[smem:$0x3FB4] =	sst s10  }
0x35: {  	s10 =	sld [smem:$0x3FB3];
	_ =	sdelay $0x3  }
0x36: {  	p1 =	seq.s32 s10, $0x1;
	s10 =	sld [smem:$0x3FB4];
	_ =	sdelay $0x3  }
0x37: {  	[smem:$0x3FB4] =	sst s10  }
0x38: {  	s10 =	sld [smem:$0x3FB5]  }
0x39: {  	_ = 	snop;
	(pc) =	sbr.ind lr, $3  }
0x3a: {  	_ = 	snop  }
0x3b: {  	_ = 	snop  }
0x3c: {  	p2 =	seq.s32 s10, $0x1;
	s10 =	sld [smem:$0x3FB4]  }
0x3d: {  	_ =	shalt  }
0x3e: {  	_ =	shalt  }
0x3f: {  	_ =	shalt  }
0x40: {  	_ =	shalt  }
0x41: {  	_ =	shalt  }
0x42: {  	_ =	shalt  }
0x43: {  	_ =	shalt  }
0x44: {  	_ =	shalt  }
0x45: {  	_ =	shalt  }
0x46: {  	_ =	shalt  }
0x47: {  	_ =	shalt  }
0x48: {  	_ =	shalt  }
0x49: {  	_ =	shalt  }
0x4a: {  	_ =	shalt  }
0x4b: {  	_ =	shalt  }
0x4c: {  	_ =	shalt  }
0x4d: {  	_ =	shalt  }
0x4e: {  	_ =	shalt  }
0x4f: {  	_ =	shalt  }
0x50: {  	_ =	shalt  }
0x51: {  	_ =	shalt  }
0x52: {  	_ =	shalt  }
0x53: {  	_ =	shalt  }
0x54: {  	_ =	shalt  }
0x55: {  	_ =	shalt  }
0x56: {  	_ =	shalt  }
0x57: {  	_ =	shalt  }
0x58: {  	_ =	shalt  }
0x59: {  	_ =	shalt  }
0x5a: {  	_ =	shalt  }
0x5b: {  	_ =	shalt  }
0x5c: {  	_ =	shalt  }
0x5d: {  	_ =	shalt  }
0x5e: {  	_ =	shalt  }
0x5f: {  	_ =	shalt  }
0x60: {  	_ =	shalt  }
0x61: {  	_ =	shalt  }
0x62: {  	_ =	shalt  }
0x63: {  	_ =	shalt  }
0x64: {  	_ =	shalt  }
0x65: {  	_ =	shalt  }
0x66: {  	_ =	shalt  }
0x67: {  	_ =	shalt  }
0x68: {  	_ =	shalt  }
0x69: {  	_ =	shalt  }
0x6a: {  	_ =	shalt  }
0x6b: {  	_ =	shalt  }
0x6c: {  	_ =	shalt  }
0x6d: {  	_ =	shalt  }
0x6e: {  	_ =	shalt  }
0x6f: {  	_ =	shalt  }
0x70: {  	_ =	shalt  }
0x71: {  	_ =	shalt  }
0x72: {  	_ =	shalt  }
0x73: {  	_ =	shalt  }
0x74: {  	_ =	shalt  }
0x75: {  	_ =	shalt  }
0x76: {  	_ =	shalt  }
0x77: {  	_ =	shalt  }
0x78: {  	_ =	shalt  }
0x79: {  	_ =	shalt  }
0x7a: {  	_ =	shalt  }
0x7b: {  	_ =	shalt  }
0x7c: {  	_ =	shalt  }
0x7d: {  	_ =	shalt  }
0x7e: {  	_ =	shalt  }
0x7f: {  	_ =	shalt  }
0x80: {  	_ =	shalt  }
0x81: {  	_ =	shalt  }
0x82: {  	_ =	shalt  }
0x83: {  	_ =	shalt  }
0x84: {  	_ =	shalt  }
0x85: {  	_ =	shalt  }
0x86: {  	_ =	shalt  }
0x87: {  	_ =	shalt  }
.Lfunc_end0:
.L_simem_size_0:
called_computation.2_lowered:
.L_overlay_start_0:
0x88: {  	s2 =	sld [smem:$0x3FD9]  }
0x89: {  	s3 =	sld [smem:$0x3FFE];
	_ =	sdelay $0x1  }
0x8a: {  	s1 =	srdreg.scid  }
0x8b: {  	s0 =	sand.u32 $0x1, s1  }
0x8c: {  	s14 =	sshll.u32 s0, $0xA;
	s2 =	sadd.s32 s3, s2  }
0x8d: {  	s2 =	sadd.s32 s2, s14  }
0x8e: {  	[smem:$0x3FC0] =	sst s2  }
0x8f: {  	_ = 	snop  }
0x90: {  	s2 =	sld [smem:$0x3FD0];
	_ =	sdelay $0x2  }
0x91: {  	s15 =	simm.s32 $0xA;
	s4 =	simm.s32 $0x10  }
0x92: {  	[smem:s4], [sflag:s15] =	dma.local [hbm:s2], $0x1  }
0x93: {  	_ =	swait.eq [sflag:s15], $0x1  }
0x94: {  	[sflag:s15] =	ssyncset.done $0x0  }
0x95: {  	s16 =	sld [smem:$0x10];
	[sflag:s15] =	ssyncadd.s32 $0xFFFFFFFF  }
0x96: {  	s17 =	sld [smem:$0x11];
	(tm) =	ssettm $0x1  }
0x97: {  	s18 =	sld [smem:$0x3FFB];
	_ =	sdelay $0x3  }
0x98: {  	_ =	strace s18  }
0x99: {  	s4 =	sld [smem:$0x3FFC];
	_ =	sdelay $0x3  }
0x9a: {  	_ =	strace s4  }
0x9b: {  	s4 =	sld [smem:$0x3FFD];
	_ =	sdelay $0x3  }
0x9c: {  	_ =	strace s4  }
0x9d: {  	_ =	strace $0x8FFFFFFF  }
0x9e: {  	s19 =	sld [smem:$0x3FDB];
	_ =	sdelay $0x1  }
0x9f: {  	s5 =	simm.s32 $_scs_section_size  }
0xa0: {  	s6 =	simm.s32 $_size__tile_overlayer_lowered;
	s7 =	simm.s32 $_tile_overlayer_lowered  }
0xa1: {  	s22 =	simm.s32 $0x1BFF;
	s21 =	sshll.u32 s7, $0x1;
	s4 =	sadd.s32 s5, s19  }
0xa2: {  	s8 =	simm.s32 $0x0;
	s20 =	sshll.u32 s6, $0x1;
	s6 =	sadd.s32 s21, s4  }
0xa3: {  	[timem:s8], [sflag:s22] =	dma.local [hbm:s6], s20  }
0xa4: {  	_ =	swait.ge [sflag:s22], s20  }
0xa5: {  	s5 =	ssub.s32 $0x0, s20;
	[sflag:s22] =	ssyncset.done $0x0  }
0xa6: {  	[sflag:s22] =	ssyncadd.s32 s5;
	_ =	sdelay $0x1  }
0xa7: {  	s23 =	simm.s32 $0x1B8B  }
0xa8: {  	_ =	swait.ge [sflag:s23], $0x1  }
0xa9: {  	[sflag:s23] =	ssyncset.done $0x0  }
0xaa: {  	s25 =	simm.s32 $0x1B8E;
	s24 =	sld [smem:$0x3FFE];
	[sflag:s23] =	ssyncadd.s32 $0xFFFFFFFF  }
0xab: {  	s26 =	simm.s32 $execute0_lowered;
	[smem:$0x3FD2] =	sst s25  }
0xac: {  	s6 =	sshll.u32 s26, $0x1;
	_ =	strace $0x8000004C;
	[dreg:$0x1] =	wrdreg $0xFFFFFFFF  }
0xad: {  	s28 =	simm.s32 $_size_execute0_lowered;
	s4 =	sadd.s32 s4, s6;
	[dreg:$0x0] =	wrdreg $0x0  }
0xae: {  	s6 =	sshll.u32 s28, $0x1;
	[dreg:$0x2] =	wrdreg s4  }
0xaf: {  	[dreg:$0x3] =	wrdreg s6  }
0xb0: {  	[dreg:$0x4] =	wrdreg $0xC0  }
0xb1: {  	_ =	task [dreg:s8], $0x5FFFF  }
0xb2: {  	[dreg:$0x1] =	wrdreg $0xFFFFFFFF  }
0xb3: {  	[dreg:$0x0] =	wrdreg $0x60  }
0xb4: {  	[dreg:$0x2] =	wrdreg s17  }
0xb5: {  	[dreg:$0x3] =	wrdreg s16  }
0xb6: {  	[dreg:$0x4] =	wrdreg s24  }
0xb7: {  	[dreg:$0x5] =	wrdreg $0x0  }
0xb8: {  	[dreg:$0x6] =	wrdreg $0x9  }
0xb9: {  	_ =	task.clear_ibuf [dreg:s8], $0x7FFFF;
	_ =	strace $0x9000004C  }
0xba: {  	s29 =	simm.s32 $0x9;
	_ =	strace $0x8000004E  }
0xbb: {  	_ =	swait.ge [sflag:s29], $0x1  }
0xbc: {  	[sflag:s29] =	ssyncadd.s32 $0xFFFFFFFF  }
0xbd: {  	_ =	strace $0x9000004E  }
0xbe: {  	_ =	sfence  }
0xbf: {  	s30 =	sld [smem:$0x0];
	_ =	sdelay $0x2  }
0xc0: {  	s31 =	sshll.u32 s1, $0xD;
	s1 =	sshrl.u32 s1, $0x2  }
0xc1: {  	s3 =	sand.u32 $0x4000, s31;
	s1 =	sadd.s32 s1, s30  }
0xc2: {  	s0 =	sor.u32 s3, s0;
	s1 =	sshll.u32 s1, $0x11  }
0xc3: {  	s0 =	sor.u32 s1, s0  }
0xc4: {  	s0 =	sadd.s32 $0x8F2B, s0  }
0xc5: {  	[sflag:s0] =	ssyncadd.remote.s32 $0x1  }
0xc6: {  	_ =	sfence.sel $0xFFFF  }
0xc7: {  	[dreg:$0x0] =	wrdreg $0xFFFFFFFF;
	(pc) =	sbr.abs _section_cstart, $3  }
0xc8: {  	[dreg:$0x1] =	wrdreg $0xFFFFFFFF  }
0xc9: {  	_ =	task.clear_ibuf [dreg:s8], $0x2FFFF;
	_ =	strace $0x9FFFFFFF  }
0xca: {  	(tm) =	ssettm $0x7FFFFFFF  }
0xcb: {  	_ =	shalt  }
tec
execute0_lowered:
.L_overlay_start_1:
0x0: {  	(tag) =	ssettag $0x1  }
0x1: {  	s1 =	rddreg [dreg:$0x0]  }
0x2: {  	s0 =	rddreg [dreg:$0x1]  }
0x3: {  	s4 =	rddreg [dreg:$0x2]  }
0x4: {  	s2 =	rddreg [dreg:$0x3];
	s3 =	simm.s32 $0x0;
	s5 =	srdreg.scid  }
0x5: {  	s12 =	stileid.u32;
	s28 =	simm.s32 $0x1A240;
	s29 =	simm.s32 $0x16240  }
0x6: {  	s30 =	simm.s32 $0x8;
	s31 =	simm.s32 $0x5;
	s6 =	smul.u32 $0x2880, s12  }
0x7: {  	[smem:$0x7FF] =	sst s3;
	s5 =	sand.u32 $0x1, s5;
	s11 =	smul.u32 $0x4E200, s12  }
0x8: {  	s4 =	sadd.s32 $0x4FE00, s4;
	s18 =	smul.u32 $0x14000, s12;
	s22 =	sadd.s32 $0x138800, s2  }
0x9: {  	s23 =	smul.u32 $0x50000, s12;
	p1 =	seq.s32 s12, $0xF;
	p0 =	sne.s32 s12, $0x0  }
0xa: {  	_ =	strace $0x8000004D;
	s7 =	ssub.s32 $0x2, s5;
	s8 =	smul.u32 $0x28800, s5  }
0xb: {  	s5 =	smul.u32 $0x138800, s5;
	[dreg:$0xb] =	wrdreg s22;
	s22 =	simm.s32 $0x161C0  }
0xc: {  	s9 =	sshrl.u32 s7, $0x1;
	s10 =	sshrl.u32 s6, $0x3;
	s15 =	sshrl.u32 s11, $0x2  }
0xd: {  	s24 =	sshrl.u32 s23, $0x2;
	s23 =	simm.s32 $0x6;
	s9 =	ssub.s32 s7, s9  }
0xe: {  	s10 =	sadd.s32 s0, s10;
	s8 =	sadd.s32 s6, s8;
	s7 =	sadd.s32 s15, s2  }
0xf: {  	s13 =	sadd.s32 $0xA200, s10;
	s14 =	sshrl.u32 s8, $0x3;
	s17 =	sadd.s32 $0x4000, s7  }
0x10: {  	s19 =	sadd.s32 $0x8000, s7;
	s20 =	sadd.s32 $0xC000, s7;
	[dreg:$0x5] =	wrdreg s13  }
0x11: {  	s21 =	sadd.s32 $0x10000, s7;
	s10 =	sadd.s32 s18, s5;
	[dreg:$0x7] =	wrdreg s17  }
0x12: {  	s5 =	sshrl.u32 s5, $0x3;
	s25 =	sadd.s32 $0x200, s8;
	[dreg:$0x8] =	wrdreg s19  }
0x13: {  	s8 =	sadd.s32 $0x180, s8;
	s6 =	sadd.s32 s0, s14;
	[dreg:$0x9] =	wrdreg s20  }
0x14: {  	[dreg:$0xa] =	wrdreg s21;
	s10 =	sshrl.u32 s10, $0x3;
	s17 =	smax.u32 s9, $0x1  }
0x15: {  	s26 =	sshrl.u32 s8, $0x3;
	s20 =	simm.s32 $0x138C0;
	s21 =	simm.s32 $0x16140  }
0x16: {  	s8 =	simm.s32 $0x2;
	s9 =	simm.s32 $0x4;
	s16 =	sadd.s32 $0x10, s6  }
0x17: {  	s13 =	sadd.s32 $0x20, s6;
	s15 =	sadd.s32 s4, s10;
	s4 =	sadd.s32 s4, s5  }
0x18: {  	s5 =	sadd.s32 s24, s2;
	s10 =	sadd.s32 $0x12C000, s2;
	[dreg:$0x6] =	wrdreg s16  }
0x19: {  	s19 =	sadd.s32 s26, s0;
	s26 =	simm.s32 $0x80;
	[dreg:$0xc] =	wrdreg s13  }
0x1a: {  	s16 =	sadd.s32 $0x25800, s4;
	s4 =	sshrl.u32 s25, $0x3;
	s24 =	sshrl.u32 @p1 s10, $0x3  }
0x1b: {  	s25 =	sshrl.u32 @!p1 s5, $0x3;
	s5 =	simm.s32 $0x3;
	s10 =	simm.s32 $0x0  }
0x1c: {  	v0 =	vimm.f32 $0.0e+00;
	s18 =	sadd.s32 s4, s0;
	s0 =	simm.s32 $0x7;
	s4 =	simm.s32 $0x1  }
.LBB2_1:
0x1d: {  	s11 =	rddreg [dreg:$0x5]  }
0x1e: {  	[tilespmem:s20], [sflag:$0x7] =	stream.linear.gather [hbm4b:s11+s3], $0x2880, $0x38;
	[tilespmem:$0x1E240] =	vst v63  }
0x1f: {  	_ = 	snop  }
0x20: {  	[tilespmem:s21], [sflag:$0x5] =	stream.linear.gather [hbm4b:s6+s3], $0x80, $0x38;
	[tilespmem:$0x1E240] =	vst v63  }
0x21: {  	s13 =	rddreg [dreg:$0x6]  }
0x22: {  	[tilespmem:s22], [sflag:$0x6] =	stream.linear.gather [hbm4b:s13+s3], $0x80, $0x38;
	[tilespmem:$0x1E240] =	vst v63  }
0x23: {  	s14 =	sand.u32 $0xFE00, s3;
	s12 =	sand.u32 $0x70, s3;
	_ =	swait.ge [sflag:s23], $0x80  }
0x24: {  	s11 =	simm.s32 $0x40;
	s13 =	sshrl.u32 s14, $0x2;
	[sflag:s23] =	ssyncset.done $0x0  }
0x25: {  	s13 =	sor.u32 s12, s13;
	s12 =	simm.s32 $0x0;
	[sflag:s23] =	ssyncadd.s32 $0xFFFFFF80  }
0x26: {  	[tilespmem:s28], [sflag:$0x2] =	stream.indirect.gather [hbm4b:s1+s26], $0x80, s22, s26, $0xb8;
	[tilespmem:$0x1E240] =	vst v63  }
.LBB2_2:
0x27: {  	p2 =	sne.s32 s11, $0xFFC0  }
0x28: {  	[tilespmem:s13+$0x16240] =	vst v0;
	s12 =	sadd.s32 $0x10, s12;
	s13 =	smov.u32 s11;
	s11 =	sadd.s32 $0x40, s11  }
.Ltmp0:
0x29: {  	(pc) =	sbr.rel @p2 .LBB2_2-.Ltmp0, $4  }
0x2a: {  	_ = 	snop  }
0x2b: {  	s13 =	sand.u32 $0xFE00, s13  }
0x2c: {  	s14 =	sand.u32 $0x70, s12;
	s13 =	sshrl.u32 s13, $0x2  }
0x2d: {  	s13 =	sor.u32 s14, s13  }
0x2e: {  	[tilespmem:s13+$0x16240] =	vst v0  }
0x2f: {  	[spmem:s7] =	stream.linear.scatter [tilespmem:s29], [sflag:$0x8], $0x4000, $0x38;
	[tilespmem:$0x1E240] =	vst v63  }
0x30: {  	_ =	swait.ge [sflag:s30], $0x4000  }
0x31: {  	[sflag:s30] =	ssyncset.done $0x0  }
0x32: {  	s11 =	rddreg [dreg:$0x7];
	[sflag:s30] =	ssyncadd.s32 $0xFFFFC000  }
0x33: {  	[spmem:s11] =	stream.linear.scatter [tilespmem:s29], [sflag:$0x8], $0x4000, $0x38;
	[tilespmem:$0x1E240] =	vst v63  }
0x34: {  	_ =	swait.ge [sflag:s30], $0x4000  }
0x35: {  	[sflag:s30] =	ssyncset.done $0x0  }
0x36: {  	s13 =	rddreg [dreg:$0x8];
	[sflag:s30] =	ssyncadd.s32 $0xFFFFC000  }
0x37: {  	[spmem:s13] =	stream.linear.scatter [tilespmem:s29], [sflag:$0x8], $0x4000, $0x38;
	[tilespmem:$0x1E240] =	vst v63  }
0x38: {  	_ =	swait.ge [sflag:s30], $0x4000  }
0x39: {  	[sflag:s30] =	ssyncset.done $0x0  }
0x3a: {  	s14 =	rddreg [dreg:$0x9];
	[sflag:s30] =	ssyncadd.s32 $0xFFFFC000  }
0x3b: {  	[spmem:s14] =	stream.linear.scatter [tilespmem:s29], [sflag:$0x8], $0x4000, $0x38;
	[tilespmem:$0x1E240] =	vst v63  }
0x3c: {  	_ =	swait.ge [sflag:s30], $0x4000  }
0x3d: {  	[sflag:s30] =	ssyncset.done $0x0  }
0x3e: {  	s12 =	rddreg [dreg:$0xa];
	[sflag:s30] =	ssyncadd.s32 $0xFFFFC000  }
0x3f: {  	[spmem:s12] =	stream.linear.scatter [tilespmem:s29], [sflag:$0x8], $0x3880, $0x38;
	[tilespmem:$0x1E240] =	vst v63  }
0x40: {  	_ =	swait.ge [sflag:s30], $0x3880  }
0x41: {  	[sflag:s30] =	ssyncset.done $0x0  }
0x42: {  	s11 =	simm.s32 @!p0 $0x16240;
	s12 =	rddreg [dreg:$0xb];
	[sflag:s30] =	ssyncadd.s32 $0xFFFFC780  }
0x43: {  	[spmem:s12] =	stream.linear.scatter @!p0 [tilespmem:s11], [sflag:$0x8], $0x400, $0x38;
	[tilespmem:$0x1E240] =	vst v63  }
0x44: {  	s11 =	simm.s32 @!p0 $0x8  }
0x45: {  	_ =	swait.ge @!p0 [sflag:s11], $0x400  }
0x46: {  	[sflag:s11] =	ssyncset.done @!p0 $0x0  }
0x47: {  	[sflag:s11] =	ssyncadd.s32 @!p0 $0xFFFFFC00  }
0x48: {  	_ =	swait.ge [sflag:s31], $0x80  }
0x49: {  	[sflag:s31] =	ssyncset.done $0x0  }
0x4a: {  	[sflag:s31] =	ssyncadd.s32 $0xFFFFFF80  }
0x4b: {  	[tilespmem:s29], [sflag:$0x1] =	stream.indirect.gather [hbm4b:s1+s26], $0x80, s21, s26, $0xb8;
	[tilespmem:$0x1E240] =	vst v63  }
0x4c: {  	_ =	swait.ge [sflag:s0], $0x2880  }
0x4d: {  	[sflag:s0] =	ssyncset.done $0x0  }
0x4e: {  	[sflag:s0] =	ssyncadd.s32 $0xFFFFD780  }
0x4f: {  	[bflag:$0x0] =	sbarrier.arrive $0xFFFF  }
0x50: {  	_ =	swait.ge [sflag:s4], $0x4000  }
0x51: {  	[sflag:s4] =	ssyncset.done $0x0  }
0x52: {  	[sflag:s4] =	ssyncadd.s32 $0xFFFFC000  }
0x53: {  	[spmem:s2] =	stream.indirect.scatter.add.f32 [tilespmem:s29], [sflag:$0x3], $0x80, s20, s26, $0xb8;
	[tilespmem:$0x1E240] =	vst v63  }
0x54: {  	s13 =	simm.s32 $0x0;
	s14 =	rddreg [dreg:$0xc]  }
0x55: {  	[tilespmem:s21], [sflag:$0x5] =	stream.linear.gather [hbm4b:s14+s13], $0x80, $0x38;
	[tilespmem:$0x1E240] =	vst v63  }
0x56: {  	_ =	swait.ge [sflag:s31], $0x80  }
0x57: {  	[sflag:s31] =	ssyncset.done $0x0  }
0x58: {  	[sflag:s31] =	ssyncadd.s32 $0xFFFFFF80  }
0x59: {  	_ =	swait.ge [sflag:s5], $0x4000  }
0x5a: {  	[sflag:s5] =	ssyncset.done $0x0  }
0x5b: {  	[sflag:s5] =	ssyncadd.s32 $0xFFFFC000  }
0x5c: {  	[tilespmem:s29], [sflag:$0x1] =	stream.indirect.gather [hbm4b:s1+s26], $0x80, s21, s26, $0xb8;
	[tilespmem:$0x1E240] =	vst v63  }
0x5d: {  	_ =	swait.ge [sflag:s8], $0x4000  }
0x5e: {  	[sflag:s8] =	ssyncset.done $0x0  }
0x5f: {  	s12 =	simm.s32 $0x13940;
	[sflag:s8] =	ssyncadd.s32 $0xFFFFC000  }
0x60: {  	[spmem:s2] =	stream.indirect.scatter.add.f32 [tilespmem:s28], [sflag:$0x4], $0x80, s12, s26, $0xb8;
	[tilespmem:$0x1E240] =	vst v63  }
0x61: {  	s13 =	sadd.s32 $0x0, s19  }
0x62: {  	[tilespmem:s22], [sflag:$0x6] =	stream.linear.gather [hbm4b:s13+s3], $0x80, $0x38;
	[tilespmem:$0x1E240] =	vst v63  }
0x63: {  	_ =	swait.ge [sflag:s23], $0x80  }
0x64: {  	[sflag:s23] =	ssyncset.done $0x0  }
0x65: {  	[sflag:s23] =	ssyncadd.s32 $0xFFFFFF80  }
0x66: {  	_ =	swait.ge [sflag:s9], $0x4000  }
0x67: {  	[sflag:s9] =	ssyncset.done $0x0  }
0x68: {  	[sflag:s9] =	ssyncadd.s32 $0xFFFFC000  }
0x69: {  	[tilespmem:s28], [sflag:$0x2] =	stream.indirect.gather [hbm4b:s1+s26], $0x80, s22, s26, $0xb8;
	[tilespmem:$0x1E240] =	vst v63  }
0x6a: {  	_ =	swait.ge [sflag:s4], $0x4000  }
0x6b: {  	s11 =	simm.s32 $0x20;
	s14 =	simm.s32 $0x139C0;
	[sflag:s4] =	ssyncset.done $0x0  }
0x6c: {  	s12 =	simm.s32 $0x13AC0;
	s13 =	sadd.s32 $0x0, s18;
	[sflag:s4] =	ssyncadd.s32 $0xFFFFC000  }
0x6d: {  	[spmem:s2] =	stream.indirect.scatter.add.f32 [tilespmem:s29], [sflag:$0x3], $0x80, s14, s26, $0xb8;
	[tilespmem:$0x1E240] =	vst v63  }
.LBB2_4:
0x6e: {  	[tilespmem:s21], [sflag:$0x5] =	stream.linear.gather [hbm4b:s13+s3], $0x80, $0x38;
	[tilespmem:$0x1E240] =	vst v63  }
0x6f: {  	s13 =	smov.u32 s11  }
0x70: {  	p2 =	sne.s32 s11, $0x4C0;
	s11 =	sadd.s32 $0x20, s11;
	_ =	swait.ge [sflag:s31], $0x80  }
0x71: {  	[sflag:s31] =	ssyncset.done $0x0  }
0x72: {  	[sflag:s31] =	ssyncadd.s32 $0xFFFFFF80  }
0x73: {  	_ =	swait.ge [sflag:s5], $0x4000  }
0x74: {  	[sflag:s5] =	ssyncset.done $0x0  }
0x75: {  	[sflag:s5] =	ssyncadd.s32 $0xFFFFC000  }
0x76: {  	[tilespmem:s29], [sflag:$0x1] =	stream.indirect.gather [hbm4b:s1+s26], $0x80, s21, s26, $0xb8;
	[tilespmem:$0x1E240] =	vst v63  }
0x77: {  	_ =	swait.ge [sflag:s8], $0x4000  }
0x78: {  	[sflag:s8] =	ssyncset.done $0x0  }
0x79: {  	s14 =	sadd.s32 $0xFFFFFF80, s12;
	[sflag:s8] =	ssyncadd.s32 $0xFFFFC000  }
0x7a: {  	[spmem:s2] =	stream.indirect.scatter.add.f32 [tilespmem:s28], [sflag:$0x4], $0x80, s14, s26, $0xb8;
	[tilespmem:$0x1E240] =	vst v63  }
0x7b: {  	s14 =	sadd.s32 s13, s19  }
0x7c: {  	[tilespmem:s22], [sflag:$0x6] =	stream.linear.gather [hbm4b:s14+s3], $0x80, $0x38;
	[tilespmem:$0x1E240] =	vst v63  }
0x7d: {  	_ =	swait.ge [sflag:s23], $0x80  }
0x7e: {  	[sflag:s23] =	ssyncset.done $0x0  }
0x7f: {  	[sflag:s23] =	ssyncadd.s32 $0xFFFFFF80  }
0x80: {  	_ =	swait.ge [sflag:s9], $0x4000  }
0x81: {  	[sflag:s9] =	ssyncset.done $0x0  }
0x82: {  	[sflag:s9] =	ssyncadd.s32 $0xFFFFC000  }
0x83: {  	[tilespmem:s28], [sflag:$0x2] =	stream.indirect.gather [hbm4b:s1+s26], $0x80, s22, s26, $0xb8;
	[tilespmem:$0x1E240] =	vst v63  }
.Ltmp1:
0x84: {  	_ =	swait.ge [sflag:s4], $0x4000;
	(pc) =	sbr.rel @p2 .LBB2_4-.Ltmp1, $4  }
0x85: {  	[sflag:s4] =	ssyncset.done $0x0  }
0x86: {  	[sflag:s4] =	ssyncadd.s32 $0xFFFFC000  }
0x87: {  	[spmem:s2] =	stream.indirect.scatter.add.f32 [tilespmem:s29], [sflag:$0x3], $0x80, s12, s26, $0xb8;
	[tilespmem:$0x1E240] =	vst v63  }
0x88: {  	s13 =	sadd.s32 s13, s18;
	s12 =	sadd.s32 $0x100, s12  }
0x89: {  	[tilespmem:s21], [sflag:$0x5] =	stream.linear.gather [hbm4b:s13+s3], $0x80, $0x38;
	[tilespmem:$0x1E240] =	vst v63  }
0x8a: {  	_ =	swait.ge [sflag:s8], $0x4000  }
0x8b: {  	[sflag:s8] =	ssyncset.done $0x0  }
0x8c: {  	s11 =	simm.s32 $0x16040;
	[sflag:s8] =	ssyncadd.s32 $0xFFFFC000  }
0x8d: {  	[spmem:s2] =	stream.indirect.scatter.add.f32 [tilespmem:s28], [sflag:$0x4], $0x80, s11, s26, $0xb8;
	[tilespmem:$0x1E240] =	vst v63  }
0x8e: {  	_ =	swait.ge [sflag:s5], $0x4000  }
0x8f: {  	[sflag:s5] =	ssyncset.done $0x0  }
0x90: {  	[sflag:s5] =	ssyncadd.s32 $0xFFFFC000  }
0x91: {  	_ =	swait.ge [sflag:s9], $0x4000  }
0x92: {  	[sflag:s9] =	ssyncset.done $0x0  }
0x93: {  	[sflag:s9] =	ssyncadd.s32 $0xFFFFC000  }
0x94: {  	_ =	swait.ge [sflag:s31], $0x80  }
0x95: {  	[sflag:s31] =	ssyncset.done $0x0  }
0x96: {  	[sflag:s31] =	ssyncadd.s32 $0xFFFFFF80  }
0x97: {  	s11 =	simm.s32 @p1 $0x1FC8;
	[bflag:$0x0] =	sbarrier.arrive $0xFFFF  }
0x98: {  	[hbm:s16], [sflag:s11] =	dma.local @p1 [spmem:s24], $0x1900  }
0x99: {  	s11 =	simm.s32 @p1 $0x8  }
0x9a: {  	s12 =	stileid.u32;
	_ =	swait.ge @p1 [sflag:s11], $0x1900  }
0x9b: {  	s10 =	sadd.s32 $0x1, s10;
	s12 =	sshll.u32 @!p1 s12, $0x6;
	[sflag:s11] =	ssyncset.done @p1 $0x0  }
0x9c: {  	p2 =	sne.s32 s10, s17;
	[sflag:s11] =	ssyncadd.s32 @p1 $0xFFFFE700;
	s11 =	sor.u32 @!p1 $0x1C08, s12  }
0x9d: {  	[hbm:s15], [sflag:s11] =	dma.local @!p1 [spmem:s25], $0x2800  }
.Ltmp2:
0x9e: {  	_ = 	snop;
	(pc) =	sbr.rel @p2 .LBB2_1-.Ltmp2, $4  }
0x9f: {  	s11 =	simm.s32 @!p1 $0x8  }
0xa0: {  	_ =	swait.ge @!p1 [sflag:s11], $0x2800  }
0xa1: {  	[sflag:s11] =	ssyncset.done @!p1 $0x0  }
0xa2: {  	[sflag:s11] =	ssyncadd.s32 @!p1 $0xFFFFD800  }
0xa3: {  	_ =	sfence.sel $0x180000  }
0xa4: {  	[bflag:$0x0] =	sbarrier.arrive $0xFFFF  }
0xa5: {  	_ =	strace $0x9000004D  }
0xa6: {  	[bflag:$0x2] =	sbarrier.arrive $0xFFFF  }
0xa7: {  	s0 =	rddreg [dreg:$0x4]  }
0xa8: {  	s0 =	sadd.s32 @!p0 $0x100000, s0  }
0xa9: {  	[sflag:s0] =	ssyncadd.tile.s32 @!p0 $0x1;
	_ =	shalt  }
.Lfunc_end2:
_tile_overlayer_lowered:
.L_overlay_start_2:
0xaa: {  	(tag) =	ssettag $0x2  }
0xab: {  	s0 =	rddreg [dreg:$0x0];
	s2 =	stileid.u32  }
0xac: {  	s1 =	rddreg [dreg:$0x1];
	p0 =	sne.s32 s2, $0x0  }
0xad: {  	s3 =	rddreg [dreg:$0x2];
	[bflag:$0x3] =	sbarrier.arrive $0xFFFF;
	s2 =	simm.s32 @!p0 $0x1C08  }
0xae: {  	[timem:s3], [sflag:s2] =	dma.local @!p0 [hbm:s0], s1  }
0xaf: {  	s0 =	simm.s32 @!p0 $0x8  }
0xb0: {  	_ =	swait.ge @!p0 [sflag:s0], s1  }
0xb1: {  	s1 =	ssub.s32 @!p0 $0x0, s1;
	[sflag:s0] =	ssyncset.done @!p0 $0x0  }
0xb2: {  	[sflag:s0] =	ssyncadd.s32 @!p0 s1  }
0xb3: {  	[bflag:$0x3] =	sbarrier.arrive $0xFFFF  }
0xb4: {  	_ =	shalt  }

// kernel: kernel.8.cloned.1.call-start
scs
__scs_entry_jumppad:
0x0: {  	(pc) =	sbr.rel $0x88, $3  }
0x1: {  	(tag) =	ssettag $0x0;
	lr =	simm.s32 $0x1  }
0x2: {  	[smem:$0x3F99] =	sst lr;
	_ =	strace $0xD0000000  }
0x3: {  	_ = 	snop  }
0x4: {  	_ = 	snop  }
0x5: {  	_ = 	snop  }
0x6: {  	_ = 	snop  }
0x7: {  	_ = 	snop  }
__scs_overlays_trampoline_lowered:
0x8: {  	[smem:$0x3FA8] =	sst s0  }
0x9: {  	[smem:$0x3FA9] =	sst s1  }
0xa: {  	[smem:$0x3FAA] =	sst s2  }
0xb: {  	[smem:$0x3FAB] =	sst s3  }
0xc: {  	[smem:$0x3FAC] =	sst s4  }
0xd: {  	[smem:$0x3FAD] =	sst s5  }
0xe: {  	[smem:$0x3FAE] =	sst s6  }
0xf: {  	[smem:$0x3FAF] =	sst s7  }
0x10: {  	[smem:$0x3FB0] =	sst s8  }
0x11: {  	[smem:$0x3FB1] =	sst s9;
	s0 =	simm.s32 @!p0 $0x0  }
0x12: {  	s1 =	sld [smem:$0x3F97];
	s0 =	simm.s32 @p0 $0x1  }
0x13: {  	[smem:$0x3FB2] =	sst s0;
	s0 =	simm.s32 @!p1 $0x0  }
0x14: {  	s2 =	sld [smem:$0x3F96];
	s0 =	simm.s32 @p1 $0x1  }
0x15: {  	[smem:$0x3FB3] =	sst s0;
	s0 =	simm.s32 @!p2 $0x0  }
0x16: {  	s3 =	sld [smem:$0x3FDB];
	s0 =	simm.s32 @p2 $0x1  }
0x17: {  	s4 =	simm.s32 $0x1BF5;
	[smem:$0x3FB5] =	sst s0  }
0x18: {  	s0 =	sld [smem:$0x3F98];
	_ =	swait.ge [sflag:s4], $0x0  }
0x19: {  	s7 =	sld [smem:$0x3F99]  }
0x1a: {  	s8 =	sadd.s32 $0xFFFFE003, lr  }
0x1b: {  	s9 =	sadd.s32 $0xFFFFFEF7, lr;
	s5 =	simm.s32 $0xFFFFFFFF;
	p2 =	slt.u32 s8, $0xFFFFF086  }
0x1c: {  	p1 =	slt.u32 s9, $0xF7A;
	s5 =	simm.s32 @!p2 $0x0  }
0x1d: {  	s5 =	simm.s32 @p1 $0x1;
	p0 =	seq.s32 s7, s2  }
0x1e: {  	s7 =	smul.u32 @!p0 $0xF7A, s2;
	p2 =	seq.s32 @!p0 s5, $0x0  }
0x1f: {  	s9 =	smul.u32 $0xF7A, s1;
	s8 =	simm.s32 @!p0 $0x1BF5;
	p2 =	por !p2, p0  }
0x20: {  	[sflag:s8] =	ssyncset.s32 @!p0 $0xFFFFF086;
	s6 =	sadd.s32 @!p0 s3, s7;
	s7 =	simm.s32 @!p0 $0x108  }
0x21: {  	s3 =	sadd.s32 s3, s9;
	s6 =	sadd.s32 @!p0 $0x88, s6;
	s7 =	simm.s32 @p2 $0x1082  }
0x22: {  	[simem:s7], [sflag:s8] =	dma.local @!p0 [hbm:s6], $0xF7A  }
0x23: {  	s9 =	sor.u32 $0xD0000000, s2;
	s6 =	simm.s32 $0x108;
	_ =	swait.ge @!p0 [sflag:s8], $0x0  }
0x24: {  	s3 =	sadd.s32 $0x88, s3;
	s6 =	simm.s32 @!p1 $0x1082;
	[sflag:s4] =	ssyncset.s32 $0xFFFFF086  }
0x25: {  	[simem:s6], [sflag:s4] =	dma.local [hbm:s3], $0xF7A  }
0x26: {  	[smem:$0x3F99] =	sst s1;
	(tag) =	ssettag s2;
	_ =	strace s9  }
0x27: {  	s1 =	sld [smem:$0x3FA9]  }
0x28: {  	s2 =	sld [smem:$0x3FAA]  }
0x29: {  	s4 =	sld [smem:$0x3FAC]  }
0x2a: {  	p0 =	seq.s32 s5, $0x0;
	s5 =	sld [smem:$0x3FAD]  }
0x2b: {  	s6 =	sld [smem:$0x3FAE]  }
0x2c: {  	s7 =	sld [smem:$0x3FAF]  }
0x2d: {  	s3 =	simm.s32 $0x108;
	s8 =	sld [smem:$0x3FB0]  }
0x2e: {  	s3 =	simm.s32 @!p0 $0x1082;
	s9 =	sld [smem:$0x3FB1]  }
0x2f: {  	lr =	sadd.s32 s0, s3;
	s0 =	sld [smem:$0x3FA8]  }
0x30: {  	s3 =	sld [smem:$0x3FAB]  }
0x31: {  	[smem:$0x3FB4] =	sst s10  }
0x32: {  	s10 =	sld [smem:$0x3FB2];
	_ =	sdelay $0x3  }
0x33: {  	p0 =	seq.s32 s10, $0x1;
	s10 =	sld [smem:$0x3FB4];
	_ =	sdelay $0x3  }
0x34: {  	[smem:$0x3FB4] =	sst s10  }
0x35: {  	s10 =	sld [smem:$0x3FB3];
	_ =	sdelay $0x3  }
0x36: {  	p1 =	seq.s32 s10, $0x1;
	s10 =	sld [smem:$0x3FB4];
	_ =	sdelay $0x3  }
0x37: {  	[smem:$0x3FB4] =	sst s10  }
0x38: {  	s10 =	sld [smem:$0x3FB5]  }
0x39: {  	_ = 	snop;
	(pc) =	sbr.ind lr, $3  }
0x3a: {  	_ = 	snop  }
0x3b: {  	_ = 	snop  }
0x3c: {  	p2 =	seq.s32 s10, $0x1;
	s10 =	sld [smem:$0x3FB4]  }
0x3d: {  	_ =	shalt  }
0x3e: {  	_ =	shalt  }
0x3f: {  	_ =	shalt  }
0x40: {  	_ =	shalt  }
0x41: {  	_ =	shalt  }
0x42: {  	_ =	shalt  }
0x43: {  	_ =	shalt  }
0x44: {  	_ =	shalt  }
0x45: {  	_ =	shalt  }
0x46: {  	_ =	shalt  }
0x47: {  	_ =	shalt  }
0x48: {  	_ =	shalt  }
0x49: {  	_ =	shalt  }
0x4a: {  	_ =	shalt  }
0x4b: {  	_ =	shalt  }
0x4c: {  	_ =	shalt  }
0x4d: {  	_ =	shalt  }
0x4e: {  	_ =	shalt  }
0x4f: {  	_ =	shalt  }
0x50: {  	_ =	shalt  }
0x51: {  	_ =	shalt  }
0x52: {  	_ =	shalt  }
0x53: {  	_ =	shalt  }
0x54: {  	_ =	shalt  }
0x55: {  	_ =	shalt  }
0x56: {  	_ =	shalt  }
0x57: {  	_ =	shalt  }
0x58: {  	_ =	shalt  }
0x59: {  	_ =	shalt  }
0x5a: {  	_ =	shalt  }
0x5b: {  	_ =	shalt  }
0x5c: {  	_ =	shalt  }
0x5d: {  	_ =	shalt  }
0x5e: {  	_ =	shalt  }
0x5f: {  	_ =	shalt  }
0x60: {  	_ =	shalt  }
0x61: {  	_ =	shalt  }
0x62: {  	_ =	shalt  }
0x63: {  	_ =	shalt  }
0x64: {  	_ =	shalt  }
0x65: {  	_ =	shalt  }
0x66: {  	_ =	shalt  }
0x67: {  	_ =	shalt  }
0x68: {  	_ =	shalt  }
0x69: {  	_ =	shalt  }
0x6a: {  	_ =	shalt  }
0x6b: {  	_ =	shalt  }
0x6c: {  	_ =	shalt  }
0x6d: {  	_ =	shalt  }
0x6e: {  	_ =	shalt  }
0x6f: {  	_ =	shalt  }
0x70: {  	_ =	shalt  }
0x71: {  	_ =	shalt  }
0x72: {  	_ =	shalt  }
0x73: {  	_ =	shalt  }
0x74: {  	_ =	shalt  }
0x75: {  	_ =	shalt  }
0x76: {  	_ =	shalt  }
0x77: {  	_ =	shalt  }
0x78: {  	_ =	shalt  }
0x79: {  	_ =	shalt  }
0x7a: {  	_ =	shalt  }
0x7b: {  	_ =	shalt  }
0x7c: {  	_ =	shalt  }
0x7d: {  	_ =	shalt  }
0x7e: {  	_ =	shalt  }
0x7f: {  	_ =	shalt  }
0x80: {  	_ =	shalt  }
0x81: {  	_ =	shalt  }
0x82: {  	_ =	shalt  }
0x83: {  	_ =	shalt  }
0x84: {  	_ =	shalt  }
0x85: {  	_ =	shalt  }
0x86: {  	_ =	shalt  }
0x87: {  	_ =	shalt  }
.Lfunc_end0:
.L_simem_size_0:
called_computation_lowered:
.L_overlay_start_0:
0x88: {  	s2 =	sld [smem:$0x3FD9]  }
0x89: {  	s3 =	sld [smem:$0x3FFE];
	_ =	sdelay $0x1  }
0x8a: {  	s1 =	srdreg.scid  }
0x8b: {  	s0 =	sand.u32 $0x1, s1  }
0x8c: {  	s15 =	sshll.u32 s0, $0xA;
	s2 =	sadd.s32 s3, s2  }
0x8d: {  	s2 =	sadd.s32 s2, s15  }
0x8e: {  	[smem:$0x3FC0] =	sst s2  }
0x8f: {  	_ = 	snop  }
0x90: {  	s2 =	sld [smem:$0x3FD0];
	_ =	sdelay $0x2  }
0x91: {  	s16 =	simm.s32 $0xA;
	s4 =	simm.s32 $0x10  }
0x92: {  	[smem:s4], [sflag:s16] =	dma.local [hbm:s2], $0x1  }
0x93: {  	_ =	swait.eq [sflag:s16], $0x1  }
0x94: {  	[sflag:s16] =	ssyncset.done $0x0  }
0x95: {  	s17 =	sld [smem:$0x10];
	[sflag:s16] =	ssyncadd.s32 $0xFFFFFFFF  }
0x96: {  	s18 =	sld [smem:$0x11];
	(tm) =	ssettm $0x1  }
0x97: {  	s19 =	sld [smem:$0x3FFB];
	_ =	sdelay $0x3  }
0x98: {  	_ =	strace s19  }
0x99: {  	s4 =	sld [smem:$0x3FFC];
	_ =	sdelay $0x3  }
0x9a: {  	_ =	strace s4  }
0x9b: {  	s4 =	sld [smem:$0x3FFD];
	_ =	sdelay $0x3  }
0x9c: {  	_ =	strace s4  }
0x9d: {  	_ =	strace $0x8FFFFFFF  }
0x9e: {  	s20 =	sld [smem:$0x3FDB];
	_ =	sdelay $0x1  }
0x9f: {  	s5 =	simm.s32 $_scs_section_size  }
0xa0: {  	s6 =	simm.s32 $_size__tile_overlayer_lowered;
	s7 =	simm.s32 $_tile_overlayer_lowered  }
0xa1: {  	s23 =	simm.s32 $0x1BFF;
	s22 =	sshll.u32 s7, $0x1;
	s4 =	sadd.s32 s5, s20  }
0xa2: {  	s8 =	simm.s32 $0x0;
	s21 =	sshll.u32 s6, $0x1;
	s6 =	sadd.s32 s22, s4  }
0xa3: {  	[timem:s8], [sflag:s23] =	dma.local [hbm:s6], s21  }
0xa4: {  	_ =	swait.ge [sflag:s23], s21  }
0xa5: {  	s5 =	ssub.s32 $0x0, s21;
	[sflag:s23] =	ssyncset.done $0x0  }
0xa6: {  	[sflag:s23] =	ssyncadd.s32 s5;
	_ =	sdelay $0x1  }
0xa7: {  	s24 =	simm.s32 $0x1B8B  }
0xa8: {  	_ =	swait.ge [sflag:s24], $0x1  }
0xa9: {  	[sflag:s24] =	ssyncset.done $0x0  }
0xaa: {  	s25 =	simm.s32 $0x1B8E;
	[sflag:s24] =	ssyncadd.s32 $0xFFFFFFFF  }
0xab: {  	s26 =	simm.s32 $execute0_lowered;
	[smem:$0x3FD2] =	sst s25  }
0xac: {  	s5 =	sshll.u32 s26, $0x1;
	_ =	strace $0x80000046;
	[dreg:$0x1] =	wrdreg $0xFFFFFFFF  }
0xad: {  	s28 =	simm.s32 $_size_execute0_lowered;
	s4 =	sadd.s32 s4, s5;
	[dreg:$0x0] =	wrdreg $0x0  }
0xae: {  	s5 =	sshll.u32 s28, $0x1;
	[dreg:$0x2] =	wrdreg s4  }
0xaf: {  	[dreg:$0x3] =	wrdreg s5  }
0xb0: {  	[dreg:$0x4] =	wrdreg $0xC0  }
0xb1: {  	_ =	task [dreg:s8], $0x5FFFF  }
0xb2: {  	[dreg:$0x1] =	wrdreg $0xFFFFFFFF  }
0xb3: {  	[dreg:$0x0] =	wrdreg $0x60  }
0xb4: {  	[dreg:$0x2] =	wrdreg s17  }
0xb5: {  	[dreg:$0x3] =	wrdreg s18  }
0xb6: {  	[dreg:$0x4] =	wrdreg $0x0  }
0xb7: {  	[dreg:$0x5] =	wrdreg $0x9  }
0xb8: {  	_ =	task.clear_ibuf [dreg:s8], $0x6FFFF;
	_ =	strace $0x90000046  }
0xb9: {  	s29 =	simm.s32 $0x9;
	_ =	strace $0x80000048  }
0xba: {  	_ =	swait.ge [sflag:s29], $0x1  }
0xbb: {  	[sflag:s29] =	ssyncadd.s32 $0xFFFFFFFF  }
0xbc: {  	_ =	strace $0x90000048  }
0xbd: {  	_ =	sfence  }
0xbe: {  	s30 =	sld [smem:$0x0];
	_ =	sdelay $0x2  }
0xbf: {  	s31 =	sshll.u32 s1, $0xD;
	s1 =	sshrl.u32 s1, $0x2  }
0xc0: {  	s3 =	sand.u32 $0x4000, s31;
	s1 =	sadd.s32 s1, s30  }
0xc1: {  	s0 =	sor.u32 s3, s0;
	s1 =	sshll.u32 s1, $0x11  }
0xc2: {  	s0 =	sor.u32 s1, s0  }
0xc3: {  	s0 =	sadd.s32 $0x8F2B, s0  }
0xc4: {  	[sflag:s0] =	ssyncadd.remote.s32 $0x1  }
0xc5: {  	_ =	sfence.sel $0xFFFF  }
0xc6: {  	[dreg:$0x0] =	wrdreg $0xFFFFFFFF;
	(pc) =	sbr.abs _section_cstart, $3  }
0xc7: {  	[dreg:$0x1] =	wrdreg $0xFFFFFFFF  }
0xc8: {  	_ =	task.clear_ibuf [dreg:s8], $0x2FFFF;
	_ =	strace $0x9FFFFFFF  }
0xc9: {  	(tm) =	ssettm $0x7FFFFFFF  }
tec
execute0_lowered:
.L_overlay_start_1:
0x0: {  	(tag) =	ssettag $0x1  }
0x1: {  	s0 =	rddreg [dreg:$0x0]  }
0x2: {  	s1 =	rddreg [dreg:$0x1]  }
0x3: {  	s2 =	rddreg [dreg:$0x2]  }
0x4: {  	s3 =	srdreg.scid;
	s8 =	stileid.u32;
	s5 =	simm.s32 $0x0  }
0x5: {  	s9 =	simm.s32 $0x2;
	s11 =	simm.s32 $0x80;
	s12 =	simm.s32 $0x1680  }
0x6: {  	s14 =	simm.s32 $0xE80;
	s15 =	simm.s32 $0xF00;
	s16 =	simm.s32 $0xF80  }
0x7: {  	s17 =	simm.s32 $0x1000;
	s18 =	simm.s32 $0x1080;
	s19 =	simm.s32 $0x1100  }
0x8: {  	s20 =	simm.s32 $0x1180;
	s21 =	simm.s32 $0x1200;
	s22 =	simm.s32 $0x1280  }
0x9: {  	s23 =	simm.s32 $0x1300;
	s28 =	simm.s32 $0x1500;
	s4 =	smul.u32 $0x2880, s8  }
0xa: {  	s29 =	simm.s32 $0x1580;
	s30 =	simm.s32 $0x1600;
	s25 =	smul.u32 $0x500, s8  }
0xb: {  	s31 =	simm.s32 $0x1;
	s3 =	sand.u32 $0x1, s3;
	s8 =	smul.u32 $0xA00, s8  }
0xc: {  	[smem:$0x7FF] =	sst s5;
	s24 =	smul.u32 $0x1400, s3;
	s6 =	ssub.s32 $0x2, s3  }
0xd: {  	_ =	strace $0x80000047;
	s3 =	sshll.u32 s3, $0x7;
	s7 =	sshrl.u32 s6, $0x1  }
0xe: {  	s3 =	sor.u32 s3, s25;
	s26 =	sshrl.u32 s8, $0x2;
	s8 =	simm.s32 $0x280  }
0xf: {  	s25 =	simm.s32 $0x1400;
	s4 =	sadd.s32 s4, s24;
	s7 =	ssub.s32 s6, s7  }
0x10: {  	s3 =	sshrl.u32 s3, $0x3;
	s5 =	sadd.s32 s26, s2;
	s24 =	simm.s32 $0x1380  }
0x11: {  	s26 =	simm.s32 $0x1480;
	s4 =	sshrl.u32 s4, $0x3;
	s6 =	sadd.s32 s1, s3  }
0x12: {  	s7 =	smax.u32 s7, $0x1;
	s3 =	simm.s32 $0x10;
	s0 =	sadd.s32 s0, s4  }
0x13: {  	v0 =	vimm.f32 $1.000000000e+00;
	v1 =	vimm.f32 $0.0e+00;
	s1 =	simm.s32 $0x0;
	s4 =	sadd.s32 $0xA200, s0;
	s0 =	simm.s32 $0x20  }
.LBB2_1:
0x14: {  	s10 =	simm.s32 $0x0  }
0x15: {  	[tilespmem:s8], [sflag:$0x2] =	stream.linear.gather [hbm4b:s4+s10], $0x1400, $0x38;
	[tilespmem:$0x1980] =	vst v63  }
0x16: {  	_ =	swait.ge [sflag:s9], $0x1400  }
0x17: {  	[sflag:s9] =	ssyncset.done $0x0  }
0x18: {  	[sflag:s9] =	ssyncadd.s32 $0xFFFFEC00  }
0x19: {  	[tilespmem:$0x1680] =	vst v0  }
0x1a: {  	[tilespmem:$0x1690] =	vst v0  }
0x1b: {  	[tilespmem:$0x16A0] =	vst v0  }
0x1c: {  	[tilespmem:$0x16B0] =	vst v0  }
0x1d: {  	[tilespmem:$0x16C0] =	vst v0  }
0x1e: {  	[tilespmem:$0x16D0] =	vst v0  }
0x1f: {  	[tilespmem:$0x16E0] =	vst v0  }
0x20: {  	[tilespmem:$0x16F0] =	vst v0  }
0x21: {  	[tilespmem:$0x1700] =	vst v1  }
0x22: {  	[tilespmem:$0x1710] =	vst v1  }
0x23: {  	[tilespmem:$0x1720] =	vst v1  }
0x24: {  	[tilespmem:$0x1730] =	vst v1  }
0x25: {  	[tilespmem:$0x1740] =	vst v1  }
0x26: {  	[tilespmem:$0x1750] =	vst v1  }
0x27: {  	[tilespmem:$0x1760] =	vst v1  }
0x28: {  	[tilespmem:$0x1770] =	vst v1  }
0x29: {  	[tilespmem:$0x1780] =	vst v1  }
0x2a: {  	[tilespmem:$0x1790] =	vst v1  }
0x2b: {  	[tilespmem:$0x17A0] =	vst v1  }
0x2c: {  	[tilespmem:$0x17B0] =	vst v1  }
0x2d: {  	[tilespmem:$0x17C0] =	vst v1  }
0x2e: {  	[tilespmem:$0x17D0] =	vst v1  }
0x2f: {  	[tilespmem:$0x17E0] =	vst v1  }
0x30: {  	[tilespmem:$0x17F0] =	vst v1  }
0x31: {  	[tilespmem:$0x1800] =	vst v1  }
0x32: {  	[tilespmem:$0x1810] =	vst v1  }
0x33: {  	[tilespmem:$0x1820] =	vst v1  }
0x34: {  	[tilespmem:$0x1830] =	vst v1  }
0x35: {  	[tilespmem:$0x1840] =	vst v1  }
0x36: {  	[tilespmem:$0x1850] =	vst v1  }
0x37: {  	[tilespmem:$0x1860] =	vst v1  }
0x38: {  	[tilespmem:$0x1870] =	vst v1  }
0x39: {  	[tilespmem:$0x1880] =	vst v1  }
0x3a: {  	[tilespmem:$0x1890] =	vst v1  }
0x3b: {  	[tilespmem:$0x18A0] =	vst v1  }
0x3c: {  	[tilespmem:$0x18B0] =	vst v1  }
0x3d: {  	[tilespmem:$0x18C0] =	vst v1  }
0x3e: {  	[tilespmem:$0x18D0] =	vst v1  }
0x3f: {  	[tilespmem:$0x18E0] =	vst v1  }
0x40: {  	[tilespmem:$0x18F0] =	vst v1  }
0x41: {  	[tilespmem:$0x1900] =	vst v1  }
0x42: {  	[tilespmem:$0x1910] =	vst v1  }
0x43: {  	[tilespmem:$0x1920] =	vst v1  }
0x44: {  	[tilespmem:$0x1930] =	vst v1  }
0x45: {  	[tilespmem:$0x1940] =	vst v1  }
0x46: {  	[tilespmem:$0x1950] =	vst v1  }
0x47: {  	[tilespmem:$0x1960] =	vst v1  }
0x48: {  	s13 =	simm.s32 $0x1700;
	[tilespmem:$0x1970] =	vst v1  }
0x49: {  	[spmem:s5] =	stream.linear.scatter [tilespmem:s13], [sflag:$0x2], $0x280, $0x38;
	[tilespmem:$0x1980] =	vst v63  }
0x4a: {  	_ =	swait.ge [sflag:s9], $0x280  }
0x4b: {  	[sflag:s9] =	ssyncset.done $0x0  }
0x4c: {  	[sflag:s9] =	ssyncadd.s32 $0xFFFFFD80  }
0x4d: {  	[bflag:$0x0] =	sbarrier.arrive $0xFFFF  }
0x4e: {  	[spmem:s2] =	stream.indirect.scatter.add.f32 [tilespmem:s12], [sflag:$0x1], $0x1, s8, s11, $0xb8;
	[tilespmem:$0x1980] =	vst v63  }
0x4f: {  	s13 =	simm.s32 $0x300  }
0x50: {  	[spmem:s2] =	stream.indirect.scatter.add.f32 [tilespmem:s12], [sflag:$0x1], $0x1, s13, s11, $0xb8;
	[tilespmem:$0x1980] =	vst v63  }
0x51: {  	s13 =	simm.s32 $0x380  }
0x52: {  	[spmem:s2] =	stream.indirect.scatter.add.f32 [tilespmem:s12], [sflag:$0x1], $0x1, s13, s11, $0xb8;
	[tilespmem:$0x1980] =	vst v63  }
0x53: {  	s13 =	simm.s32 $0x400  }
0x54: {  	[spmem:s2] =	stream.indirect.scatter.add.f32 [tilespmem:s12], [sflag:$0x1], $0x1, s13, s11, $0xb8;
	[tilespmem:$0x1980] =	vst v63  }
0x55: {  	s13 =	simm.s32 $0x480  }
0x56: {  	[spmem:s2] =	stream.indirect.scatter.add.f32 [tilespmem:s12], [sflag:$0x1], $0x1, s13, s11, $0xb8;
	[tilespmem:$0x1980] =	vst v63  }
0x57: {  	s13 =	simm.s32 $0x500  }
0x58: {  	[spmem:s2] =	stream.indirect.scatter.add.f32 [tilespmem:s12], [sflag:$0x1], $0x1, s13, s11, $0xb8;
	[tilespmem:$0x1980] =	vst v63  }
0x59: {  	s13 =	simm.s32 $0x580  }
0x5a: {  	[spmem:s2] =	stream.indirect.scatter.add.f32 [tilespmem:s12], [sflag:$0x1], $0x1, s13, s11, $0xb8;
	[tilespmem:$0x1980] =	vst v63  }
0x5b: {  	s13 =	simm.s32 $0x600  }
0x5c: {  	[spmem:s2] =	stream.indirect.scatter.add.f32 [tilespmem:s12], [sflag:$0x1], $0x1, s13, s11, $0xb8;
	[tilespmem:$0x1980] =	vst v63  }
0x5d: {  	s13 =	simm.s32 $0x680  }
0x5e: {  	[spmem:s2] =	stream.indirect.scatter.add.f32 [tilespmem:s12], [sflag:$0x1], $0x1, s13, s11, $0xb8;
	[tilespmem:$0x1980] =	vst v63  }
0x5f: {  	s13 =	simm.s32 $0x700  }
0x60: {  	[spmem:s2] =	stream.indirect.scatter.add.f32 [tilespmem:s12], [sflag:$0x1], $0x1, s13, s11, $0xb8;
	[tilespmem:$0x1980] =	vst v63  }
0x61: {  	s13 =	simm.s32 $0x780  }
0x62: {  	[spmem:s2] =	stream.indirect.scatter.add.f32 [tilespmem:s12], [sflag:$0x1], $0x1, s13, s11, $0xb8;
	[tilespmem:$0x1980] =	vst v63  }
0x63: {  	s13 =	simm.s32 $0x800  }
0x64: {  	[spmem:s2] =	stream.indirect.scatter.add.f32 [tilespmem:s12], [sflag:$0x1], $0x1, s13, s11, $0xb8;
	[tilespmem:$0x1980] =	vst v63  }
0x65: {  	s13 =	simm.s32 $0x880  }
0x66: {  	[spmem:s2] =	stream.indirect.scatter.add.f32 [tilespmem:s12], [sflag:$0x1], $0x1, s13, s11, $0xb8;
	[tilespmem:$0x1980] =	vst v63  }
0x67: {  	s13 =	simm.s32 $0x900  }
0x68: {  	[spmem:s2] =	stream.indirect.scatter.add.f32 [tilespmem:s12], [sflag:$0x1], $0x1, s13, s11, $0xb8;
	[tilespmem:$0x1980] =	vst v63  }
0x69: {  	s13 =	simm.s32 $0x980  }
0x6a: {  	[spmem:s2] =	stream.indirect.scatter.add.f32 [tilespmem:s12], [sflag:$0x1], $0x1, s13, s11, $0xb8;
	[tilespmem:$0x1980] =	vst v63  }
0x6b: {  	s13 =	simm.s32 $0xA00  }
0x6c: {  	[spmem:s2] =	stream.indirect.scatter.add.f32 [tilespmem:s12], [sflag:$0x1], $0x1, s13, s11, $0xb8;
	[tilespmem:$0x1980] =	vst v63  }
0x6d: {  	s13 =	simm.s32 $0xA80  }
0x6e: {  	[spmem:s2] =	stream.indirect.scatter.add.f32 [tilespmem:s12], [sflag:$0x1], $0x1, s13, s11, $0xb8;
	[tilespmem:$0x1980] =	vst v63  }
0x6f: {  	s13 =	simm.s32 $0xB00  }
0x70: {  	[spmem:s2] =	stream.indirect.scatter.add.f32 [tilespmem:s12], [sflag:$0x1], $0x1, s13, s11, $0xb8;
	[tilespmem:$0x1980] =	vst v63  }
0x71: {  	s13 =	simm.s32 $0xB80  }
0x72: {  	[spmem:s2] =	stream.indirect.scatter.add.f32 [tilespmem:s12], [sflag:$0x1], $0x1, s13, s11, $0xb8;
	[tilespmem:$0x1980] =	vst v63  }
0x73: {  	s13 =	simm.s32 $0xC00  }
0x74: {  	[spmem:s2] =	stream.indirect.scatter.add.f32 [tilespmem:s12], [sflag:$0x1], $0x1, s13, s11, $0xb8;
	[tilespmem:$0x1980] =	vst v63  }
0x75: {  	s13 =	simm.s32 $0xC80  }
0x76: {  	[spmem:s2] =	stream.indirect.scatter.add.f32 [tilespmem:s12], [sflag:$0x1], $0x1, s13, s11, $0xb8;
	[tilespmem:$0x1980] =	vst v63  }
0x77: {  	s13 =	simm.s32 $0xD00  }
0x78: {  	[spmem:s2] =	stream.indirect.scatter.add.f32 [tilespmem:s12], [sflag:$0x1], $0x1, s13, s11, $0xb8;
	[tilespmem:$0x1980] =	vst v63  }
0x79: {  	s13 =	simm.s32 $0xD80  }
0x7a: {  	[spmem:s2] =	stream.indirect.scatter.add.f32 [tilespmem:s12], [sflag:$0x1], $0x1, s13, s11, $0xb8;
	[tilespmem:$0x1980] =	vst v63  }
0x7b: {  	s13 =	simm.s32 $0xE00  }
0x7c: {  	[spmem:s2] =	stream.indirect.scatter.add.f32 [tilespmem:s12], [sflag:$0x1], $0x1, s13, s11, $0xb8;
	[tilespmem:$0x1980] =	vst v63  }
0x7d: {  	_ = 	snop  }
0x7e: {  	[spmem:s2] =	stream.indirect.scatter.add.f32 [tilespmem:s12], [sflag:$0x1], $0x1, s14, s11, $0xb8;
	[tilespmem:$0x1980] =	vst v63  }
0x7f: {  	_ = 	snop  }
0x80: {  	[spmem:s2] =	stream.indirect.scatter.add.f32 [tilespmem:s12], [sflag:$0x1], $0x1, s15, s11, $0xb8;
	[tilespmem:$0x1980] =	vst v63  }
0x81: {  	_ = 	snop  }
0x82: {  	[spmem:s2] =	stream.indirect.scatter.add.f32 [tilespmem:s12], [sflag:$0x1], $0x1, s16, s11, $0xb8;
	[tilespmem:$0x1980] =	vst v63  }
0x83: {  	_ = 	snop  }
0x84: {  	[spmem:s2] =	stream.indirect.scatter.add.f32 [tilespmem:s12], [sflag:$0x1], $0x1, s17, s11, $0xb8;
	[tilespmem:$0x1980] =	vst v63  }
0x85: {  	_ = 	snop  }
0x86: {  	[spmem:s2] =	stream.indirect.scatter.add.f32 [tilespmem:s12], [sflag:$0x1], $0x1, s18, s11, $0xb8;
	[tilespmem:$0x1980] =	vst v63  }
0x87: {  	_ = 	snop  }
0x88: {  	[spmem:s2] =	stream.indirect.scatter.add.f32 [tilespmem:s12], [sflag:$0x1], $0x1, s19, s11, $0xb8;
	[tilespmem:$0x1980] =	vst v63  }
0x89: {  	_ = 	snop  }
0x8a: {  	[spmem:s2] =	stream.indirect.scatter.add.f32 [tilespmem:s12], [sflag:$0x1], $0x1, s20, s11, $0xb8;
	[tilespmem:$0x1980] =	vst v63  }
0x8b: {  	_ = 	snop  }
0x8c: {  	[spmem:s2] =	stream.indirect.scatter.add.f32 [tilespmem:s12], [sflag:$0x1], $0x1, s21, s11, $0xb8;
	[tilespmem:$0x1980] =	vst v63  }
0x8d: {  	_ = 	snop  }
0x8e: {  	[spmem:s2] =	stream.indirect.scatter.add.f32 [tilespmem:s12], [sflag:$0x1], $0x1, s22, s11, $0xb8;
	[tilespmem:$0x1980] =	vst v63  }
0x8f: {  	_ = 	snop  }
0x90: {  	[spmem:s2] =	stream.indirect.scatter.add.f32 [tilespmem:s12], [sflag:$0x1], $0x1, s23, s11, $0xb8;
	[tilespmem:$0x1980] =	vst v63  }
0x91: {  	_ = 	snop  }
0x92: {  	[spmem:s2] =	stream.indirect.scatter.add.f32 [tilespmem:s12], [sflag:$0x1], $0x1, s24, s11, $0xb8;
	[tilespmem:$0x1980] =	vst v63  }
0x93: {  	_ = 	snop  }
0x94: {  	[spmem:s2] =	stream.indirect.scatter.add.f32 [tilespmem:s12], [sflag:$0x1], $0x1, s25, s11, $0xb8;
	[tilespmem:$0x1980] =	vst v63  }
0x95: {  	_ = 	snop  }
0x96: {  	[spmem:s2] =	stream.indirect.scatter.add.f32 [tilespmem:s12], [sflag:$0x1], $0x1, s26, s11, $0xb8;
	[tilespmem:$0x1980] =	vst v63  }
0x97: {  	_ = 	snop  }
0x98: {  	[spmem:s2] =	stream.indirect.scatter.add.f32 [tilespmem:s12], [sflag:$0x1], $0x1, s28, s11, $0xb8;
	[tilespmem:$0x1980] =	vst v63  }
0x99: {  	_ = 	snop  }
0x9a: {  	[spmem:s2] =	stream.indirect.scatter.add.f32 [tilespmem:s12], [sflag:$0x1], $0x1, s29, s11, $0xb8;
	[tilespmem:$0x1980] =	vst v63  }
0x9b: {  	_ = 	snop  }
0x9c: {  	[spmem:s2] =	stream.indirect.scatter.add.f32 [tilespmem:s12], [sflag:$0x1], $0x1, s30, s11, $0xb8;
	[tilespmem:$0x1980] =	vst v63  }
0x9d: {  	_ =	swait.ge [sflag:s31], $0x80  }
0x9e: {  	s10 =	simm.s32 $0x27;
	[sflag:s31] =	ssyncset.done $0x0  }
.LBB2_2:
0x9f: {  	p0 =	sne.s32 s10, $0x1;
	s10 =	sadd.s32 $0xFFFFFFFF, s10;
	[sflag:s31] =	ssyncadd.s32 $0xFFFFFF80  }
.Ltmp0:
0xa0: {  	(pc) =	sbr.rel @p0 .LBB2_2-.Ltmp0, $3  }
0xa1: {  	_ =	sdelay $0x1  }
0xa2: {  	_ =	swait.ge [sflag:s31], $0x80  }
0xa3: {  	[sflag:s31] =	ssyncset.done $0x0  }
0xa4: {  	[sflag:s31] =	ssyncadd.s32 $0xFFFFFF80;
	s10 =	stileid.u32;
	s1 =	sadd.s32 $0x1, s1  }
0xa5: {  	s13 =	sshrl.u32 s5, $0x3;
	s10 =	sshll.u32 s10, $0x6;
	p0 =	sne.s32 s1, s7  }
.Ltmp1:
0xa6: {  	[bflag:$0x0] =	sbarrier.arrive $0xFFFF;
	s10 =	sor.u32 $0x1C02, s10;
	(pc) =	sbr.rel @p0 .LBB2_1-.Ltmp1, $4  }
0xa7: {  	[hbm:s6@s0], [sflag:s10] =	dma.strided [spmem:s13@s3], $0x50, s31, $0x10   }
0xa8: {  	_ =	swait.ge [sflag:s9], $0x50  }
0xa9: {  	[sflag:s9] =	ssyncset.done $0x0  }
0xaa: {  	[sflag:s9] =	ssyncadd.s32 $0xFFFFFFB0  }
0xab: {  	_ =	sfence.sel $0x180000  }
0xac: {  	[bflag:$0x0] =	sbarrier.arrive $0xFFFF  }
0xad: {  	_ =	strace $0x90000047  }
0xae: {  	s0 =	stileid.u32;
	[bflag:$0x2] =	sbarrier.arrive $0xFFFF  }
0xaf: {  	p0 =	sne.s32 s0, $0x0;
	s0 =	rddreg [dreg:$0x3]  }
0xb0: {  	s0 =	sadd.s32 @!p0 $0x100000, s0  }
0xb1: {  	[sflag:s0] =	ssyncadd.tile.s32 @!p0 $0x1;
	_ =	shalt  }
.Lfunc_end2:
_tile_overlayer_lowered:
.L_overlay_start_2:
0xb2: {  	(tag) =	ssettag $0x2  }
0xb3: {  	s0 =	rddreg [dreg:$0x0];
	s2 =	stileid.u32  }
0xb4: {  	s1 =	rddreg [dreg:$0x1];
	p0 =	sne.s32 s2, $0x0  }
0xb5: {  	s3 =	rddreg [dreg:$0x2];
	[bflag:$0x3] =	sbarrier.arrive $0xFFFF;
	s2 =	simm.s32 @!p0 $0x1C02  }
0xb6: {  	[timem:s3], [sflag:s2] =	dma.local @!p0 [hbm:s0], s1  }
0xb7: {  	s0 =	simm.s32 @!p0 $0x2  }
0xb8: {  	_ =	swait.ge @!p0 [sflag:s0], s1  }
0xb9: {  	s1 =	ssub.s32 @!p0 $0x0, s1;
	[sflag:s0] =	ssyncset.done @!p0 $0x0  }
0xba: {  	[sflag:s0] =	ssyncadd.s32 @!p0 s1  }
0xbb: {  	[bflag:$0x3] =	sbarrier.arrive $0xFFFF  }
0xbc: {  	_ =	shalt  }

</sc_bundles>
